<compile_context>
chip_gen: v7x
topology: tpu7x:2x2x1
jax: 0.10.2.dev20260603
libtpu: 0.0.44.dev20260713+nightly
codegen_flags: <defaults>
</compile_context>

<pallas_src>
import functools

import jax
import jax.numpy as jnp
from jax import lax
from jax.experimental import pallas as pl
from jax.experimental.pallas import tpu as pltpu
from jax.experimental.pallas import tpu_sc as plsc

_K = 20
_EPS = 1e-5
_B = 8
_N = 2048
_BN = _B * _N
_TR = 256
_NT = _BN // _TR
_NW = 32
_PW = _BN // _NW
_GP = 4
_GI = _GP * _K
_NG = _PW // _GP
_SB = 8
_NSB = _NG // _SB
_HI = lax.Precision.DEFAULT


def _lrelu(x):
    return jnp.where(x >= 0, x, 0.2 * x)


def _tree_sum0(x):
    while x.shape[0] > 1:
        n = x.shape[0]
        h = n // 2
        if n % 2:
            x = jnp.concatenate([x[:h] + x[h:2 * h], x[2 * h:]], axis=0)
        else:
            x = x[:h] + x[h:]
    return x[0]


def _knn_body(xt_ref, xf_ref, idx_ref):
    b = pl.program_id(0)
    xt = xt_ref[0]
    xf = xf_ref[0]
    dot = lax.dot_general(xt, xf, (((0,), (0,)), ((), ())), precision=_HI)
    xx_r = jnp.sum(xt * xt, axis=0)[:, None]
    xx_f = jnp.sum(xf * xf, axis=0)[None, :]
    vals = -xx_r - (-2.0 * dot) - xx_f
    iota = lax.broadcasted_iota(jnp.int32, (_TR, _N), 1)
    sels = []
    for _ in range(_K):
        m = jnp.max(vals, axis=1, keepdims=True)
        cand = jnp.where(vals == m, iota, _N)
        sel = jnp.min(cand, axis=1, keepdims=True)
        sels.append(sel)
        vals = jnp.where(cand == sel, -jnp.inf, vals)
    idx_ref[0] = jnp.concatenate(sels, axis=1) + b * _N


def _knn(xc):
    c = xc.shape[1]
    return pl.pallas_call(
        _knn_body,
        grid=(_B, _N // _TR),
        in_specs=[
            pl.BlockSpec((1, c, _TR), lambda b, r: (b, 0, r)),
            pl.BlockSpec((1, c, _N), lambda b, r: (b, 0, 0)),
        ],
        out_specs=pl.BlockSpec((1, _TR, _K), lambda b, r: (b, r, 0)),
        out_shape=jax.ShapeDtypeStruct((_B, _N, _K), jnp.int32),
    )(xc, xc)


_EW = _BN * _K // _NW
_NG2 = _EW // _GI


def _gather_rows():
    mesh = plsc.VectorSubcoreMesh(core_axis_name="c", subcore_axis_name="s")

    @functools.partial(
        pl.kernel,
        out_type=jax.ShapeDtypeStruct((_BN * _K, 128), jnp.float32),
        mesh=mesh,
        scratch_types=(
            pltpu.VMEM((_NG2, _GI), jnp.int32),
            pltpu.VMEM((_GI, 128), jnp.float32),
            pltpu.VMEM((_GI, 128), jnp.float32),
            pltpu.SemaphoreType.DMA,
            pltpu.SemaphoreType.DMA,
        ),
    )
    def kern(x_hbm, idx_hbm, f_hbm, idxv, buf_a, buf_b, sem_a, sem_b):
        wid = lax.axis_index("s") * 2 + lax.axis_index("c")
        ebase = wid * _EW
        pltpu.sync_copy(idx_hbm.at[wid], idxv)
        pltpu.make_async_copy(x_hbm.at[idxv.at[0]], buf_a, sem_a).start()

        def g_body(gi, _):
            g = gi * 2
            pltpu.make_async_copy(x_hbm.at[idxv.at[g + 1]], buf_b, sem_b).start()
            pltpu.make_async_copy(x_hbm.at[idxv.at[g]], buf_a, sem_a).wait()
            pltpu.sync_copy(buf_a, f_hbm.at[pl.ds(ebase + g * _GI, _GI), :])

            @pl.when(g + 2 < _NG2)
            def _():
                pltpu.make_async_copy(
                    x_hbm.at[idxv.at[g + 2]], buf_a, sem_a).start()

            pltpu.make_async_copy(x_hbm.at[idxv.at[g + 1]], buf_b, sem_b).wait()
            pltpu.sync_copy(buf_b, f_hbm.at[pl.ds(ebase + (g + 1) * _GI, _GI), :])
            return 0
        lax.fori_loop(0, _NG2 // 2, g_body, 0)

    return kern


_TP = 64
_NPT = _N // _TP
_NPS = _B * _NPT


def _edge_mlp(c, o):
    def body(fj_ref, xi_ref, w_ref, mz_ref, z_ref):
        fj = fj_ref[0][:, :, :c]
        xi = jnp.broadcast_to(xi_ref[0][None], (_K, _TP, c))
        f2 = jnp.concatenate([fj, xi], axis=2).reshape(_K * _TP, 2 * c)
        z = lax.dot_general(f2, w_ref[...], (((1,), (1,)), ((), ())),
                            precision=_HI)
        z3 = z.reshape(_K, _TP, o)
        mz_ref[0] = jnp.max(z3, axis=0)
        z_ref[0] = z3

    return pl.pallas_call(
        body,
        grid=(_B, _NPT),
        in_specs=[
            pl.BlockSpec((1, _K, _TP, 128), lambda b, t: (b, 0, t, 0)),
            pl.BlockSpec((1, _TP, c), lambda b, t: (b, t, 0)),
            pl.BlockSpec((o, 2 * c), lambda b, t: (0, 0)),
        ],
        out_specs=[
            pl.BlockSpec((1, _TP, o), lambda b, t: (b, t, 0)),
            pl.BlockSpec((1, _K, _TP, o), lambda b, t: (b, 0, t, 0)),
        ],
        out_shape=[
            jax.ShapeDtypeStruct((_B, _N, o), jnp.float32),
            jax.ShapeDtypeStruct((_B, _K, _N, o), jnp.float32),
        ],
    )


def _norm_body(mz_ref, m_ref, v_ref, out_ref):
    m = m_ref[...][0]
    s = jnp.sqrt(v_ref[...][0] + _EPS)
    t = (mz_ref[...] - m[None, :]) / s[None, :]
    out_ref[...] = _lrelu(t)


def _normalize(maxz, m, v):
    o = maxz.shape[-1]
    return pl.pallas_call(
        _norm_body,
        grid=(_NT,),
        in_specs=[
            pl.BlockSpec((_TR, o), lambda t: (t, 0)),
            pl.BlockSpec((1, o), lambda t: (0, 0)),
            pl.BlockSpec((1, o), lambda t: (0, 0)),
        ],
        out_specs=pl.BlockSpec((_TR, o), lambda t: (t, 0)),
        out_shape=jax.ShapeDtypeStruct((_BN, o), jnp.float32),
    )(maxz, m, v)


def _conv5_body(x1_ref, x2_ref, x3_ref, x4_ref, w5t_ref,
                h5_ref, psum_ref, psq_ref):
    xc = jnp.concatenate(
        [x1_ref[...], x2_ref[...], x3_ref[...], x4_ref[...]], axis=1)
    h = lax.dot_general(xc, w5t_ref[...], (((1,), (0,)), ((), ())),
                        precision=_HI)
    h5_ref[...] = h
    psum_ref[0] = _tree_sum0(h.reshape(_TR, 1, 128))
    psq_ref[0] = _tree_sum0((h * h).reshape(_TR, 1, 128))


def _conv5(x1, x2, x3, x4, w5t):
    return pl.pallas_call(
        _conv5_body,
        grid=(_NT,),
        in_specs=[
            pl.BlockSpec((_TR, 64), lambda t: (t, 0)),
            pl.BlockSpec((_TR, 64), lambda t: (t, 0)),
            pl.BlockSpec((_TR, 128), lambda t: (t, 0)),
            pl.BlockSpec((_TR, 256), lambda t: (t, 0)),
            pl.BlockSpec((512, 128), lambda t: (0, 0)),
        ],
        out_specs=[
            pl.BlockSpec((_TR, 128), lambda t: (t, 0)),
            pl.BlockSpec((1, 1, 128), lambda t: (t, 0, 0)),
            pl.BlockSpec((1, 1, 128), lambda t: (t, 0, 0)),
        ],
        out_shape=[
            jax.ShapeDtypeStruct((_BN, 128), jnp.float32),
            jax.ShapeDtypeStruct((_NT, 1, 128), jnp.float32),
            jax.ShapeDtypeStruct((_NT, 1, 128), jnp.float32),
        ],
    )(x1, x2, x3, x4, w5t)


def _pool_body(h5_ref, psum_ref, psq_ref, pmax_ref, pmean_ref):
    inv_n = 1.0 / float(_BN)
    m = _tree_sum0(psum_ref[...][:, 0, :]) * inv_n
    v = _tree_sum0(psq_ref[...][:, 0, :]) * inv_n - m * m
    s = jnp.sqrt(v + _EPS)
    h = _lrelu((h5_ref[...] - m[None, :]) / s[None, :])
    pmax_ref[0] = jnp.max(h, axis=0, keepdims=True)
    pmean_ref[0] = _tree_sum0(h.reshape(_TR, 1, 128))


def _pool(h5, psum, psq):
    return pl.pallas_call(
        _pool_body,
        grid=(_NT,),
        in_specs=[
            pl.BlockSpec((_TR, 128), lambda t: (t, 0)),
            pl.BlockSpec((_NT, 1, 128), lambda t: (0, 0, 0)),
            pl.BlockSpec((_NT, 1, 128), lambda t: (0, 0, 0)),
        ],
        out_specs=[
            pl.BlockSpec((1, 1, 128), lambda t: (t, 0, 0)),
            pl.BlockSpec((1, 1, 128), lambda t: (t, 0, 0)),
        ],
        out_shape=[
            jax.ShapeDtypeStruct((_NT, 1, 128), jnp.float32),
            jax.ShapeDtypeStruct((_NT, 1, 128), jnp.float32),
        ],
    )(h5, psum, psq)


def _bn0(x):
    m = jnp.mean(x, axis=0, keepdims=True)
    v = jnp.var(x, axis=0, keepdims=True)
    return (x - m) / jnp.sqrt(v + _EPS)


def _head_body(pmax_ref, pmean_ref, l1_ref, l2w_ref, l2b_ref, l3w_ref,
               l3b_ref, l4w_ref, l4b_ref, l5w_ref, l5b_ref, out_ref):
    pm = pmax_ref[...].reshape(_B, _N // _TR, 128)
    p1 = jnp.max(pm, axis=1)
    ps = pmean_ref[...].reshape(_B, _N // _TR, 128)
    p2 = jnp.sum(ps, axis=1) * (1.0 / float(_N))
    h = jnp.concatenate([p1, p2], axis=1)
    h = _lrelu(_bn0(lax.dot_general(h, l1_ref[...], (((1,), (1,)), ((), ())),
                                    precision=_HI)))
    h = _lrelu(_bn0(lax.dot_general(h, l2w_ref[...], (((1,), (1,)), ((), ())),
                                    precision=_HI) + l2b_ref[...][None, :]))
    h = lax.dot_general(h, l3w_ref[...], (((1,), (1,)), ((), ())),
                        precision=_HI) + l3b_ref[...][None, :]
    h = lax.dot_general(h, l4w_ref[...], (((1,), (1,)), ((), ())),
                        precision=_HI) + l4b_ref[...][None, :]
    h = lax.dot_general(h, l5w_ref[...], (((1,), (1,)), ((), ())),
                        precision=_HI) + l5b_ref[...][None, :]
    out_ref[...] = h


def _head(pmax, pmean, L1, L2w, L2b, L3w, L3b, L4w, L4b, L5w, L5b):
    return pl.pallas_call(
        _head_body,
        out_shape=jax.ShapeDtypeStruct((_B, 40), jnp.float32),
    )(pmax, pmean, L1, L2w, L2b, L3w, L3b, L4w, L4b, L5w, L5b)


def _edgeconv(xt, w):
    c = xt.shape[-1]
    o = w.shape[0]
    idx = _knn(jnp.transpose(xt, (0, 2, 1)))
    idx_km = jnp.transpose(idx, (0, 2, 1))
    xpad = xt.reshape(_BN, c)
    if c < 128:
        xpad = jnp.pad(xpad, ((0, 0), (0, 128 - c)))
    f = _gather_rows()(xpad, idx_km.reshape(_NW, _NG2, _GI))
    maxz, z = _edge_mlp(c, o)(f.reshape(_B, _K, _N, 128), xt, w)
    zt = jnp.transpose(z, (0, 3, 2, 1))
    m = jnp.mean(zt, axis=(0, 2, 3))[None]
    v = jnp.var(zt, axis=(0, 2, 3))[None]
    xn = _normalize(maxz.reshape(_BN, o), m, v)
    return xn.reshape(_B, _N, o)


def kernel(x, W1, W2, W3, W4, W5, L1, L2w, L2b, L3w, L3b, L4w, L4b, L5w, L5b):
    xt = jnp.transpose(x, (0, 2, 1))
    x1 = _edgeconv(xt, W1)
    x2 = _edgeconv(x1, W2)
    x3 = _edgeconv(x2, W3)
    x4 = _edgeconv(x3, W4)
    h5, psum, psq = _conv5(x1.reshape(_BN, 64), x2.reshape(_BN, 64),
                           x3.reshape(_BN, 128), x4.reshape(_BN, 256),
                           jnp.transpose(W5))
    pmax, pmean = _pool(h5, psum, psq)
    return _head(pmax, pmean, L1, L2w, L2b, L3w, L3b, L4w, L4b, L5w, L5b)

# --- scband reference (transcript-rebuilt; emitter-appended) ---
"""Pipeline reference for scband-dgcnn-cls-7206955123075 (READ-ONLY COPY).

The authoritative reference and input builder live on the scoring server;
editing this copy changes nothing except your own understanding.
"""

import jax, jax.numpy as jnp
import numpy as np

K = 20
EPS = 1e-5

def lrelu(x):
    return jnp.where(x >= 0, x, 0.2 * x)

def bn(x, axes):
    m = jnp.mean(x, axis=axes, keepdims=True)
    v = jnp.var(x, axis=axes, keepdims=True)
    return (x - m) / jnp.sqrt(v + EPS)

def knn(x, k):
    # x: [B, C, N]
    inner = -2.0 * jnp.einsum('bcn,bcm->bnm', x, x)
    xx = jnp.sum(x ** 2, axis=1, keepdims=True)  # [B,1,N]
    pd = -xx - inner - jnp.transpose(xx, (0, 2, 1))  # [B,N,N]
    idx = jax.lax.top_k(pd, k)[1]  # [B,N,k]
    return idx

def get_graph_feature(x, k):
    # x: [B, C, N] -> [B, 2C, N, k]
    idx = knn(x, k)
    x_t = jnp.transpose(x, (0, 2, 1))  # [B,N,C]
    feature = jax.vmap(lambda xt, id_: xt[id_])(x_t, idx)  # [B,N,k,C]
    center = jnp.broadcast_to(x_t[:, :, None, :], feature.shape)
    out = jnp.concatenate([feature, center], axis=3)  # [B,N,k,2C]
    return jnp.transpose(out, (0, 3, 1, 2))

def setup_inputs(seed: int = 0) -> dict:
    key = jax.random.key(seed)
    ks = [jax.random.fold_in(key, i) for i in range(16)]
    B, N = 8, 2048
    inp = {}
    inp['x'] = jax.random.normal(ks[0], (B, 3, N), dtype=jnp.float32)
    s = 0.1
    inp['W1'] = jax.random.normal(ks[1], (64, 6), dtype=jnp.float32) * s
    inp['W2'] = jax.random.normal(ks[2], (64, 128), dtype=jnp.float32) * s
    inp['W3'] = jax.random.normal(ks[3], (128, 128), dtype=jnp.float32) * s
    inp['W4'] = jax.random.normal(ks[4], (256, 256), dtype=jnp.float32) * s
    inp['W5'] = jax.random.normal(ks[5], (128, 512), dtype=jnp.float32) * s
    inp['L1'] = jax.random.normal(ks[6], (512, 256), dtype=jnp.float32) * s
    inp['L2w'] = jax.random.normal(ks[7], (256, 512), dtype=jnp.float32) * s
    inp['L2b'] = jax.random.normal(ks[8], (256,), dtype=jnp.float32) * s
    inp['L3w'] = jax.random.normal(ks[9], (128, 256), dtype=jnp.float32) * s
    inp['L3b'] = jax.random.normal(ks[10], (128,), dtype=jnp.float32) * s
    inp['L4w'] = jax.random.normal(ks[11], (32, 128), dtype=jnp.float32) * s
    inp['L4b'] = jax.random.normal(ks[12], (32,), dtype=jnp.float32) * s
    inp['L5w'] = jax.random.normal(ks[13], (40, 32), dtype=jnp.float32) * s
    inp['L5b'] = jax.random.normal(ks[14], (40,), dtype=jnp.float32) * s
    return inp

def reference(x, W1, W2, W3, W4, W5, L1, L2w, L2b, L3w, L3b, L4w, L4b, L5w, L5b):
    # x: [B, 3, N]
    f = get_graph_feature(x, K)                                  # [B,6,N,k]
    h = lrelu(bn(jnp.einsum('oc,bcnk->bonk', W1, f), (0, 2, 3)))
    x1 = jnp.max(h, axis=-1)                                     # [B,64,N]
    f = get_graph_feature(x1, K)                                 # [B,128,N,k]
    h = lrelu(bn(jnp.einsum('oc,bcnk->bonk', W2, f), (0, 2, 3)))
    x2 = jnp.max(h, axis=-1)                                     # [B,64,N]
    f = get_graph_feature(x2, K)
    h = lrelu(bn(jnp.einsum('oc,bcnk->bonk', W3, f), (0, 2, 3)))
    x3 = jnp.max(h, axis=-1)                                     # [B,128,N]
    f = get_graph_feature(x3, K)
    h = lrelu(bn(jnp.einsum('oc,bcnk->bonk', W4, f), (0, 2, 3)))
    x4 = jnp.max(h, axis=-1)                                     # [B,256,N]
    xc = jnp.concatenate([x1, x2, x3, x4], axis=1)               # [B,512,N]
    h5 = lrelu(bn(jnp.einsum('oc,bcn->bon', W5, xc), (0, 2)))    # [B,128,N]
    p1 = jnp.max(h5, axis=-1)
    p2 = jnp.mean(h5, axis=-1)
    h = jnp.concatenate([p1, p2], axis=1)                        # [B,256]
    h = lrelu(bn(h @ L1.T, (0,)))
    h = lrelu(bn(h @ L2w.T + L2b, (0,)))  # dropout = identity (eval)
    h = h @ L3w.T + L3b
    h = h @ L4w.T + L4b
    h = h @ L5w.T + L5b
    return h

if __name__ == "__main__":
    import jax
    _d = setup_inputs()
    print(jax.jit(kernel)(*tuple(_d.values())))

</pallas_src>

<mosaic_0001>
#map = affine_map<(d0, d1) -> (0, 0)>
#map1 = affine_map<(d0, d1) -> (0, 0, 0)>
module attributes {stable_mosaic.version = 14 : i64} {
  func.func @kern(%arg0: i32, %arg1: i32, %arg2: memref<16384x128xf32, #tpu.memory_space<hbm>>, %arg3: memref<32x128x80xi32, #tpu.memory_space<hbm>>, %arg4: memref<327680x128xf32, #tpu.memory_space<hbm>>, %arg5: memref<128x80xi32, #tpu.memory_space<vmem>>, %arg6: memref<80x128xf32, #tpu.memory_space<vmem>>, %arg7: memref<80x128xf32, #tpu.memory_space<vmem>>, %arg8: memref<!tpu.dma_semaphore, #tpu.memory_space<semaphore_mem>>, %arg9: memref<!tpu.dma_semaphore, #tpu.memory_space<semaphore_mem>>) attributes {dimension_semantics = [#tpu.dimension_semantics<core_parallel>, #tpu.dimension_semantics<subcore_parallel>], iteration_bounds = array<i64: 2, 16>, scalar_prefetch = 0 : i64, scratch_operands = 5 : i64, tpu.core_type = #tpu.core_type<sc_vector_subcore>, window_params = [{transform_indices = #map}, {transform_indices = #map1}, {transform_indices = #map}]} {
    %mul3A = arith.constant 2 : i32
    %mul3A_0 = arith.muli %arg1, %mul3A : i32
    %add3A = arith.addi %mul3A_0, %arg0 : i32
    %mul3A_1 = arith.constant 10240 : i32
    %mul3A_2 = arith.muli %add3A, %mul3A_1 : i32
    "tpu.region"() ({
      %run_scoped3A = tpu.sem_alloc : memref<!tpu.dma_semaphore, #tpu.memory_space<semaphore_mem>>
      %dma_start3A_15 = arith.constant 0 : i32
      %dma_start3A_16 = arith.constant 0 : i32
      %dma_start3A_17 = tpu.memref_slice %arg3[%add3A, %dma_start3A_15, %dma_start3A_16] : memref<32x128x80xi32, #tpu.memory_space<hbm>> -> memref<1x128x80xi32, #tpu.memory_space<hbm>>
      %dma_start3A_18 = tpu.memref_squeeze %dma_start3A_17 : memref<1x128x80xi32, #tpu.memory_space<hbm>> -> memref<128x80xi32, #tpu.memory_space<hbm>>
      %dma_start3A_19 = arith.constant 0 : i32
      %dma_start3A_20 = arith.constant 0 : i32
      %dma_start3A_21 = tpu.memref_slice %arg3[%add3A, %dma_start3A_19, %dma_start3A_20] : memref<32x128x80xi32, #tpu.memory_space<hbm>> -> memref<1x128x80xi32, #tpu.memory_space<hbm>>
      %dma_start3A_22 = tpu.memref_squeeze %dma_start3A_21 : memref<1x128x80xi32, #tpu.memory_space<hbm>> -> memref<128x80xi32, #tpu.memory_space<hbm>>
      tpu.enqueue_dma source(%dma_start3A_22 : memref<128x80xi32, #tpu.memory_space<hbm>>) target(%arg5 : memref<128x80xi32, #tpu.memory_space<vmem>>) target_semaphore(%run_scoped3A : memref<!tpu.dma_semaphore, #tpu.memory_space<semaphore_mem>>)
      %dma_wait3A = arith.constant 0 : i32
      %dma_wait3A_23 = arith.constant 0 : i32
      %dma_wait3A_24 = tpu.memref_slice %arg3[%add3A, %dma_wait3A, %dma_wait3A_23] : memref<32x128x80xi32, #tpu.memory_space<hbm>> -> memref<1x128x80xi32, #tpu.memory_space<hbm>>
      %dma_wait3A_25 = tpu.memref_squeeze %dma_wait3A_24 : memref<1x128x80xi32, #tpu.memory_space<hbm>> -> memref<128x80xi32, #tpu.memory_space<hbm>>
      %dma_wait3A_26 = arith.constant 0 : i32
      %dma_wait3A_27 = arith.constant 0 : i32
      %dma_wait3A_28 = tpu.memref_slice %arg3[%add3A, %dma_wait3A_26, %dma_wait3A_27] : memref<32x128x80xi32, #tpu.memory_space<hbm>> -> memref<1x128x80xi32, #tpu.memory_space<hbm>>
      %dma_wait3A_29 = tpu.memref_squeeze %dma_wait3A_28 : memref<1x128x80xi32, #tpu.memory_space<hbm>> -> memref<128x80xi32, #tpu.memory_space<hbm>>
      tpu.wait_dma2 semaphore(%run_scoped3A : memref<!tpu.dma_semaphore, #tpu.memory_space<semaphore_mem>>) src(%dma_wait3A_29 : memref<128x80xi32, #tpu.memory_space<hbm>>) dst(%arg5 : memref<128x80xi32, #tpu.memory_space<vmem>>)
      tpu.yield
    }) : () -> ()
    %dma_start3A = arith.constant 0 : i32
    %dma_start3A_3 = arith.constant 0 : i32
    %dma_start3A_4 = tpu.memref_slice %arg5[%dma_start3A, %dma_start3A_3] : memref<128x80xi32, #tpu.memory_space<vmem>> -> memref<1x80xi32, #tpu.memory_space<vmem>>
    %dma_start3A_5 = tpu.memref_squeeze %dma_start3A_4 : memref<1x80xi32, #tpu.memory_space<vmem>> -> memref<80xi32, #tpu.memory_space<vmem>>
    %dma_start3A_6 = arith.constant 0 : i32
    %dma_start3A_7 = arith.constant 0 : i32
    %dma_start3A_8 = tpu.memref_slice %arg2[%dma_start3A_6, %dma_start3A_7] : memref<16384x128xf32, #tpu.memory_space<hbm>> -> memref<16384x128xf32, #tpu.memory_space<hbm>>
    tpu.enqueue_indirect_dma source(%dma_start3A_8 : memref<16384x128xf32, #tpu.memory_space<hbm>>) target(%arg6 : memref<80x128xf32, #tpu.memory_space<vmem>>) offsets(%dma_start3A_5 : memref<80xi32, #tpu.memory_space<vmem>>) semaphore(%arg8 : memref<!tpu.dma_semaphore, #tpu.memory_space<semaphore_mem>>)
    %scan3A = arith.constant 0 : i32
    %scan3A_9 = arith.constant 0 : i32
    %scan3A_10 = arith.constant 64 : i32
    %scan3A_11 = arith.addi %scan3A_9, %scan3A_10 : i32
    %scan3A_12 = arith.constant 1 : i32
    %scan3A_13 = scf.for %scan3A_15 = %scan3A_9 to %scan3A_11 step %scan3A_12 iter_args(%scan3A_16 = %scan3A) -> (i32)  : i32 {
      %mul3A_17 = arith.constant 2 : i32
      %mul3A_18 = arith.muli %scan3A_15, %mul3A_17 : i32
      %add3A_19 = arith.constant 1 : i32
      %add3A_20 = arith.addi %mul3A_18, %add3A_19 : i32
      %dma_start3A_21 = arith.constant 0 : i32
      %dma_start3A_22 = tpu.memref_slice %arg5[%add3A_20, %dma_start3A_21] : memref<128x80xi32, #tpu.memory_space<vmem>> -> memref<1x80xi32, #tpu.memory_space<vmem>>
      %dma_start3A_23 = tpu.memref_squeeze %dma_start3A_22 : memref<1x80xi32, #tpu.memory_space<vmem>> -> memref<80xi32, #tpu.memory_space<vmem>>
      %dma_start3A_24 = arith.constant 0 : i32
      %dma_start3A_25 = arith.constant 0 : i32
      %dma_start3A_26 = tpu.memref_slice %arg2[%dma_start3A_24, %dma_start3A_25] : memref<16384x128xf32, #tpu.memory_space<hbm>> -> memref<16384x128xf32, #tpu.memory_space<hbm>>
      tpu.enqueue_indirect_dma source(%dma_start3A_26 : memref<16384x128xf32, #tpu.memory_space<hbm>>) target(%arg7 : memref<80x128xf32, #tpu.memory_space<vmem>>) offsets(%dma_start3A_23 : memref<80xi32, #tpu.memory_space<vmem>>) semaphore(%arg9 : memref<!tpu.dma_semaphore, #tpu.memory_space<semaphore_mem>>)
      %dma_wait3A = arith.constant 0 : i32
      %dma_wait3A_27 = tpu.memref_slice %arg5[%mul3A_18, %dma_wait3A] : memref<128x80xi32, #tpu.memory_space<vmem>> -> memref<1x80xi32, #tpu.memory_space<vmem>>
      %dma_wait3A_28 = tpu.memref_squeeze %dma_wait3A_27 : memref<1x80xi32, #tpu.memory_space<vmem>> -> memref<80xi32, #tpu.memory_space<vmem>>
      %dma_wait3A_29 = arith.constant 0 : i32
      %dma_wait3A_30 = arith.constant 0 : i32
      %dma_wait3A_31 = tpu.memref_slice %arg2[%dma_wait3A_29, %dma_wait3A_30] : memref<16384x128xf32, #tpu.memory_space<hbm>> -> memref<16384x128xf32, #tpu.memory_space<hbm>>
      tpu.wait_indirect_dma semaphore(%arg8 : memref<!tpu.dma_semaphore, #tpu.memory_space<semaphore_mem>>) src(%dma_wait3A_31 : memref<16384x128xf32, #tpu.memory_space<hbm>>) dst(%arg6 : memref<80x128xf32, #tpu.memory_space<vmem>>)
      %mul3A_32 = arith.constant 80 : i32
      %mul3A_33 = arith.muli %mul3A_18, %mul3A_32 : i32
      %add3A_34 = arith.addi %mul3A_2, %mul3A_33 : i32
      "tpu.region"() ({
        %run_scoped3A = tpu.sem_alloc : memref<!tpu.dma_semaphore, #tpu.memory_space<semaphore_mem>>
        %dma_start3A_53 = arith.constant 0 : i32
        %dma_start3A_54 = tpu.memref_slice %arg4[%add3A_34, %dma_start3A_53] : memref<327680x128xf32, #tpu.memory_space<hbm>> -> memref<80x128xf32, #tpu.memory_space<hbm>>
        %dma_start3A_55 = arith.constant 0 : i32
        %dma_start3A_56 = tpu.memref_slice %arg4[%add3A_34, %dma_start3A_55] : memref<327680x128xf32, #tpu.memory_space<hbm>> -> memref<80x128xf32, #tpu.memory_space<hbm>>
        tpu.enqueue_dma source(%arg6 : memref<80x128xf32, #tpu.memory_space<vmem>>) target(%dma_start3A_56 : memref<80x128xf32, #tpu.memory_space<hbm>>) target_semaphore(%run_scoped3A : memref<!tpu.dma_semaphore, #tpu.memory_space<semaphore_mem>>)
        %dma_wait3A_57 = arith.constant 0 : i32
        %dma_wait3A_58 = tpu.memref_slice %arg4[%add3A_34, %dma_wait3A_57] : memref<327680x128xf32, #tpu.memory_space<hbm>> -> memref<80x128xf32, #tpu.memory_space<hbm>>
        %dma_wait3A_59 = arith.constant 0 : i32
        %dma_wait3A_60 = tpu.memref_slice %arg4[%add3A_34, %dma_wait3A_59] : memref<327680x128xf32, #tpu.memory_space<hbm>> -> memref<80x128xf32, #tpu.memory_space<hbm>>
        tpu.wait_dma2 semaphore(%run_scoped3A : memref<!tpu.dma_semaphore, #tpu.memory_space<semaphore_mem>>) src(%arg6 : memref<80x128xf32, #tpu.memory_space<vmem>>) dst(%dma_wait3A_60 : memref<80x128xf32, #tpu.memory_space<hbm>>)
        tpu.yield
      }) : () -> ()
      %add3A_35 = arith.constant 2 : i32
      %add3A_36 = arith.addi %mul3A_18, %add3A_35 : i32
      %lt3A = arith.constant 128 : i32
      %lt3A_37 = arith.cmpi slt, %add3A_36, %lt3A : i32
      %convert_element_type3A = arith.extui %lt3A_37 : i1 to i32
      %cond3A = arith.constant 0 : i32
      %cond3A_38 = arith.cmpi ne, %convert_element_type3A, %cond3A : i32
      scf.if %cond3A_38 {
        %add3A_53 = arith.constant 2 : i32
        %add3A_54 = arith.addi %mul3A_18, %add3A_53 : i32
        %dma_start3A_55 = arith.constant 0 : i32
        %dma_start3A_56 = tpu.memref_slice %arg5[%add3A_54, %dma_start3A_55] : memref<128x80xi32, #tpu.memory_space<vmem>> -> memref<1x80xi32, #tpu.memory_space<vmem>>
        %dma_start3A_57 = tpu.memref_squeeze %dma_start3A_56 : memref<1x80xi32, #tpu.memory_space<vmem>> -> memref<80xi32, #tpu.memory_space<vmem>>
        %dma_start3A_58 = arith.constant 0 : i32
        %dma_start3A_59 = arith.constant 0 : i32
        %dma_start3A_60 = tpu.memref_slice %arg2[%dma_start3A_58, %dma_start3A_59] : memref<16384x128xf32, #tpu.memory_space<hbm>> -> memref<16384x128xf32, #tpu.memory_space<hbm>>
        tpu.enqueue_indirect_dma source(%dma_start3A_60 : memref<16384x128xf32, #tpu.memory_space<hbm>>) target(%arg6 : memref<80x128xf32, #tpu.memory_space<vmem>>) offsets(%dma_start3A_57 : memref<80xi32, #tpu.memory_space<vmem>>) semaphore(%arg8 : memref<!tpu.dma_semaphore, #tpu.memory_space<semaphore_mem>>)
      } else {
      }
      %add3A_39 = arith.constant 1 : i32
      %add3A_40 = arith.addi %mul3A_18, %add3A_39 : i32
      %dma_wait3A_41 = arith.constant 0 : i32
      %dma_wait3A_42 = tpu.memref_slice %arg5[%add3A_40, %dma_wait3A_41] : memref<128x80xi32, #tpu.memory_space<vmem>> -> memref<1x80xi32, #tpu.memory_space<vmem>>
      %dma_wait3A_43 = tpu.memref_squeeze %dma_wait3A_42 : memref<1x80xi32, #tpu.memory_space<vmem>> -> memref<80xi32, #tpu.memory_space<vmem>>
      %dma_wait3A_44 = arith.constant 0 : i32
      %dma_wait3A_45 = arith.constant 0 : i32
      %dma_wait3A_46 = tpu.memref_slice %arg2[%dma_wait3A_44, %dma_wait3A_45] : memref<16384x128xf32, #tpu.memory_space<hbm>> -> memref<16384x128xf32, #tpu.memory_space<hbm>>
      tpu.wait_indirect_dma semaphore(%arg9 : memref<!tpu.dma_semaphore, #tpu.memory_space<semaphore_mem>>) src(%dma_wait3A_46 : memref<16384x128xf32, #tpu.memory_space<hbm>>) dst(%arg7 : memref<80x128xf32, #tpu.memory_space<vmem>>)
      %add3A_47 = arith.constant 1 : i32
      %add3A_48 = arith.addi %mul3A_18, %add3A_47 : i32
      %mul3A_49 = arith.constant 80 : i32
      %mul3A_50 = arith.muli %add3A_48, %mul3A_49 : i32
      %add3A_51 = arith.addi %mul3A_2, %mul3A_50 : i32
      "tpu.region"() ({
        %run_scoped3A = tpu.sem_alloc : memref<!tpu.dma_semaphore, #tpu.memory_space<semaphore_mem>>
        %dma_start3A_53 = arith.constant 0 : i32
        %dma_start3A_54 = tpu.memref_slice %arg4[%add3A_51, %dma_start3A_53] : memref<327680x128xf32, #tpu.memory_space<hbm>> -> memref<80x128xf32, #tpu.memory_space<hbm>>
        %dma_start3A_55 = arith.constant 0 : i32
        %dma_start3A_56 = tpu.memref_slice %arg4[%add3A_51, %dma_start3A_55] : memref<327680x128xf32, #tpu.memory_space<hbm>> -> memref<80x128xf32, #tpu.memory_space<hbm>>
        tpu.enqueue_dma source(%arg7 : memref<80x128xf32, #tpu.memory_space<vmem>>) target(%dma_start3A_56 : memref<80x128xf32, #tpu.memory_space<hbm>>) target_semaphore(%run_scoped3A : memref<!tpu.dma_semaphore, #tpu.memory_space<semaphore_mem>>)
        %dma_wait3A_57 = arith.constant 0 : i32
        %dma_wait3A_58 = tpu.memref_slice %arg4[%add3A_51, %dma_wait3A_57] : memref<327680x128xf32, #tpu.memory_space<hbm>> -> memref<80x128xf32, #tpu.memory_space<hbm>>
        %dma_wait3A_59 = arith.constant 0 : i32
        %dma_wait3A_60 = tpu.memref_slice %arg4[%add3A_51, %dma_wait3A_59] : memref<327680x128xf32, #tpu.memory_space<hbm>> -> memref<80x128xf32, #tpu.memory_space<hbm>>
        tpu.wait_dma2 semaphore(%run_scoped3A : memref<!tpu.dma_semaphore, #tpu.memory_space<semaphore_mem>>) src(%arg7 : memref<80x128xf32, #tpu.memory_space<vmem>>) dst(%dma_wait3A_60 : memref<80x128xf32, #tpu.memory_space<hbm>>)
        tpu.yield
      }) : () -> ()
      %scan3A_52 = arith.constant 0 : i32
      scf.yield %scan3A_52 : i32
    }
    %scan3A_14 = arith.constant 64 : i32
    return
  }
}

#map = affine_map<(d0, d1) -> (0, 0)>
#map1 = affine_map<(d0, d1) -> (0, 0, 0)>
module attributes {stable_mosaic.version = 14 : i64} {
  func.func @kern(%arg0: i32, %arg1: i32, %arg2: memref<16384x128xf32, #tpu.memory_space<hbm>>, %arg3: memref<32x128x80xi32, #tpu.memory_space<hbm>>, %arg4: memref<327680x128xf32, #tpu.memory_space<hbm>>, %arg5: memref<128x80xi32, #tpu.memory_space<vmem>>, %arg6: memref<80x128xf32, #tpu.memory_space<vmem>>, %arg7: memref<80x128xf32, #tpu.memory_space<vmem>>, %arg8: memref<!tpu.dma_semaphore, #tpu.memory_space<semaphore_mem>>, %arg9: memref<!tpu.dma_semaphore, #tpu.memory_space<semaphore_mem>>) attributes {dimension_semantics = [#tpu.dimension_semantics<core_parallel>, #tpu.dimension_semantics<subcore_parallel>], iteration_bounds = array<i64: 2, 16>, scalar_prefetch = 0 : i64, scratch_operands = 5 : i64, tpu.core_type = #tpu.core_type<sc_vector_subcore>, window_params = [{transform_indices = #map}, {transform_indices = #map1}, {transform_indices = #map}]} {
    %mul3A = arith.constant 2 : i32
    %mul3A_0 = arith.muli %arg1, %mul3A : i32
    %add3A = arith.addi %mul3A_0, %arg0 : i32
    %mul3A_1 = arith.constant 10240 : i32
    %mul3A_2 = arith.muli %add3A, %mul3A_1 : i32
    "tpu.region"() ({
      %run_scoped3A = tpu.sem_alloc : memref<!tpu.dma_semaphore, #tpu.memory_space<semaphore_mem>>
      %dma_start3A_15 = arith.constant 0 : i32
      %dma_start3A_16 = arith.constant 0 : i32
      %dma_start3A_17 = tpu.memref_slice %arg3[%add3A, %dma_start3A_15, %dma_start3A_16] : memref<32x128x80xi32, #tpu.memory_space<hbm>> -> memref<1x128x80xi32, #tpu.memory_space<hbm>>
      %dma_start3A_18 = tpu.memref_squeeze %dma_start3A_17 : memref<1x128x80xi32, #tpu.memory_space<hbm>> -> memref<128x80xi32, #tpu.memory_space<hbm>>
      %dma_start3A_19 = arith.constant 0 : i32
      %dma_start3A_20 = arith.constant 0 : i32
      %dma_start3A_21 = tpu.memref_slice %arg3[%add3A, %dma_start3A_19, %dma_start3A_20] : memref<32x128x80xi32, #tpu.memory_space<hbm>> -> memref<1x128x80xi32, #tpu.memory_space<hbm>>
      %dma_start3A_22 = tpu.memref_squeeze %dma_start3A_21 : memref<1x128x80xi32, #tpu.memory_space<hbm>> -> memref<128x80xi32, #tpu.memory_space<hbm>>
      tpu.enqueue_dma source(%dma_start3A_22 : memref<128x80xi32, #tpu.memory_space<hbm>>) target(%arg5 : memref<128x80xi32, #tpu.memory_space<vmem>>) target_semaphore(%run_scoped3A : memref<!tpu.dma_semaphore, #tpu.memory_space<semaphore_mem>>)
      %dma_wait3A = arith.constant 0 : i32
      %dma_wait3A_23 = arith.constant 0 : i32
      %dma_wait3A_24 = tpu.memref_slice %arg3[%add3A, %dma_wait3A, %dma_wait3A_23] : memref<32x128x80xi32, #tpu.memory_space<hbm>> -> memref<1x128x80xi32, #tpu.memory_space<hbm>>
      %dma_wait3A_25 = tpu.memref_squeeze %dma_wait3A_24 : memref<1x128x80xi32, #tpu.memory_space<hbm>> -> memref<128x80xi32, #tpu.memory_space<hbm>>
      %dma_wait3A_26 = arith.constant 0 : i32
      %dma_wait3A_27 = arith.constant 0 : i32
      %dma_wait3A_28 = tpu.memref_slice %arg3[%add3A, %dma_wait3A_26, %dma_wait3A_27] : memref<32x128x80xi32, #tpu.memory_space<hbm>> -> memref<1x128x80xi32, #tpu.memory_space<hbm>>
      %dma_wait3A_29 = tpu.memref_squeeze %dma_wait3A_28 : memref<1x128x80xi32, #tpu.memory_space<hbm>> -> memref<128x80xi32, #tpu.memory_space<hbm>>
      tpu.wait_dma2 semaphore(%run_scoped3A : memref<!tpu.dma_semaphore, #tpu.memory_space<semaphore_mem>>) src(%dma_wait3A_29 : memref<128x80xi32, #tpu.memory_space<hbm>>) dst(%arg5 : memref<128x80xi32, #tpu.memory_space<vmem>>)
      tpu.yield
    }) : () -> ()
    %dma_start3A = arith.constant 0 : i32
    %dma_start3A_3 = arith.constant 0 : i32
    %dma_start3A_4 = tpu.memref_slice %arg5[%dma_start3A, %dma_start3A_3] : memref<128x80xi32, #tpu.memory_space<vmem>> -> memref<1x80xi32, #tpu.memory_space<vmem>>
    %dma_start3A_5 = tpu.memref_squeeze %dma_start3A_4 : memref<1x80xi32, #tpu.memory_space<vmem>> -> memref<80xi32, #tpu.memory_space<vmem>>
    %dma_start3A_6 = arith.constant 0 : i32
    %dma_start3A_7 = arith.constant 0 : i32
    %dma_start3A_8 = tpu.memref_slice %arg2[%dma_start3A_6, %dma_start3A_7] : memref<16384x128xf32, #tpu.memory_space<hbm>> -> memref<16384x128xf32, #tpu.memory_space<hbm>>
    tpu.enqueue_indirect_dma source(%dma_start3A_8 : memref<16384x128xf32, #tpu.memory_space<hbm>>) target(%arg6 : memref<80x128xf32, #tpu.memory_space<vmem>>) offsets(%dma_start3A_5 : memref<80xi32, #tpu.memory_space<vmem>>) semaphore(%arg8 : memref<!tpu.dma_semaphore, #tpu.memory_space<semaphore_mem>>)
    %scan3A = arith.constant 0 : i32
    %scan3A_9 = arith.constant 0 : i32
    %scan3A_10 = arith.constant 64 : i32
    %scan3A_11 = arith.addi %scan3A_9, %scan3A_10 : i32
    %scan3A_12 = arith.constant 1 : i32
    %scan3A_13 = scf.for %scan3A_15 = %scan3A_9 to %scan3A_11 step %scan3A_12 iter_args(%scan3A_16 = %scan3A) -> (i32)  : i32 {
      %mul3A_17 = arith.constant 2 : i32
      %mul3A_18 = arith.muli %scan3A_15, %mul3A_17 : i32
      %add3A_19 = arith.constant 1 : i32
      %add3A_20 = arith.addi %mul3A_18, %add3A_19 : i32
      %dma_start3A_21 = arith.constant 0 : i32
      %dma_start3A_22 = tpu.memref_slice %arg5[%add3A_20, %dma_start3A_21] : memref<128x80xi32, #tpu.memory_space<vmem>> -> memref<1x80xi32, #tpu.memory_space<vmem>>
      %dma_start3A_23 = tpu.memref_squeeze %dma_start3A_22 : memref<1x80xi32, #tpu.memory_space<vmem>> -> memref<80xi32, #tpu.memory_space<vmem>>
      %dma_start3A_24 = arith.constant 0 : i32
      %dma_start3A_25 = arith.constant 0 : i32
      %dma_start3A_26 = tpu.memref_slice %arg2[%dma_start3A_24, %dma_start3A_25] : memref<16384x128xf32, #tpu.memory_space<hbm>> -> memref<16384x128xf32, #tpu.memory_space<hbm>>
      tpu.enqueue_indirect_dma source(%dma_start3A_26 : memref<16384x128xf32, #tpu.memory_space<hbm>>) target(%arg7 : memref<80x128xf32, #tpu.memory_space<vmem>>) offsets(%dma_start3A_23 : memref<80xi32, #tpu.memory_space<vmem>>) semaphore(%arg9 : memref<!tpu.dma_semaphore, #tpu.memory_space<semaphore_mem>>)
      %dma_wait3A = arith.constant 0 : i32
      %dma_wait3A_27 = tpu.memref_slice %arg5[%mul3A_18, %dma_wait3A] : memref<128x80xi32, #tpu.memory_space<vmem>> -> memref<1x80xi32, #tpu.memory_space<vmem>>
      %dma_wait3A_28 = tpu.memref_squeeze %dma_wait3A_27 : memref<1x80xi32, #tpu.memory_space<vmem>> -> memref<80xi32, #tpu.memory_space<vmem>>
      %dma_wait3A_29 = arith.constant 0 : i32
      %dma_wait3A_30 = arith.constant 0 : i32
      %dma_wait3A_31 = tpu.memref_slice %arg2[%dma_wait3A_29, %dma_wait3A_30] : memref<16384x128xf32, #tpu.memory_space<hbm>> -> memref<16384x128xf32, #tpu.memory_space<hbm>>
      tpu.wait_indirect_dma semaphore(%arg8 : memref<!tpu.dma_semaphore, #tpu.memory_space<semaphore_mem>>) src(%dma_wait3A_31 : memref<16384x128xf32, #tpu.memory_space<hbm>>) dst(%arg6 : memref<80x128xf32, #tpu.memory_space<vmem>>)
      %mul3A_32 = arith.constant 80 : i32
      %mul3A_33 = arith.muli %mul3A_18, %mul3A_32 : i32
      %add3A_34 = arith.addi %mul3A_2, %mul3A_33 : i32
      "tpu.region"() ({
        %run_scoped3A = tpu.sem_alloc : memref<!tpu.dma_semaphore, #tpu.memory_space<semaphore_mem>>
        %dma_start3A_53 = arith.constant 0 : i32
        %dma_start3A_54 = tpu.memref_slice %arg4[%add3A_34, %dma_start3A_53] : memref<327680x128xf32, #tpu.memory_space<hbm>> -> memref<80x128xf32, #tpu.memory_space<hbm>>
        %dma_start3A_55 = arith.constant 0 : i32
        %dma_start3A_56 = tpu.memref_slice %arg4[%add3A_34, %dma_start3A_55] : memref<327680x128xf32, #tpu.memory_space<hbm>> -> memref<80x128xf32, #tpu.memory_space<hbm>>
        tpu.enqueue_dma source(%arg6 : memref<80x128xf32, #tpu.memory_space<vmem>>) target(%dma_start3A_56 : memref<80x128xf32, #tpu.memory_space<hbm>>) target_semaphore(%run_scoped3A : memref<!tpu.dma_semaphore, #tpu.memory_space<semaphore_mem>>)
        %dma_wait3A_57 = arith.constant 0 : i32
        %dma_wait3A_58 = tpu.memref_slice %arg4[%add3A_34, %dma_wait3A_57] : memref<327680x128xf32, #tpu.memory_space<hbm>> -> memref<80x128xf32, #tpu.memory_space<hbm>>
        %dma_wait3A_59 = arith.constant 0 : i32
        %dma_wait3A_60 = tpu.memref_slice %arg4[%add3A_34, %dma_wait3A_59] : memref<327680x128xf32, #tpu.memory_space<hbm>> -> memref<80x128xf32, #tpu.memory_space<hbm>>
        tpu.wait_dma2 semaphore(%run_scoped3A : memref<!tpu.dma_semaphore, #tpu.memory_space<semaphore_mem>>) src(%arg6 : memref<80x128xf32, #tpu.memory_space<vmem>>) dst(%dma_wait3A_60 : memref<80x128xf32, #tpu.memory_space<hbm>>)
        tpu.yield
      }) : () -> ()
      %add3A_35 = arith.constant 2 : i32
      %add3A_36 = arith.addi %mul3A_18, %add3A_35 : i32
      %lt3A = arith.constant 128 : i32
      %lt3A_37 = arith.cmpi slt, %add3A_36, %lt3A : i32
      %convert_element_type3A = arith.extui %lt3A_37 : i1 to i32
      %cond3A = arith.constant 0 : i32
      %cond3A_38 = arith.cmpi ne, %convert_element_type3A, %cond3A : i32
      scf.if %cond3A_38 {
        %add3A_53 = arith.constant 2 : i32
        %add3A_54 = arith.addi %mul3A_18, %add3A_53 : i32
        %dma_start3A_55 = arith.constant 0 : i32
        %dma_start3A_56 = tpu.memref_slice %arg5[%add3A_54, %dma_start3A_55] : memref<128x80xi32, #tpu.memory_space<vmem>> -> memref<1x80xi32, #tpu.memory_space<vmem>>
        %dma_start3A_57 = tpu.memref_squeeze %dma_start3A_56 : memref<1x80xi32, #tpu.memory_space<vmem>> -> memref<80xi32, #tpu.memory_space<vmem>>
        %dma_start3A_58 = arith.constant 0 : i32
        %dma_start3A_59 = arith.constant 0 : i32
        %dma_start3A_60 = tpu.memref_slice %arg2[%dma_start3A_58, %dma_start3A_59] : memref<16384x128xf32, #tpu.memory_space<hbm>> -> memref<16384x128xf32, #tpu.memory_space<hbm>>
        tpu.enqueue_indirect_dma source(%dma_start3A_60 : memref<16384x128xf32, #tpu.memory_space<hbm>>) target(%arg6 : memref<80x128xf32, #tpu.memory_space<vmem>>) offsets(%dma_start3A_57 : memref<80xi32, #tpu.memory_space<vmem>>) semaphore(%arg8 : memref<!tpu.dma_semaphore, #tpu.memory_space<semaphore_mem>>)
      } else {
      }
      %add3A_39 = arith.constant 1 : i32
      %add3A_40 = arith.addi %mul3A_18, %add3A_39 : i32
      %dma_wait3A_41 = arith.constant 0 : i32
      %dma_wait3A_42 = tpu.memref_slice %arg5[%add3A_40, %dma_wait3A_41] : memref<128x80xi32, #tpu.memory_space<vmem>> -> memref<1x80xi32, #tpu.memory_space<vmem>>
      %dma_wait3A_43 = tpu.memref_squeeze %dma_wait3A_42 : memref<1x80xi32, #tpu.memory_space<vmem>> -> memref<80xi32, #tpu.memory_space<vmem>>
      %dma_wait3A_44 = arith.constant 0 : i32
      %dma_wait3A_45 = arith.constant 0 : i32
      %dma_wait3A_46 = tpu.memref_slice %arg2[%dma_wait3A_44, %dma_wait3A_45] : memref<16384x128xf32, #tpu.memory_space<hbm>> -> memref<16384x128xf32, #tpu.memory_space<hbm>>
      tpu.wait_indirect_dma semaphore(%arg9 : memref<!tpu.dma_semaphore, #tpu.memory_space<semaphore_mem>>) src(%dma_wait3A_46 : memref<16384x128xf32, #tpu.memory_space<hbm>>) dst(%arg7 : memref<80x128xf32, #tpu.memory_space<vmem>>)
      %add3A_47 = arith.constant 1 : i32
      %add3A_48 = arith.addi %mul3A_18, %add3A_47 : i32
      %mul3A_49 = arith.constant 80 : i32
      %mul3A_50 = arith.muli %add3A_48, %mul3A_49 : i32
      %add3A_51 = arith.addi %mul3A_2, %mul3A_50 : i32
      "tpu.region"() ({
        %run_scoped3A = tpu.sem_alloc : memref<!tpu.dma_semaphore, #tpu.memory_space<semaphore_mem>>
        %dma_start3A_53 = arith.constant 0 : i32
        %dma_start3A_54 = tpu.memref_slice %arg4[%add3A_51, %dma_start3A_53] : memref<327680x128xf32, #tpu.memory_space<hbm>> -> memref<80x128xf32, #tpu.memory_space<hbm>>
        %dma_start3A_55 = arith.constant 0 : i32
        %dma_start3A_56 = tpu.memref_slice %arg4[%add3A_51, %dma_start3A_55] : memref<327680x128xf32, #tpu.memory_space<hbm>> -> memref<80x128xf32, #tpu.memory_space<hbm>>
        tpu.enqueue_dma source(%arg7 : memref<80x128xf32, #tpu.memory_space<vmem>>) target(%dma_start3A_56 : memref<80x128xf32, #tpu.memory_space<hbm>>) target_semaphore(%run_scoped3A : memref<!tpu.dma_semaphore, #tpu.memory_space<semaphore_mem>>)
        %dma_wait3A_57 = arith.constant 0 : i32
        %dma_wait3A_58 = tpu.memref_slice %arg4[%add3A_51, %dma_wait3A_57] : memref<327680x128xf32, #tpu.memory_space<hbm>> -> memref<80x128xf32, #tpu.memory_space<hbm>>
        %dma_wait3A_59 = arith.constant 0 : i32
        %dma_wait3A_60 = tpu.memref_slice %arg4[%add3A_51, %dma_wait3A_59] : memref<327680x128xf32, #tpu.memory_space<hbm>> -> memref<80x128xf32, #tpu.memory_space<hbm>>
        tpu.wait_dma2 semaphore(%run_scoped3A : memref<!tpu.dma_semaphore, #tpu.memory_space<semaphore_mem>>) src(%arg7 : memref<80x128xf32, #tpu.memory_space<vmem>>) dst(%dma_wait3A_60 : memref<80x128xf32, #tpu.memory_space<hbm>>)
        tpu.yield
      }) : () -> ()
      %scan3A_52 = arith.constant 0 : i32
      scf.yield %scan3A_52 : i32
    }
    %scan3A_14 = arith.constant 64 : i32
    return
  }
}

#map = affine_map<(d0, d1) -> (0, 0)>
#map1 = affine_map<(d0, d1) -> (0, 0, 0)>
module attributes {stable_mosaic.version = 14 : i64} {
  func.func @kern(%arg0: i32, %arg1: i32, %arg2: memref<16384x128xf32, #tpu.memory_space<hbm>>, %arg3: memref<32x128x80xi32, #tpu.memory_space<hbm>>, %arg4: memref<327680x128xf32, #tpu.memory_space<hbm>>, %arg5: memref<128x80xi32, #tpu.memory_space<vmem>>, %arg6: memref<80x128xf32, #tpu.memory_space<vmem>>, %arg7: memref<80x128xf32, #tpu.memory_space<vmem>>, %arg8: memref<!tpu.dma_semaphore, #tpu.memory_space<semaphore_mem>>, %arg9: memref<!tpu.dma_semaphore, #tpu.memory_space<semaphore_mem>>) attributes {dimension_semantics = [#tpu.dimension_semantics<core_parallel>, #tpu.dimension_semantics<subcore_parallel>], iteration_bounds = array<i64: 2, 16>, scalar_prefetch = 0 : i64, scratch_operands = 5 : i64, tpu.core_type = #tpu.core_type<sc_vector_subcore>, window_params = [{transform_indices = #map}, {transform_indices = #map1}, {transform_indices = #map}]} {
    %mul3A = arith.constant 2 : i32
    %mul3A_0 = arith.muli %arg1, %mul3A : i32
    %add3A = arith.addi %mul3A_0, %arg0 : i32
    %mul3A_1 = arith.constant 10240 : i32
    %mul3A_2 = arith.muli %add3A, %mul3A_1 : i32
    "tpu.region"() ({
      %run_scoped3A = tpu.sem_alloc : memref<!tpu.dma_semaphore, #tpu.memory_space<semaphore_mem>>
      %dma_start3A_15 = arith.constant 0 : i32
      %dma_start3A_16 = arith.constant 0 : i32
      %dma_start3A_17 = tpu.memref_slice %arg3[%add3A, %dma_start3A_15, %dma_start3A_16] : memref<32x128x80xi32, #tpu.memory_space<hbm>> -> memref<1x128x80xi32, #tpu.memory_space<hbm>>
      %dma_start3A_18 = tpu.memref_squeeze %dma_start3A_17 : memref<1x128x80xi32, #tpu.memory_space<hbm>> -> memref<128x80xi32, #tpu.memory_space<hbm>>
      %dma_start3A_19 = arith.constant 0 : i32
      %dma_start3A_20 = arith.constant 0 : i32
      %dma_start3A_21 = tpu.memref_slice %arg3[%add3A, %dma_start3A_19, %dma_start3A_20] : memref<32x128x80xi32, #tpu.memory_space<hbm>> -> memref<1x128x80xi32, #tpu.memory_space<hbm>>
      %dma_start3A_22 = tpu.memref_squeeze %dma_start3A_21 : memref<1x128x80xi32, #tpu.memory_space<hbm>> -> memref<128x80xi32, #tpu.memory_space<hbm>>
      tpu.enqueue_dma source(%dma_start3A_22 : memref<128x80xi32, #tpu.memory_space<hbm>>) target(%arg5 : memref<128x80xi32, #tpu.memory_space<vmem>>) target_semaphore(%run_scoped3A : memref<!tpu.dma_semaphore, #tpu.memory_space<semaphore_mem>>)
      %dma_wait3A = arith.constant 0 : i32
      %dma_wait3A_23 = arith.constant 0 : i32
      %dma_wait3A_24 = tpu.memref_slice %arg3[%add3A, %dma_wait3A, %dma_wait3A_23] : memref<32x128x80xi32, #tpu.memory_space<hbm>> -> memref<1x128x80xi32, #tpu.memory_space<hbm>>
      %dma_wait3A_25 = tpu.memref_squeeze %dma_wait3A_24 : memref<1x128x80xi32, #tpu.memory_space<hbm>> -> memref<128x80xi32, #tpu.memory_space<hbm>>
      %dma_wait3A_26 = arith.constant 0 : i32
      %dma_wait3A_27 = arith.constant 0 : i32
      %dma_wait3A_28 = tpu.memref_slice %arg3[%add3A, %dma_wait3A_26, %dma_wait3A_27] : memref<32x128x80xi32, #tpu.memory_space<hbm>> -> memref<1x128x80xi32, #tpu.memory_space<hbm>>
      %dma_wait3A_29 = tpu.memref_squeeze %dma_wait3A_28 : memref<1x128x80xi32, #tpu.memory_space<hbm>> -> memref<128x80xi32, #tpu.memory_space<hbm>>
      tpu.wait_dma2 semaphore(%run_scoped3A : memref<!tpu.dma_semaphore, #tpu.memory_space<semaphore_mem>>) src(%dma_wait3A_29 : memref<128x80xi32, #tpu.memory_space<hbm>>) dst(%arg5 : memref<128x80xi32, #tpu.memory_space<vmem>>)
      tpu.yield
    }) : () -> ()
    %dma_start3A = arith.constant 0 : i32
    %dma_start3A_3 = arith.constant 0 : i32
    %dma_start3A_4 = tpu.memref_slice %arg5[%dma_start3A, %dma_start3A_3] : memref<128x80xi32, #tpu.memory_space<vmem>> -> memref<1x80xi32, #tpu.memory_space<vmem>>
    %dma_start3A_5 = tpu.memref_squeeze %dma_start3A_4 : memref<1x80xi32, #tpu.memory_space<vmem>> -> memref<80xi32, #tpu.memory_space<vmem>>
    %dma_start3A_6 = arith.constant 0 : i32
    %dma_start3A_7 = arith.constant 0 : i32
    %dma_start3A_8 = tpu.memref_slice %arg2[%dma_start3A_6, %dma_start3A_7] : memref<16384x128xf32, #tpu.memory_space<hbm>> -> memref<16384x128xf32, #tpu.memory_space<hbm>>
    tpu.enqueue_indirect_dma source(%dma_start3A_8 : memref<16384x128xf32, #tpu.memory_space<hbm>>) target(%arg6 : memref<80x128xf32, #tpu.memory_space<vmem>>) offsets(%dma_start3A_5 : memref<80xi32, #tpu.memory_space<vmem>>) semaphore(%arg8 : memref<!tpu.dma_semaphore, #tpu.memory_space<semaphore_mem>>)
    %scan3A = arith.constant 0 : i32
    %scan3A_9 = arith.constant 0 : i32
    %scan3A_10 = arith.constant 64 : i32
    %scan3A_11 = arith.addi %scan3A_9, %scan3A_10 : i32
    %scan3A_12 = arith.constant 1 : i32
    %scan3A_13 = scf.for %scan3A_15 = %scan3A_9 to %scan3A_11 step %scan3A_12 iter_args(%scan3A_16 = %scan3A) -> (i32)  : i32 {
      %mul3A_17 = arith.constant 2 : i32
      %mul3A_18 = arith.muli %scan3A_15, %mul3A_17 : i32
      %add3A_19 = arith.constant 1 : i32
      %add3A_20 = arith.addi %mul3A_18, %add3A_19 : i32
      %dma_start3A_21 = arith.constant 0 : i32
      %dma_start3A_22 = tpu.memref_slice %arg5[%add3A_20, %dma_start3A_21] : memref<128x80xi32, #tpu.memory_space<vmem>> -> memref<1x80xi32, #tpu.memory_space<vmem>>
      %dma_start3A_23 = tpu.memref_squeeze %dma_start3A_22 : memref<1x80xi32, #tpu.memory_space<vmem>> -> memref<80xi32, #tpu.memory_space<vmem>>
      %dma_start3A_24 = arith.constant 0 : i32
      %dma_start3A_25 = arith.constant 0 : i32
      %dma_start3A_26 = tpu.memref_slice %arg2[%dma_start3A_24, %dma_start3A_25] : memref<16384x128xf32, #tpu.memory_space<hbm>> -> memref<16384x128xf32, #tpu.memory_space<hbm>>
      tpu.enqueue_indirect_dma source(%dma_start3A_26 : memref<16384x128xf32, #tpu.memory_space<hbm>>) target(%arg7 : memref<80x128xf32, #tpu.memory_space<vmem>>) offsets(%dma_start3A_23 : memref<80xi32, #tpu.memory_space<vmem>>) semaphore(%arg9 : memref<!tpu.dma_semaphore, #tpu.memory_space<semaphore_mem>>)
      %dma_wait3A = arith.constant 0 : i32
      %dma_wait3A_27 = tpu.memref_slice %arg5[%mul3A_18, %dma_wait3A] : memref<128x80xi32, #tpu.memory_space<vmem>> -> memref<1x80xi32, #tpu.memory_space<vmem>>
      %dma_wait3A_28 = tpu.memref_squeeze %dma_wait3A_27 : memref<1x80xi32, #tpu.memory_space<vmem>> -> memref<80xi32, #tpu.memory_space<vmem>>
      %dma_wait3A_29 = arith.constant 0 : i32
      %dma_wait3A_30 = arith.constant 0 : i32
      %dma_wait3A_31 = tpu.memref_slice %arg2[%dma_wait3A_29, %dma_wait3A_30] : memref<16384x128xf32, #tpu.memory_space<hbm>> -> memref<16384x128xf32, #tpu.memory_space<hbm>>
      tpu.wait_indirect_dma semaphore(%arg8 : memref<!tpu.dma_semaphore, #tpu.memory_space<semaphore_mem>>) src(%dma_wait3A_31 : memref<16384x128xf32, #tpu.memory_space<hbm>>) dst(%arg6 : memref<80x128xf32, #tpu.memory_space<vmem>>)
      %mul3A_32 = arith.constant 80 : i32
      %mul3A_33 = arith.muli %mul3A_18, %mul3A_32 : i32
      %add3A_34 = arith.addi %mul3A_2, %mul3A_33 : i32
      "tpu.region"() ({
        %run_scoped3A = tpu.sem_alloc : memref<!tpu.dma_semaphore, #tpu.memory_space<semaphore_mem>>
        %dma_start3A_53 = arith.constant 0 : i32
        %dma_start3A_54 = tpu.memref_slice %arg4[%add3A_34, %dma_start3A_53] : memref<327680x128xf32, #tpu.memory_space<hbm>> -> memref<80x128xf32, #tpu.memory_space<hbm>>
        %dma_start3A_55 = arith.constant 0 : i32
        %dma_start3A_56 = tpu.memref_slice %arg4[%add3A_34, %dma_start3A_55] : memref<327680x128xf32, #tpu.memory_space<hbm>> -> memref<80x128xf32, #tpu.memory_space<hbm>>
        tpu.enqueue_dma source(%arg6 : memref<80x128xf32, #tpu.memory_space<vmem>>) target(%dma_start3A_56 : memref<80x128xf32, #tpu.memory_space<hbm>>) target_semaphore(%run_scoped3A : memref<!tpu.dma_semaphore, #tpu.memory_space<semaphore_mem>>)
        %dma_wait3A_57 = arith.constant 0 : i32
        %dma_wait3A_58 = tpu.memref_slice %arg4[%add3A_34, %dma_wait3A_57] : memref<327680x128xf32, #tpu.memory_space<hbm>> -> memref<80x128xf32, #tpu.memory_space<hbm>>
        %dma_wait3A_59 = arith.constant 0 : i32
        %dma_wait3A_60 = tpu.memref_slice %arg4[%add3A_34, %dma_wait3A_59] : memref<327680x128xf32, #tpu.memory_space<hbm>> -> memref<80x128xf32, #tpu.memory_space<hbm>>
        tpu.wait_dma2 semaphore(%run_scoped3A : memref<!tpu.dma_semaphore, #tpu.memory_space<semaphore_mem>>) src(%arg6 : memref<80x128xf32, #tpu.memory_space<vmem>>) dst(%dma_wait3A_60 : memref<80x128xf32, #tpu.memory_space<hbm>>)
        tpu.yield
      }) : () -> ()
      %add3A_35 = arith.constant 2 : i32
      %add3A_36 = arith.addi %mul3A_18, %add3A_35 : i32
      %lt3A = arith.constant 128 : i32
      %lt3A_37 = arith.cmpi slt, %add3A_36, %lt3A : i32
      %convert_element_type3A = arith.extui %lt3A_37 : i1 to i32
      %cond3A = arith.constant 0 : i32
      %cond3A_38 = arith.cmpi ne, %convert_element_type3A, %cond3A : i32
      scf.if %cond3A_38 {
        %add3A_53 = arith.constant 2 : i32
        %add3A_54 = arith.addi %mul3A_18, %add3A_53 : i32
        %dma_start3A_55 = arith.constant 0 : i32
        %dma_start3A_56 = tpu.memref_slice %arg5[%add3A_54, %dma_start3A_55] : memref<128x80xi32, #tpu.memory_space<vmem>> -> memref<1x80xi32, #tpu.memory_space<vmem>>
        %dma_start3A_57 = tpu.memref_squeeze %dma_start3A_56 : memref<1x80xi32, #tpu.memory_space<vmem>> -> memref<80xi32, #tpu.memory_space<vmem>>
        %dma_start3A_58 = arith.constant 0 : i32
        %dma_start3A_59 = arith.constant 0 : i32
        %dma_start3A_60 = tpu.memref_slice %arg2[%dma_start3A_58, %dma_start3A_59] : memref<16384x128xf32, #tpu.memory_space<hbm>> -> memref<16384x128xf32, #tpu.memory_space<hbm>>
        tpu.enqueue_indirect_dma source(%dma_start3A_60 : memref<16384x128xf32, #tpu.memory_space<hbm>>) target(%arg6 : memref<80x128xf32, #tpu.memory_space<vmem>>) offsets(%dma_start3A_57 : memref<80xi32, #tpu.memory_space<vmem>>) semaphore(%arg8 : memref<!tpu.dma_semaphore, #tpu.memory_space<semaphore_mem>>)
      } else {
      }
      %add3A_39 = arith.constant 1 : i32
      %add3A_40 = arith.addi %mul3A_18, %add3A_39 : i32
      %dma_wait3A_41 = arith.constant 0 : i32
      %dma_wait3A_42 = tpu.memref_slice %arg5[%add3A_40, %dma_wait3A_41] : memref<128x80xi32, #tpu.memory_space<vmem>> -> memref<1x80xi32, #tpu.memory_space<vmem>>
      %dma_wait3A_43 = tpu.memref_squeeze %dma_wait3A_42 : memref<1x80xi32, #tpu.memory_space<vmem>> -> memref<80xi32, #tpu.memory_space<vmem>>
      %dma_wait3A_44 = arith.constant 0 : i32
      %dma_wait3A_45 = arith.constant 0 : i32
      %dma_wait3A_46 = tpu.memref_slice %arg2[%dma_wait3A_44, %dma_wait3A_45] : memref<16384x128xf32, #tpu.memory_space<hbm>> -> memref<16384x128xf32, #tpu.memory_space<hbm>>
      tpu.wait_indirect_dma semaphore(%arg9 : memref<!tpu.dma_semaphore, #tpu.memory_space<semaphore_mem>>) src(%dma_wait3A_46 : memref<16384x128xf32, #tpu.memory_space<hbm>>) dst(%arg7 : memref<80x128xf32, #tpu.memory_space<vmem>>)
      %add3A_47 = arith.constant 1 : i32
      %add3A_48 = arith.addi %mul3A_18, %add3A_47 : i32
      %mul3A_49 = arith.constant 80 : i32
      %mul3A_50 = arith.muli %add3A_48, %mul3A_49 : i32
      %add3A_51 = arith.addi %mul3A_2, %mul3A_50 : i32
      "tpu.region"() ({
        %run_scoped3A = tpu.sem_alloc : memref<!tpu.dma_semaphore, #tpu.memory_space<semaphore_mem>>
        %dma_start3A_53 = arith.constant 0 : i32
        %dma_start3A_54 = tpu.memref_slice %arg4[%add3A_51, %dma_start3A_53] : memref<327680x128xf32, #tpu.memory_space<hbm>> -> memref<80x128xf32, #tpu.memory_space<hbm>>
        %dma_start3A_55 = arith.constant 0 : i32
        %dma_start3A_56 = tpu.memref_slice %arg4[%add3A_51, %dma_start3A_55] : memref<327680x128xf32, #tpu.memory_space<hbm>> -> memref<80x128xf32, #tpu.memory_space<hbm>>
        tpu.enqueue_dma source(%arg7 : memref<80x128xf32, #tpu.memory_space<vmem>>) target(%dma_start3A_56 : memref<80x128xf32, #tpu.memory_space<hbm>>) target_semaphore(%run_scoped3A : memref<!tpu.dma_semaphore, #tpu.memory_space<semaphore_mem>>)
        %dma_wait3A_57 = arith.constant 0 : i32
        %dma_wait3A_58 = tpu.memref_slice %arg4[%add3A_51, %dma_wait3A_57] : memref<327680x128xf32, #tpu.memory_space<hbm>> -> memref<80x128xf32, #tpu.memory_space<hbm>>
        %dma_wait3A_59 = arith.constant 0 : i32
        %dma_wait3A_60 = tpu.memref_slice %arg4[%add3A_51, %dma_wait3A_59] : memref<327680x128xf32, #tpu.memory_space<hbm>> -> memref<80x128xf32, #tpu.memory_space<hbm>>
        tpu.wait_dma2 semaphore(%run_scoped3A : memref<!tpu.dma_semaphore, #tpu.memory_space<semaphore_mem>>) src(%arg7 : memref<80x128xf32, #tpu.memory_space<vmem>>) dst(%dma_wait3A_60 : memref<80x128xf32, #tpu.memory_space<hbm>>)
        tpu.yield
      }) : () -> ()
      %scan3A_52 = arith.constant 0 : i32
      scf.yield %scan3A_52 : i32
    }
    %scan3A_14 = arith.constant 64 : i32
    return
  }
}

#map = affine_map<(d0, d1) -> (0, 0)>
#map1 = affine_map<(d0, d1) -> (0, 0, 0)>
module attributes {stable_mosaic.version = 14 : i64} {
  func.func @kern(%arg0: i32, %arg1: i32, %arg2: memref<16384x128xf32, #tpu.memory_space<hbm>>, %arg3: memref<32x128x80xi32, #tpu.memory_space<hbm>>, %arg4: memref<327680x128xf32, #tpu.memory_space<hbm>>, %arg5: memref<128x80xi32, #tpu.memory_space<vmem>>, %arg6: memref<80x128xf32, #tpu.memory_space<vmem>>, %arg7: memref<80x128xf32, #tpu.memory_space<vmem>>, %arg8: memref<!tpu.dma_semaphore, #tpu.memory_space<semaphore_mem>>, %arg9: memref<!tpu.dma_semaphore, #tpu.memory_space<semaphore_mem>>) attributes {dimension_semantics = [#tpu.dimension_semantics<core_parallel>, #tpu.dimension_semantics<subcore_parallel>], iteration_bounds = array<i64: 2, 16>, scalar_prefetch = 0 : i64, scratch_operands = 5 : i64, tpu.core_type = #tpu.core_type<sc_vector_subcore>, window_params = [{transform_indices = #map}, {transform_indices = #map1}, {transform_indices = #map}]} {
    %mul3A = arith.constant 2 : i32
    %mul3A_0 = arith.muli %arg1, %mul3A : i32
    %add3A = arith.addi %mul3A_0, %arg0 : i32
    %mul3A_1 = arith.constant 10240 : i32
    %mul3A_2 = arith.muli %add3A, %mul3A_1 : i32
    "tpu.region"() ({
      %run_scoped3A = tpu.sem_alloc : memref<!tpu.dma_semaphore, #tpu.memory_space<semaphore_mem>>
      %dma_start3A_15 = arith.constant 0 : i32
      %dma_start3A_16 = arith.constant 0 : i32
      %dma_start3A_17 = tpu.memref_slice %arg3[%add3A, %dma_start3A_15, %dma_start3A_16] : memref<32x128x80xi32, #tpu.memory_space<hbm>> -> memref<1x128x80xi32, #tpu.memory_space<hbm>>
      %dma_start3A_18 = tpu.memref_squeeze %dma_start3A_17 : memref<1x128x80xi32, #tpu.memory_space<hbm>> -> memref<128x80xi32, #tpu.memory_space<hbm>>
      %dma_start3A_19 = arith.constant 0 : i32
      %dma_start3A_20 = arith.constant 0 : i32
      %dma_start3A_21 = tpu.memref_slice %arg3[%add3A, %dma_start3A_19, %dma_start3A_20] : memref<32x128x80xi32, #tpu.memory_space<hbm>> -> memref<1x128x80xi32, #tpu.memory_space<hbm>>
      %dma_start3A_22 = tpu.memref_squeeze %dma_start3A_21 : memref<1x128x80xi32, #tpu.memory_space<hbm>> -> memref<128x80xi32, #tpu.memory_space<hbm>>
      tpu.enqueue_dma source(%dma_start3A_22 : memref<128x80xi32, #tpu.memory_space<hbm>>) target(%arg5 : memref<128x80xi32, #tpu.memory_space<vmem>>) target_semaphore(%run_scoped3A : memref<!tpu.dma_semaphore, #tpu.memory_space<semaphore_mem>>)
      %dma_wait3A = arith.constant 0 : i32
      %dma_wait3A_23 = arith.constant 0 : i32
      %dma_wait3A_24 = tpu.memref_slice %arg3[%add3A, %dma_wait3A, %dma_wait3A_23] : memref<32x128x80xi32, #tpu.memory_space<hbm>> -> memref<1x128x80xi32, #tpu.memory_space<hbm>>
      %dma_wait3A_25 = tpu.memref_squeeze %dma_wait3A_24 : memref<1x128x80xi32, #tpu.memory_space<hbm>> -> memref<128x80xi32, #tpu.memory_space<hbm>>
      %dma_wait3A_26 = arith.constant 0 : i32
      %dma_wait3A_27 = arith.constant 0 : i32
      %dma_wait3A_28 = tpu.memref_slice %arg3[%add3A, %dma_wait3A_26, %dma_wait3A_27] : memref<32x128x80xi32, #tpu.memory_space<hbm>> -> memref<1x128x80xi32, #tpu.memory_space<hbm>>
      %dma_wait3A_29 = tpu.memref_squeeze %dma_wait3A_28 : memref<1x128x80xi32, #tpu.memory_space<hbm>> -> memref<128x80xi32, #tpu.memory_space<hbm>>
      tpu.wait_dma2 semaphore(%run_scoped3A : memref<!tpu.dma_semaphore, #tpu.memory_space<semaphore_mem>>) src(%dma_wait3A_29 : memref<128x80xi32, #tpu.memory_space<hbm>>) dst(%arg5 : memref<128x80xi32, #tpu.memory_space<vmem>>)
      tpu.yield
    }) : () -> ()
    %dma_start3A = arith.constant 0 : i32
    %dma_start3A_3 = arith.constant 0 : i32
    %dma_start3A_4 = tpu.memref_slice %arg5[%dma_start3A, %dma_start3A_3] : memref<128x80xi32, #tpu.memory_space<vmem>> -> memref<1x80xi32, #tpu.memory_space<vmem>>
    %dma_start3A_5 = tpu.memref_squeeze %dma_start3A_4 : memref<1x80xi32, #tpu.memory_space<vmem>> -> memref<80xi32, #tpu.memory_space<vmem>>
    %dma_start3A_6 = arith.constant 0 : i32
    %dma_start3A_7 = arith.constant 0 : i32
    %dma_start3A_8 = tpu.memref_slice %arg2[%dma_start3A_6, %dma_start3A_7] : memref<16384x128xf32, #tpu.memory_space<hbm>> -> memref<16384x128xf32, #tpu.memory_space<hbm>>
    tpu.enqueue_indirect_dma source(%dma_start3A_8 : memref<16384x128xf32, #tpu.memory_space<hbm>>) target(%arg6 : memref<80x128xf32, #tpu.memory_space<vmem>>) offsets(%dma_start3A_5 : memref<80xi32, #tpu.memory_space<vmem>>) semaphore(%arg8 : memref<!tpu.dma_semaphore, #tpu.memory_space<semaphore_mem>>)
    %scan3A = arith.constant 0 : i32
    %scan3A_9 = arith.constant 0 : i32
    %scan3A_10 = arith.constant 64 : i32
    %scan3A_11 = arith.addi %scan3A_9, %scan3A_10 : i32
    %scan3A_12 = arith.constant 1 : i32
    %scan3A_13 = scf.for %scan3A_15 = %scan3A_9 to %scan3A_11 step %scan3A_12 iter_args(%scan3A_16 = %scan3A) -> (i32)  : i32 {
      %mul3A_17 = arith.constant 2 : i32
      %mul3A_18 = arith.muli %scan3A_15, %mul3A_17 : i32
      %add3A_19 = arith.constant 1 : i32
      %add3A_20 = arith.addi %mul3A_18, %add3A_19 : i32
      %dma_start3A_21 = arith.constant 0 : i32
      %dma_start3A_22 = tpu.memref_slice %arg5[%add3A_20, %dma_start3A_21] : memref<128x80xi32, #tpu.memory_space<vmem>> -> memref<1x80xi32, #tpu.memory_space<vmem>>
      %dma_start3A_23 = tpu.memref_squeeze %dma_start3A_22 : memref<1x80xi32, #tpu.memory_space<vmem>> -> memref<80xi32, #tpu.memory_space<vmem>>
      %dma_start3A_24 = arith.constant 0 : i32
      %dma_start3A_25 = arith.constant 0 : i32
      %dma_start3A_26 = tpu.memref_slice %arg2[%dma_start3A_24, %dma_start3A_25] : memref<16384x128xf32, #tpu.memory_space<hbm>> -> memref<16384x128xf32, #tpu.memory_space<hbm>>
      tpu.enqueue_indirect_dma source(%dma_start3A_26 : memref<16384x128xf32, #tpu.memory_space<hbm>>) target(%arg7 : memref<80x128xf32, #tpu.memory_space<vmem>>) offsets(%dma_start3A_23 : memref<80xi32, #tpu.memory_space<vmem>>) semaphore(%arg9 : memref<!tpu.dma_semaphore, #tpu.memory_space<semaphore_mem>>)
      %dma_wait3A = arith.constant 0 : i32
      %dma_wait3A_27 = tpu.memref_slice %arg5[%mul3A_18, %dma_wait3A] : memref<128x80xi32, #tpu.memory_space<vmem>> -> memref<1x80xi32, #tpu.memory_space<vmem>>
      %dma_wait3A_28 = tpu.memref_squeeze %dma_wait3A_27 : memref<1x80xi32, #tpu.memory_space<vmem>> -> memref<80xi32, #tpu.memory_space<vmem>>
      %dma_wait3A_29 = arith.constant 0 : i32
      %dma_wait3A_30 = arith.constant 0 : i32
      %dma_wait3A_31 = tpu.memref_slice %arg2[%dma_wait3A_29, %dma_wait3A_30] : memref<16384x128xf32, #tpu.memory_space<hbm>> -> memref<16384x128xf32, #tpu.memory_space<hbm>>
      tpu.wait_indirect_dma semaphore(%arg8 : memref<!tpu.dma_semaphore, #tpu.memory_space<semaphore_mem>>) src(%dma_wait3A_31 : memref<16384x128xf32, #tpu.memory_space<hbm>>) dst(%arg6 : memref<80x128xf32, #tpu.memory_space<vmem>>)
      %mul3A_32 = arith.constant 80 : i32
      %mul3A_33 = arith.muli %mul3A_18, %mul3A_32 : i32
      %add3A_34 = arith.addi %mul3A_2, %mul3A_33 : i32
      "tpu.region"() ({
        %run_scoped3A = tpu.sem_alloc : memref<!tpu.dma_semaphore, #tpu.memory_space<semaphore_mem>>
        %dma_start3A_53 = arith.constant 0 : i32
        %dma_start3A_54 = tpu.memref_slice %arg4[%add3A_34, %dma_start3A_53] : memref<327680x128xf32, #tpu.memory_space<hbm>> -> memref<80x128xf32, #tpu.memory_space<hbm>>
        %dma_start3A_55 = arith.constant 0 : i32
        %dma_start3A_56 = tpu.memref_slice %arg4[%add3A_34, %dma_start3A_55] : memref<327680x128xf32, #tpu.memory_space<hbm>> -> memref<80x128xf32, #tpu.memory_space<hbm>>
        tpu.enqueue_dma source(%arg6 : memref<80x128xf32, #tpu.memory_space<vmem>>) target(%dma_start3A_56 : memref<80x128xf32, #tpu.memory_space<hbm>>) target_semaphore(%run_scoped3A : memref<!tpu.dma_semaphore, #tpu.memory_space<semaphore_mem>>)
        %dma_wait3A_57 = arith.constant 0 : i32
        %dma_wait3A_58 = tpu.memref_slice %arg4[%add3A_34, %dma_wait3A_57] : memref<327680x128xf32, #tpu.memory_space<hbm>> -> memref<80x128xf32, #tpu.memory_space<hbm>>
        %dma_wait3A_59 = arith.constant 0 : i32
        %dma_wait3A_60 = tpu.memref_slice %arg4[%add3A_34, %dma_wait3A_59] : memref<327680x128xf32, #tpu.memory_space<hbm>> -> memref<80x128xf32, #tpu.memory_space<hbm>>
        tpu.wait_dma2 semaphore(%run_scoped3A : memref<!tpu.dma_semaphore, #tpu.memory_space<semaphore_mem>>) src(%arg6 : memref<80x128xf32, #tpu.memory_space<vmem>>) dst(%dma_wait3A_60 : memref<80x128xf32, #tpu.memory_space<hbm>>)
        tpu.yield
      }) : () -> ()
      %add3A_35 = arith.constant 2 : i32
      %add3A_36 = arith.addi %mul3A_18, %add3A_35 : i32
      %lt3A = arith.constant 128 : i32
      %lt3A_37 = arith.cmpi slt, %add3A_36, %lt3A : i32
      %convert_element_type3A = arith.extui %lt3A_37 : i1 to i32
      %cond3A = arith.constant 0 : i32
      %cond3A_38 = arith.cmpi ne, %convert_element_type3A, %cond3A : i32
      scf.if %cond3A_38 {
        %add3A_53 = arith.constant 2 : i32
        %add3A_54 = arith.addi %mul3A_18, %add3A_53 : i32
        %dma_start3A_55 = arith.constant 0 : i32
        %dma_start3A_56 = tpu.memref_slice %arg5[%add3A_54, %dma_start3A_55] : memref<128x80xi32, #tpu.memory_space<vmem>> -> memref<1x80xi32, #tpu.memory_space<vmem>>
        %dma_start3A_57 = tpu.memref_squeeze %dma_start3A_56 : memref<1x80xi32, #tpu.memory_space<vmem>> -> memref<80xi32, #tpu.memory_space<vmem>>
        %dma_start3A_58 = arith.constant 0 : i32
        %dma_start3A_59 = arith.constant 0 : i32
        %dma_start3A_60 = tpu.memref_slice %arg2[%dma_start3A_58, %dma_start3A_59] : memref<16384x128xf32, #tpu.memory_space<hbm>> -> memref<16384x128xf32, #tpu.memory_space<hbm>>
        tpu.enqueue_indirect_dma source(%dma_start3A_60 : memref<16384x128xf32, #tpu.memory_space<hbm>>) target(%arg6 : memref<80x128xf32, #tpu.memory_space<vmem>>) offsets(%dma_start3A_57 : memref<80xi32, #tpu.memory_space<vmem>>) semaphore(%arg8 : memref<!tpu.dma_semaphore, #tpu.memory_space<semaphore_mem>>)
      } else {
      }
      %add3A_39 = arith.constant 1 : i32
      %add3A_40 = arith.addi %mul3A_18, %add3A_39 : i32
      %dma_wait3A_41 = arith.constant 0 : i32
      %dma_wait3A_42 = tpu.memref_slice %arg5[%add3A_40, %dma_wait3A_41] : memref<128x80xi32, #tpu.memory_space<vmem>> -> memref<1x80xi32, #tpu.memory_space<vmem>>
      %dma_wait3A_43 = tpu.memref_squeeze %dma_wait3A_42 : memref<1x80xi32, #tpu.memory_space<vmem>> -> memref<80xi32, #tpu.memory_space<vmem>>
      %dma_wait3A_44 = arith.constant 0 : i32
      %dma_wait3A_45 = arith.constant 0 : i32
      %dma_wait3A_46 = tpu.memref_slice %arg2[%dma_wait3A_44, %dma_wait3A_45] : memref<16384x128xf32, #tpu.memory_space<hbm>> -> memref<16384x128xf32, #tpu.memory_space<hbm>>
      tpu.wait_indirect_dma semaphore(%arg9 : memref<!tpu.dma_semaphore, #tpu.memory_space<semaphore_mem>>) src(%dma_wait3A_46 : memref<16384x128xf32, #tpu.memory_space<hbm>>) dst(%arg7 : memref<80x128xf32, #tpu.memory_space<vmem>>)
      %add3A_47 = arith.constant 1 : i32
      %add3A_48 = arith.addi %mul3A_18, %add3A_47 : i32
      %mul3A_49 = arith.constant 80 : i32
      %mul3A_50 = arith.muli %add3A_48, %mul3A_49 : i32
      %add3A_51 = arith.addi %mul3A_2, %mul3A_50 : i32
      "tpu.region"() ({
        %run_scoped3A = tpu.sem_alloc : memref<!tpu.dma_semaphore, #tpu.memory_space<semaphore_mem>>
        %dma_start3A_53 = arith.constant 0 : i32
        %dma_start3A_54 = tpu.memref_slice %arg4[%add3A_51, %dma_start3A_53] : memref<327680x128xf32, #tpu.memory_space<hbm>> -> memref<80x128xf32, #tpu.memory_space<hbm>>
        %dma_start3A_55 = arith.constant 0 : i32
        %dma_start3A_56 = tpu.memref_slice %arg4[%add3A_51, %dma_start3A_55] : memref<327680x128xf32, #tpu.memory_space<hbm>> -> memref<80x128xf32, #tpu.memory_space<hbm>>
        tpu.enqueue_dma source(%arg7 : memref<80x128xf32, #tpu.memory_space<vmem>>) target(%dma_start3A_56 : memref<80x128xf32, #tpu.memory_space<hbm>>) target_semaphore(%run_scoped3A : memref<!tpu.dma_semaphore, #tpu.memory_space<semaphore_mem>>)
        %dma_wait3A_57 = arith.constant 0 : i32
        %dma_wait3A_58 = tpu.memref_slice %arg4[%add3A_51, %dma_wait3A_57] : memref<327680x128xf32, #tpu.memory_space<hbm>> -> memref<80x128xf32, #tpu.memory_space<hbm>>
        %dma_wait3A_59 = arith.constant 0 : i32
        %dma_wait3A_60 = tpu.memref_slice %arg4[%add3A_51, %dma_wait3A_59] : memref<327680x128xf32, #tpu.memory_space<hbm>> -> memref<80x128xf32, #tpu.memory_space<hbm>>
        tpu.wait_dma2 semaphore(%run_scoped3A : memref<!tpu.dma_semaphore, #tpu.memory_space<semaphore_mem>>) src(%arg7 : memref<80x128xf32, #tpu.memory_space<vmem>>) dst(%dma_wait3A_60 : memref<80x128xf32, #tpu.memory_space<hbm>>)
        tpu.yield
      }) : () -> ()
      %scan3A_52 = arith.constant 0 : i32
      scf.yield %scan3A_52 : i32
    }
    %scan3A_14 = arith.constant 64 : i32
    return
  }
}

module attributes {stable_mosaic.version = 14 : i64} {
  func.func @_knn_body(%arg0: i32, %arg1: i32, %arg2: memref<1x3x256xf32, #tpu.memory_space<vmem>>, %arg3: memref<1x3x2048xf32, #tpu.memory_space<vmem>>, %arg4: memref<1x256x20xi32, #tpu.memory_space<vmem>>) attributes {dimension_semantics = [#tpu.dimension_semantics<arbitrary>, #tpu.dimension_semantics<arbitrary>], iteration_bounds = array<i64: 8, 8>, scalar_prefetch = 0 : i64, scratch_operands = 0 : i64, tpu.core_type = #tpu.core_type<tc>, window_params = [{transform_indices = @transform_0, window_bounds = array<i64: 1, 3, 256>}, {transform_indices = @transform_1, window_bounds = array<i64: 1, 3, 2048>}, {transform_indices = @transform_2, window_bounds = array<i64: 1, 256, 20>}]} {
    %get3A = arith.constant 0 : index
    %get3A_0 = arith.constant 0 : index
    %get3A_1 = arith.constant 0 : index
    %get3A_2 = vector.load %arg2[%get3A, %get3A_0, %get3A_1] : memref<1x3x256xf32, #tpu.memory_space<vmem>>, vector<1x3x256xf32>
    %get3A_3 = vector.shape_cast %get3A_2 : vector<1x3x256xf32> to vector<3x256xf32>
    %get3A_4 = arith.constant 0 : index
    %get3A_5 = arith.constant 0 : index
    %get3A_6 = arith.constant 0 : index
    %get3A_7 = vector.load %arg3[%get3A_4, %get3A_5, %get3A_6] : memref<1x3x2048xf32, #tpu.memory_space<vmem>>, vector<1x3x2048xf32>
    %get3A_8 = vector.shape_cast %get3A_7 : vector<1x3x2048xf32> to vector<3x2048xf32>
    %dot_general3A = arith.constant dense<0.000000e+00> : vector<256x2048xf32>
    %dot_general3A_9 = tpu.matmul %get3A_3, %get3A_8, %dot_general3A {dimension_numbers = #tpu.dot_dimension_numbers<[0], [0], [1], [1], [0, 1, 1, 1], [], []>, transpose_lhs_hint = false} : vector<3x256xf32>, vector<3x2048xf32>, vector<256x2048xf32> -> vector<256x2048xf32>
    %mul3A = arith.mulf %get3A_3, %get3A_3 : vector<3x256xf32>
    %reduce_sum3A = arith.constant dense<0.000000e+00> : vector<256xf32>
    %reduce_sum3A_10 = vector.multi_reduction <add>, %mul3A, %reduce_sum3A [0] : vector<3x256xf32> to vector<256xf32>
    %broadcast_in_dim3A = vector.shape_cast %reduce_sum3A_10 : vector<256xf32> to vector<256x1xf32>
    %mul3A_11 = arith.mulf %get3A_8, %get3A_8 : vector<3x2048xf32>
    %reduce_sum3A_12 = arith.constant dense<0.000000e+00> : vector<2048xf32>
    %reduce_sum3A_13 = vector.multi_reduction <add>, %mul3A_11, %reduce_sum3A_12 [0] : vector<3x2048xf32> to vector<2048xf32>
    %broadcast_in_dim3A_14 = vector.shape_cast %reduce_sum3A_13 : vector<2048xf32> to vector<1x2048xf32>
    %neg3A = arith.constant 0.000000e+00 : f32
    %neg3A_15 = vector.broadcast %neg3A : f32 to vector<256x1xf32>
    %neg3A_16 = arith.subf %neg3A_15, %broadcast_in_dim3A : vector<256x1xf32>
    %mul3A_17 = arith.constant -2.000000e+00 : f32
    %mul3A_18 = vector.broadcast %mul3A_17 : f32 to vector<256x2048xf32>
    %mul3A_19 = arith.mulf %mul3A_18, %dot_general3A_9 : vector<256x2048xf32>
    %sub3A = vector.broadcast %neg3A_16 : vector<256x1xf32> to vector<256x2048xf32>
    %sub3A_20 = arith.subf %sub3A, %mul3A_19 : vector<256x2048xf32>
    %sub3A_21 = vector.broadcast %broadcast_in_dim3A_14 : vector<1x2048xf32> to vector<256x2048xf32>
    %sub3A_22 = arith.subf %sub3A_20, %sub3A_21 : vector<256x2048xf32>
    %iota3A = tpu.iota {dimensions = array<i32: 1>} : vector<256x2048xi32>
    %reduce_max3A = arith.constant dense<0xFF800000> : vector<256xf32>
    %reduce_max3A_23 = vector.multi_reduction <maximumf>, %sub3A_22, %reduce_max3A [1] : vector<256x2048xf32> to vector<256xf32>
    %broadcast_in_dim3A_24 = vector.shape_cast %reduce_max3A_23 : vector<256xf32> to vector<256x1xf32>
    %eq3A = vector.broadcast %broadcast_in_dim3A_24 : vector<256x1xf32> to vector<256x2048xf32>
    %eq3A_25 = arith.cmpf oeq, %sub3A_22, %eq3A : vector<256x2048xf32>
    %jit3A = arith.constant 2048 : i32
    %broadcast_in_dim3A_26 = vector.broadcast %jit3A : i32 to vector<256x2048xi32>
    %select_n3A = arith.select %eq3A_25, %iota3A, %broadcast_in_dim3A_26 : vector<256x2048xi1>, vector<256x2048xi32>
    %reduce_min3A = arith.constant dense<2147483647> : vector<256xi32>
    %reduce_min3A_27 = vector.multi_reduction <minsi>, %select_n3A, %reduce_min3A [1] : vector<256x2048xi32> to vector<256xi32>
    %broadcast_in_dim3A_28 = vector.shape_cast %reduce_min3A_27 : vector<256xi32> to vector<256x1xi32>
    %eq3A_29 = vector.broadcast %broadcast_in_dim3A_28 : vector<256x1xi32> to vector<256x2048xi32>
    %eq3A_30 = arith.cmpi eq, %select_n3A, %eq3A_29 : vector<256x2048xi32>
    %jit3A_31 = arith.constant 0xFF800000 : f32
    %broadcast_in_dim3A_32 = vector.broadcast %jit3A_31 : f32 to vector<256x2048xf32>
    %select_n3A_33 = arith.select %eq3A_30, %broadcast_in_dim3A_32, %sub3A_22 : vector<256x2048xi1>, vector<256x2048xf32>
    %reduce_max3A_34 = arith.constant dense<0xFF800000> : vector<256xf32>
    %reduce_max3A_35 = vector.multi_reduction <maximumf>, %select_n3A_33, %reduce_max3A_34 [1] : vector<256x2048xf32> to vector<256xf32>
    %broadcast_in_dim3A_36 = vector.shape_cast %reduce_max3A_35 : vector<256xf32> to vector<256x1xf32>
    %eq3A_37 = vector.broadcast %broadcast_in_dim3A_36 : vector<256x1xf32> to vector<256x2048xf32>
    %eq3A_38 = arith.cmpf oeq, %select_n3A_33, %eq3A_37 : vector<256x2048xf32>
    %jit3A_39 = arith.constant 2048 : i32
    %broadcast_in_dim3A_40 = vector.broadcast %jit3A_39 : i32 to vector<256x2048xi32>
    %select_n3A_41 = arith.select %eq3A_38, %iota3A, %broadcast_in_dim3A_40 : vector<256x2048xi1>, vector<256x2048xi32>
    %reduce_min3A_42 = arith.constant dense<2147483647> : vector<256xi32>
    %reduce_min3A_43 = vector.multi_reduction <minsi>, %select_n3A_41, %reduce_min3A_42 [1] : vector<256x2048xi32> to vector<256xi32>
    %broadcast_in_dim3A_44 = vector.shape_cast %reduce_min3A_43 : vector<256xi32> to vector<256x1xi32>
    %eq3A_45 = vector.broadcast %broadcast_in_dim3A_44 : vector<256x1xi32> to vector<256x2048xi32>
    %eq3A_46 = arith.cmpi eq, %select_n3A_41, %eq3A_45 : vector<256x2048xi32>
    %jit3A_47 = arith.constant 0xFF800000 : f32
    %broadcast_in_dim3A_48 = vector.broadcast %jit3A_47 : f32 to vector<256x2048xf32>
    %select_n3A_49 = arith.select %eq3A_46, %broadcast_in_dim3A_48, %select_n3A_33 : vector<256x2048xi1>, vector<256x2048xf32>
    %reduce_max3A_50 = arith.constant dense<0xFF800000> : vector<256xf32>
    %reduce_max3A_51 = vector.multi_reduction <maximumf>, %select_n3A_49, %reduce_max3A_50 [1] : vector<256x2048xf32> to vector<256xf32>
    %broadcast_in_dim3A_52 = vector.shape_cast %reduce_max3A_51 : vector<256xf32> to vector<256x1xf32>
    %eq3A_53 = vector.broadcast %broadcast_in_dim3A_52 : vector<256x1xf32> to vector<256x2048xf32>
    %eq3A_54 = arith.cmpf oeq, %select_n3A_49, %eq3A_53 : vector<256x2048xf32>
    %jit3A_55 = arith.constant 2048 : i32
    %broadcast_in_dim3A_56 = vector.broadcast %jit3A_55 : i32 to vector<256x2048xi32>
    %select_n3A_57 = arith.select %eq3A_54, %iota3A, %broadcast_in_dim3A_56 : vector<256x2048xi1>, vector<256x2048xi32>
    %reduce_min3A_58 = arith.constant dense<2147483647> : vector<256xi32>
    %reduce_min3A_59 = vector.multi_reduction <minsi>, %select_n3A_57, %reduce_min3A_58 [1] : vector<256x2048xi32> to vector<256xi32>
    %broadcast_in_dim3A_60 = vector.shape_cast %reduce_min3A_59 : vector<256xi32> to vector<256x1xi32>
    %eq3A_61 = vector.broadcast %broadcast_in_dim3A_60 : vector<256x1xi32> to vector<256x2048xi32>
    %eq3A_62 = arith.cmpi eq, %select_n3A_57, %eq3A_61 : vector<256x2048xi32>
    %jit3A_63 = arith.constant 0xFF800000 : f32
    %broadcast_in_dim3A_64 = vector.broadcast %jit3A_63 : f32 to vector<256x2048xf32>
    %select_n3A_65 = arith.select %eq3A_62, %broadcast_in_dim3A_64, %select_n3A_49 : vector<256x2048xi1>, vector<256x2048xf32>
    %reduce_max3A_66 = arith.constant dense<0xFF800000> : vector<256xf32>
    %reduce_max3A_67 = vector.multi_reduction <maximumf>, %select_n3A_65, %reduce_max3A_66 [1] : vector<256x2048xf32> to vector<256xf32>
    %broadcast_in_dim3A_68 = vector.shape_cast %reduce_max3A_67 : vector<256xf32> to vector<256x1xf32>
    %eq3A_69 = vector.broadcast %broadcast_in_dim3A_68 : vector<256x1xf32> to vector<256x2048xf32>
    %eq3A_70 = arith.cmpf oeq, %select_n3A_65, %eq3A_69 : vector<256x2048xf32>
    %jit3A_71 = arith.constant 2048 : i32
    %broadcast_in_dim3A_72 = vector.broadcast %jit3A_71 : i32 to vector<256x2048xi32>
    %select_n3A_73 = arith.select %eq3A_70, %iota3A, %broadcast_in_dim3A_72 : vector<256x2048xi1>, vector<256x2048xi32>
    %reduce_min3A_74 = arith.constant dense<2147483647> : vector<256xi32>
    %reduce_min3A_75 = vector.multi_reduction <minsi>, %select_n3A_73, %reduce_min3A_74 [1] : vector<256x2048xi32> to vector<256xi32>
    %broadcast_in_dim3A_76 = vector.shape_cast %reduce_min3A_75 : vector<256xi32> to vector<256x1xi32>
    %eq3A_77 = vector.broadcast %broadcast_in_dim3A_76 : vector<256x1xi32> to vector<256x2048xi32>
    %eq3A_78 = arith.cmpi eq, %select_n3A_73, %eq3A_77 : vector<256x2048xi32>
    %jit3A_79 = arith.constant 0xFF800000 : f32
    %broadcast_in_dim3A_80 = vector.broadcast %jit3A_79 : f32 to vector<256x2048xf32>
    %select_n3A_81 = arith.select %eq3A_78, %broadcast_in_dim3A_80, %select_n3A_65 : vector<256x2048xi1>, vector<256x2048xf32>
    %reduce_max3A_82 = arith.constant dense<0xFF800000> : vector<256xf32>
    %reduce_max3A_83 = vector.multi_reduction <maximumf>, %select_n3A_81, %reduce_max3A_82 [1] : vector<256x2048xf32> to vector<256xf32>
    %broadcast_in_dim3A_84 = vector.shape_cast %reduce_max3A_83 : vector<256xf32> to vector<256x1xf32>
    %eq3A_85 = vector.broadcast %broadcast_in_dim3A_84 : vector<256x1xf32> to vector<256x2048xf32>
    %eq3A_86 = arith.cmpf oeq, %select_n3A_81, %eq3A_85 : vector<256x2048xf32>
    %jit3A_87 = arith.constant 2048 : i32
    %broadcast_in_dim3A_88 = vector.broadcast %jit3A_87 : i32 to vector<256x2048xi32>
    %select_n3A_89 = arith.select %eq3A_86, %iota3A, %broadcast_in_dim3A_88 : vector<256x2048xi1>, vector<256x2048xi32>
    %reduce_min3A_90 = arith.constant dense<2147483647> : vector<256xi32>
    %reduce_min3A_91 = vector.multi_reduction <minsi>, %select_n3A_89, %reduce_min3A_90 [1] : vector<256x2048xi32> to vector<256xi32>
    %broadcast_in_dim3A_92 = vector.shape_cast %reduce_min3A_91 : vector<256xi32> to vector<256x1xi32>
    %eq3A_93 = vector.broadcast %broadcast_in_dim3A_92 : vector<256x1xi32> to vector<256x2048xi32>
    %eq3A_94 = arith.cmpi eq, %select_n3A_89, %eq3A_93 : vector<256x2048xi32>
    %jit3A_95 = arith.constant 0xFF800000 : f32
    %broadcast_in_dim3A_96 = vector.broadcast %jit3A_95 : f32 to vector<256x2048xf32>
    %select_n3A_97 = arith.select %eq3A_94, %broadcast_in_dim3A_96, %select_n3A_81 : vector<256x2048xi1>, vector<256x2048xf32>
    %reduce_max3A_98 = arith.constant dense<0xFF800000> : vector<256xf32>
    %reduce_max3A_99 = vector.multi_reduction <maximumf>, %select_n3A_97, %reduce_max3A_98 [1] : vector<256x2048xf32> to vector<256xf32>
    %broadcast_in_dim3A_100 = vector.shape_cast %reduce_max3A_99 : vector<256xf32> to vector<256x1xf32>
    %eq3A_101 = vector.broadcast %broadcast_in_dim3A_100 : vector<256x1xf32> to vector<256x2048xf32>
    %eq3A_102 = arith.cmpf oeq, %select_n3A_97, %eq3A_101 : vector<256x2048xf32>
    %jit3A_103 = arith.constant 2048 : i32
    %broadcast_in_dim3A_104 = vector.broadcast %jit3A_103 : i32 to vector<256x2048xi32>
    %select_n3A_105 = arith.select %eq3A_102, %iota3A, %broadcast_in_dim3A_104 : vector<256x2048xi1>, vector<256x2048xi32>
    %reduce_min3A_106 = arith.constant dense<2147483647> : vector<256xi32>
    %reduce_min3A_107 = vector.multi_reduction <minsi>, %select_n3A_105, %reduce_min3A_106 [1] : vector<256x2048xi32> to vector<256xi32>
    %broadcast_in_dim3A_108 = vector.shape_cast %reduce_min3A_107 : vector<256xi32> to vector<256x1xi32>
    %eq3A_109 = vector.broadcast %broadcast_in_dim3A_108 : vector<256x1xi32> to vector<256x2048xi32>
    %eq3A_110 = arith.cmpi eq, %select_n3A_105, %eq3A_109 : vector<256x2048xi32>
    %jit3A_111 = arith.constant 0xFF800000 : f32
    %broadcast_in_dim3A_112 = vector.broadcast %jit3A_111 : f32 to vector<256x2048xf32>
    %select_n3A_113 = arith.select %eq3A_110, %broadcast_in_dim3A_112, %select_n3A_97 : vector<256x2048xi1>, vector<256x2048xf32>
    %reduce_max3A_114 = arith.constant dense<0xFF800000> : vector<256xf32>
    %reduce_max3A_115 = vector.multi_reduction <maximumf>, %select_n3A_113, %reduce_max3A_114 [1] : vector<256x2048xf32> to vector<256xf32>
    %broadcast_in_dim3A_116 = vector.shape_cast %reduce_max3A_115 : vector<256xf32> to vector<256x1xf32>
    %eq3A_117 = vector.broadcast %broadcast_in_dim3A_116 : vector<256x1xf32> to vector<256x2048xf32>
    %eq3A_118 = arith.cmpf oeq, %select_n3A_113, %eq3A_117 : vector<256x2048xf32>
    %jit3A_119 = arith.constant 2048 : i32
    %broadcast_in_dim3A_120 = vector.broadcast %jit3A_119 : i32 to vector<256x2048xi32>
    %select_n3A_121 = arith.select %eq3A_118, %iota3A, %broadcast_in_dim3A_120 : vector<256x2048xi1>, vector<256x2048xi32>
    %reduce_min3A_122 = arith.constant dense<2147483647> : vector<256xi32>
    %reduce_min3A_123 = vector.multi_reduction <minsi>, %select_n3A_121, %reduce_min3A_122 [1] : vector<256x2048xi32> to vector<256xi32>
    %broadcast_in_dim3A_124 = vector.shape_cast %reduce_min3A_123 : vector<256xi32> to vector<256x1xi32>
    %eq3A_125 = vector.broadcast %broadcast_in_dim3A_124 : vector<256x1xi32> to vector<256x2048xi32>
    %eq3A_126 = arith.cmpi eq, %select_n3A_121, %eq3A_125 : vector<256x2048xi32>
    %jit3A_127 = arith.constant 0xFF800000 : f32
    %broadcast_in_dim3A_128 = vector.broadcast %jit3A_127 : f32 to vector<256x2048xf32>
    %select_n3A_129 = arith.select %eq3A_126, %broadcast_in_dim3A_128, %select_n3A_113 : vector<256x2048xi1>, vector<256x2048xf32>
    %reduce_max3A_130 = arith.constant dense<0xFF800000> : vector<256xf32>
    %reduce_max3A_131 = vector.multi_reduction <maximumf>, %select_n3A_129, %reduce_max3A_130 [1] : vector<256x2048xf32> to vector<256xf32>
    %broadcast_in_dim3A_132 = vector.shape_cast %reduce_max3A_131 : vector<256xf32> to vector<256x1xf32>
    %eq3A_133 = vector.broadcast %broadcast_in_dim3A_132 : vector<256x1xf32> to vector<256x2048xf32>
    %eq3A_134 = arith.cmpf oeq, %select_n3A_129, %eq3A_133 : vector<256x2048xf32>
    %jit3A_135 = arith.constant 2048 : i32
    %broadcast_in_dim3A_136 = vector.broadcast %jit3A_135 : i32 to vector<256x2048xi32>
    %select_n3A_137 = arith.select %eq3A_134, %iota3A, %broadcast_in_dim3A_136 : vector<256x2048xi1>, vector<256x2048xi32>
    %reduce_min3A_138 = arith.constant dense<2147483647> : vector<256xi32>
    %reduce_min3A_139 = vector.multi_reduction <minsi>, %select_n3A_137, %reduce_min3A_138 [1] : vector<256x2048xi32> to vector<256xi32>
    %broadcast_in_dim3A_140 = vector.shape_cast %reduce_min3A_139 : vector<256xi32> to vector<256x1xi32>
    %eq3A_141 = vector.broadcast %broadcast_in_dim3A_140 : vector<256x1xi32> to vector<256x2048xi32>
    %eq3A_142 = arith.cmpi eq, %select_n3A_137, %eq3A_141 : vector<256x2048xi32>
    %jit3A_143 = arith.constant 0xFF800000 : f32
    %broadcast_in_dim3A_144 = vector.broadcast %jit3A_143 : f32 to vector<256x2048xf32>
    %select_n3A_145 = arith.select %eq3A_142, %broadcast_in_dim3A_144, %select_n3A_129 : vector<256x2048xi1>, vector<256x2048xf32>
    %reduce_max3A_146 = arith.constant dense<0xFF800000> : vector<256xf32>
    %reduce_max3A_147 = vector.multi_reduction <maximumf>, %select_n3A_145, %reduce_max3A_146 [1] : vector<256x2048xf32> to vector<256xf32>
    %broadcast_in_dim3A_148 = vector.shape_cast %reduce_max3A_147 : vector<256xf32> to vector<256x1xf32>
    %eq3A_149 = vector.broadcast %broadcast_in_dim3A_148 : vector<256x1xf32> to vector<256x2048xf32>
    %eq3A_150 = arith.cmpf oeq, %select_n3A_145, %eq3A_149 : vector<256x2048xf32>
    %jit3A_151 = arith.constant 2048 : i32
    %broadcast_in_dim3A_152 = vector.broadcast %jit3A_151 : i32 to vector<256x2048xi32>
    %select_n3A_153 = arith.select %eq3A_150, %iota3A, %broadcast_in_dim3A_152 : vector<256x2048xi1>, vector<256x2048xi32>
    %reduce_min3A_154 = arith.constant dense<2147483647> : vector<256xi32>
    %reduce_min3A_155 = vector.multi_reduction <minsi>, %select_n3A_153, %reduce_min3A_154 [1] : vector<256x2048xi32> to vector<256xi32>
    %broadcast_in_dim3A_156 = vector.shape_cast %reduce_min3A_155 : vector<256xi32> to vector<256x1xi32>
    %eq3A_157 = vector.broadcast %broadcast_in_dim3A_156 : vector<256x1xi32> to vector<256x2048xi32>
    %eq3A_158 = arith.cmpi eq, %select_n3A_153, %eq3A_157 : vector<256x2048xi32>
    %jit3A_159 = arith.constant 0xFF800000 : f32
    %broadcast_in_dim3A_160 = vector.broadcast %jit3A_159 : f32 to vector<256x2048xf32>
    %select_n3A_161 = arith.select %eq3A_158, %broadcast_in_dim3A_160, %select_n3A_145 : vector<256x2048xi1>, vector<256x2048xf32>
    %reduce_max3A_162 = arith.constant dense<0xFF800000> : vector<256xf32>
    %reduce_max3A_163 = vector.multi_reduction <maximumf>, %select_n3A_161, %reduce_max3A_162 [1] : vector<256x2048xf32> to vector<256xf32>
    %broadcast_in_dim3A_164 = vector.shape_cast %reduce_max3A_163 : vector<256xf32> to vector<256x1xf32>
    %eq3A_165 = vector.broadcast %broadcast_in_dim3A_164 : vector<256x1xf32> to vector<256x2048xf32>
    %eq3A_166 = arith.cmpf oeq, %select_n3A_161, %eq3A_165 : vector<256x2048xf32>
    %jit3A_167 = arith.constant 2048 : i32
    %broadcast_in_dim3A_168 = vector.broadcast %jit3A_167 : i32 to vector<256x2048xi32>
    %select_n3A_169 = arith.select %eq3A_166, %iota3A, %broadcast_in_dim3A_168 : vector<256x2048xi1>, vector<256x2048xi32>
    %reduce_min3A_170 = arith.constant dense<2147483647> : vector<256xi32>
    %reduce_min3A_171 = vector.multi_reduction <minsi>, %select_n3A_169, %reduce_min3A_170 [1] : vector<256x2048xi32> to vector<256xi32>
    %broadcast_in_dim3A_172 = vector.shape_cast %reduce_min3A_171 : vector<256xi32> to vector<256x1xi32>
    %eq3A_173 = vector.broadcast %broadcast_in_dim3A_172 : vector<256x1xi32> to vector<256x2048xi32>
    %eq3A_174 = arith.cmpi eq, %select_n3A_169, %eq3A_173 : vector<256x2048xi32>
    %jit3A_175 = arith.constant 0xFF800000 : f32
    %broadcast_in_dim3A_176 = vector.broadcast %jit3A_175 : f32 to vector<256x2048xf32>
    %select_n3A_177 = arith.select %eq3A_174, %broadcast_in_dim3A_176, %select_n3A_161 : vector<256x2048xi1>, vector<256x2048xf32>
    %reduce_max3A_178 = arith.constant dense<0xFF800000> : vector<256xf32>
    %reduce_max3A_179 = vector.multi_reduction <maximumf>, %select_n3A_177, %reduce_max3A_178 [1] : vector<256x2048xf32> to vector<256xf32>
    %broadcast_in_dim3A_180 = vector.shape_cast %reduce_max3A_179 : vector<256xf32> to vector<256x1xf32>
    %eq3A_181 = vector.broadcast %broadcast_in_dim3A_180 : vector<256x1xf32> to vector<256x2048xf32>
    %eq3A_182 = arith.cmpf oeq, %select_n3A_177, %eq3A_181 : vector<256x2048xf32>
    %jit3A_183 = arith.constant 2048 : i32
    %broadcast_in_dim3A_184 = vector.broadcast %jit3A_183 : i32 to vector<256x2048xi32>
    %select_n3A_185 = arith.select %eq3A_182, %iota3A, %broadcast_in_dim3A_184 : vector<256x2048xi1>, vector<256x2048xi32>
    %reduce_min3A_186 = arith.constant dense<2147483647> : vector<256xi32>
    %reduce_min3A_187 = vector.multi_reduction <minsi>, %select_n3A_185, %reduce_min3A_186 [1] : vector<256x2048xi32> to vector<256xi32>
    %broadcast_in_dim3A_188 = vector.shape_cast %reduce_min3A_187 : vector<256xi32> to vector<256x1xi32>
    %eq3A_189 = vector.broadcast %broadcast_in_dim3A_188 : vector<256x1xi32> to vector<256x2048xi32>
    %eq3A_190 = arith.cmpi eq, %select_n3A_185, %eq3A_189 : vector<256x2048xi32>
    %jit3A_191 = arith.constant 0xFF800000 : f32
    %broadcast_in_dim3A_192 = vector.broadcast %jit3A_191 : f32 to vector<256x2048xf32>
    %select_n3A_193 = arith.select %eq3A_190, %broadcast_in_dim3A_192, %select_n3A_177 : vector<256x2048xi1>, vector<256x2048xf32>
    %reduce_max3A_194 = arith.constant dense<0xFF800000> : vector<256xf32>
    %reduce_max3A_195 = vector.multi_reduction <maximumf>, %select_n3A_193, %reduce_max3A_194 [1] : vector<256x2048xf32> to vector<256xf32>
    %broadcast_in_dim3A_196 = vector.shape_cast %reduce_max3A_195 : vector<256xf32> to vector<256x1xf32>
    %eq3A_197 = vector.broadcast %broadcast_in_dim3A_196 : vector<256x1xf32> to vector<256x2048xf32>
    %eq3A_198 = arith.cmpf oeq, %select_n3A_193, %eq3A_197 : vector<256x2048xf32>
    %jit3A_199 = arith.constant 2048 : i32
    %broadcast_in_dim3A_200 = vector.broadcast %jit3A_199 : i32 to vector<256x2048xi32>
    %select_n3A_201 = arith.select %eq3A_198, %iota3A, %broadcast_in_dim3A_200 : vector<256x2048xi1>, vector<256x2048xi32>
    %reduce_min3A_202 = arith.constant dense<2147483647> : vector<256xi32>
    %reduce_min3A_203 = vector.multi_reduction <minsi>, %select_n3A_201, %reduce_min3A_202 [1] : vector<256x2048xi32> to vector<256xi32>
    %broadcast_in_dim3A_204 = vector.shape_cast %reduce_min3A_203 : vector<256xi32> to vector<256x1xi32>
    %eq3A_205 = vector.broadcast %broadcast_in_dim3A_204 : vector<256x1xi32> to vector<256x2048xi32>
    %eq3A_206 = arith.cmpi eq, %select_n3A_201, %eq3A_205 : vector<256x2048xi32>
    %jit3A_207 = arith.constant 0xFF800000 : f32
    %broadcast_in_dim3A_208 = vector.broadcast %jit3A_207 : f32 to vector<256x2048xf32>
    %select_n3A_209 = arith.select %eq3A_206, %broadcast_in_dim3A_208, %select_n3A_193 : vector<256x2048xi1>, vector<256x2048xf32>
    %reduce_max3A_210 = arith.constant dense<0xFF800000> : vector<256xf32>
    %reduce_max3A_211 = vector.multi_reduction <maximumf>, %select_n3A_209, %reduce_max3A_210 [1] : vector<256x2048xf32> to vector<256xf32>
    %broadcast_in_dim3A_212 = vector.shape_cast %reduce_max3A_211 : vector<256xf32> to vector<256x1xf32>
    %eq3A_213 = vector.broadcast %broadcast_in_dim3A_212 : vector<256x1xf32> to vector<256x2048xf32>
    %eq3A_214 = arith.cmpf oeq, %select_n3A_209, %eq3A_213 : vector<256x2048xf32>
    %jit3A_215 = arith.constant 2048 : i32
    %broadcast_in_dim3A_216 = vector.broadcast %jit3A_215 : i32 to vector<256x2048xi32>
    %select_n3A_217 = arith.select %eq3A_214, %iota3A, %broadcast_in_dim3A_216 : vector<256x2048xi1>, vector<256x2048xi32>
    %reduce_min3A_218 = arith.constant dense<2147483647> : vector<256xi32>
    %reduce_min3A_219 = vector.multi_reduction <minsi>, %select_n3A_217, %reduce_min3A_218 [1] : vector<256x2048xi32> to vector<256xi32>
    %broadcast_in_dim3A_220 = vector.shape_cast %reduce_min3A_219 : vector<256xi32> to vector<256x1xi32>
    %eq3A_221 = vector.broadcast %broadcast_in_dim3A_220 : vector<256x1xi32> to vector<256x2048xi32>
    %eq3A_222 = arith.cmpi eq, %select_n3A_217, %eq3A_221 : vector<256x2048xi32>
    %jit3A_223 = arith.constant 0xFF800000 : f32
    %broadcast_in_dim3A_224 = vector.broadcast %jit3A_223 : f32 to vector<256x2048xf32>
    %select_n3A_225 = arith.select %eq3A_222, %broadcast_in_dim3A_224, %select_n3A_209 : vector<256x2048xi1>, vector<256x2048xf32>
    %reduce_max3A_226 = arith.constant dense<0xFF800000> : vector<256xf32>
    %reduce_max3A_227 = vector.multi_reduction <maximumf>, %select_n3A_225, %reduce_max3A_226 [1] : vector<256x2048xf32> to vector<256xf32>
    %broadcast_in_dim3A_228 = vector.shape_cast %reduce_max3A_227 : vector<256xf32> to vector<256x1xf32>
    %eq3A_229 = vector.broadcast %broadcast_in_dim3A_228 : vector<256x1xf32> to vector<256x2048xf32>
    %eq3A_230 = arith.cmpf oeq, %select_n3A_225, %eq3A_229 : vector<256x2048xf32>
    %jit3A_231 = arith.constant 2048 : i32
    %broadcast_in_dim3A_232 = vector.broadcast %jit3A_231 : i32 to vector<256x2048xi32>
    %select_n3A_233 = arith.select %eq3A_230, %iota3A, %broadcast_in_dim3A_232 : vector<256x2048xi1>, vector<256x2048xi32>
    %reduce_min3A_234 = arith.constant dense<2147483647> : vector<256xi32>
    %reduce_min3A_235 = vector.multi_reduction <minsi>, %select_n3A_233, %reduce_min3A_234 [1] : vector<256x2048xi32> to vector<256xi32>
    %broadcast_in_dim3A_236 = vector.shape_cast %reduce_min3A_235 : vector<256xi32> to vector<256x1xi32>
    %eq3A_237 = vector.broadcast %broadcast_in_dim3A_236 : vector<256x1xi32> to vector<256x2048xi32>
    %eq3A_238 = arith.cmpi eq, %select_n3A_233, %eq3A_237 : vector<256x2048xi32>
    %jit3A_239 = arith.constant 0xFF800000 : f32
    %broadcast_in_dim3A_240 = vector.broadcast %jit3A_239 : f32 to vector<256x2048xf32>
    %select_n3A_241 = arith.select %eq3A_238, %broadcast_in_dim3A_240, %select_n3A_225 : vector<256x2048xi1>, vector<256x2048xf32>
    %reduce_max3A_242 = arith.constant dense<0xFF800000> : vector<256xf32>
    %reduce_max3A_243 = vector.multi_reduction <maximumf>, %select_n3A_241, %reduce_max3A_242 [1] : vector<256x2048xf32> to vector<256xf32>
    %broadcast_in_dim3A_244 = vector.shape_cast %reduce_max3A_243 : vector<256xf32> to vector<256x1xf32>
    %eq3A_245 = vector.broadcast %broadcast_in_dim3A_244 : vector<256x1xf32> to vector<256x2048xf32>
    %eq3A_246 = arith.cmpf oeq, %select_n3A_241, %eq3A_245 : vector<256x2048xf32>
    %jit3A_247 = arith.constant 2048 : i32
    %broadcast_in_dim3A_248 = vector.broadcast %jit3A_247 : i32 to vector<256x2048xi32>
    %select_n3A_249 = arith.select %eq3A_246, %iota3A, %broadcast_in_dim3A_248 : vector<256x2048xi1>, vector<256x2048xi32>
    %reduce_min3A_250 = arith.constant dense<2147483647> : vector<256xi32>
    %reduce_min3A_251 = vector.multi_reduction <minsi>, %select_n3A_249, %reduce_min3A_250 [1] : vector<256x2048xi32> to vector<256xi32>
    %broadcast_in_dim3A_252 = vector.shape_cast %reduce_min3A_251 : vector<256xi32> to vector<256x1xi32>
    %eq3A_253 = vector.broadcast %broadcast_in_dim3A_252 : vector<256x1xi32> to vector<256x2048xi32>
    %eq3A_254 = arith.cmpi eq, %select_n3A_249, %eq3A_253 : vector<256x2048xi32>
    %jit3A_255 = arith.constant 0xFF800000 : f32
    %broadcast_in_dim3A_256 = vector.broadcast %jit3A_255 : f32 to vector<256x2048xf32>
    %select_n3A_257 = arith.select %eq3A_254, %broadcast_in_dim3A_256, %select_n3A_241 : vector<256x2048xi1>, vector<256x2048xf32>
    %reduce_max3A_258 = arith.constant dense<0xFF800000> : vector<256xf32>
    %reduce_max3A_259 = vector.multi_reduction <maximumf>, %select_n3A_257, %reduce_max3A_258 [1] : vector<256x2048xf32> to vector<256xf32>
    %broadcast_in_dim3A_260 = vector.shape_cast %reduce_max3A_259 : vector<256xf32> to vector<256x1xf32>
    %eq3A_261 = vector.broadcast %broadcast_in_dim3A_260 : vector<256x1xf32> to vector<256x2048xf32>
    %eq3A_262 = arith.cmpf oeq, %select_n3A_257, %eq3A_261 : vector<256x2048xf32>
    %jit3A_263 = arith.constant 2048 : i32
    %broadcast_in_dim3A_264 = vector.broadcast %jit3A_263 : i32 to vector<256x2048xi32>
    %select_n3A_265 = arith.select %eq3A_262, %iota3A, %broadcast_in_dim3A_264 : vector<256x2048xi1>, vector<256x2048xi32>
    %reduce_min3A_266 = arith.constant dense<2147483647> : vector<256xi32>
    %reduce_min3A_267 = vector.multi_reduction <minsi>, %select_n3A_265, %reduce_min3A_266 [1] : vector<256x2048xi32> to vector<256xi32>
    %broadcast_in_dim3A_268 = vector.shape_cast %reduce_min3A_267 : vector<256xi32> to vector<256x1xi32>
    %eq3A_269 = vector.broadcast %broadcast_in_dim3A_268 : vector<256x1xi32> to vector<256x2048xi32>
    %eq3A_270 = arith.cmpi eq, %select_n3A_265, %eq3A_269 : vector<256x2048xi32>
    %jit3A_271 = arith.constant 0xFF800000 : f32
    %broadcast_in_dim3A_272 = vector.broadcast %jit3A_271 : f32 to vector<256x2048xf32>
    %select_n3A_273 = arith.select %eq3A_270, %broadcast_in_dim3A_272, %select_n3A_257 : vector<256x2048xi1>, vector<256x2048xf32>
    %reduce_max3A_274 = arith.constant dense<0xFF800000> : vector<256xf32>
    %reduce_max3A_275 = vector.multi_reduction <maximumf>, %select_n3A_273, %reduce_max3A_274 [1] : vector<256x2048xf32> to vector<256xf32>
    %broadcast_in_dim3A_276 = vector.shape_cast %reduce_max3A_275 : vector<256xf32> to vector<256x1xf32>
    %eq3A_277 = vector.broadcast %broadcast_in_dim3A_276 : vector<256x1xf32> to vector<256x2048xf32>
    %eq3A_278 = arith.cmpf oeq, %select_n3A_273, %eq3A_277 : vector<256x2048xf32>
    %jit3A_279 = arith.constant 2048 : i32
    %broadcast_in_dim3A_280 = vector.broadcast %jit3A_279 : i32 to vector<256x2048xi32>
    %select_n3A_281 = arith.select %eq3A_278, %iota3A, %broadcast_in_dim3A_280 : vector<256x2048xi1>, vector<256x2048xi32>
    %reduce_min3A_282 = arith.constant dense<2147483647> : vector<256xi32>
    %reduce_min3A_283 = vector.multi_reduction <minsi>, %select_n3A_281, %reduce_min3A_282 [1] : vector<256x2048xi32> to vector<256xi32>
    %broadcast_in_dim3A_284 = vector.shape_cast %reduce_min3A_283 : vector<256xi32> to vector<256x1xi32>
    %eq3A_285 = vector.broadcast %broadcast_in_dim3A_284 : vector<256x1xi32> to vector<256x2048xi32>
    %eq3A_286 = arith.cmpi eq, %select_n3A_281, %eq3A_285 : vector<256x2048xi32>
    %jit3A_287 = arith.constant 0xFF800000 : f32
    %broadcast_in_dim3A_288 = vector.broadcast %jit3A_287 : f32 to vector<256x2048xf32>
    %select_n3A_289 = arith.select %eq3A_286, %broadcast_in_dim3A_288, %select_n3A_273 : vector<256x2048xi1>, vector<256x2048xf32>
    %reduce_max3A_290 = arith.constant dense<0xFF800000> : vector<256xf32>
    %reduce_max3A_291 = vector.multi_reduction <maximumf>, %select_n3A_289, %reduce_max3A_290 [1] : vector<256x2048xf32> to vector<256xf32>
    %broadcast_in_dim3A_292 = vector.shape_cast %reduce_max3A_291 : vector<256xf32> to vector<256x1xf32>
    %eq3A_293 = vector.broadcast %broadcast_in_dim3A_292 : vector<256x1xf32> to vector<256x2048xf32>
    %eq3A_294 = arith.cmpf oeq, %select_n3A_289, %eq3A_293 : vector<256x2048xf32>
    %jit3A_295 = arith.constant 2048 : i32
    %broadcast_in_dim3A_296 = vector.broadcast %jit3A_295 : i32 to vector<256x2048xi32>
    %select_n3A_297 = arith.select %eq3A_294, %iota3A, %broadcast_in_dim3A_296 : vector<256x2048xi1>, vector<256x2048xi32>
    %reduce_min3A_298 = arith.constant dense<2147483647> : vector<256xi32>
    %reduce_min3A_299 = vector.multi_reduction <minsi>, %select_n3A_297, %reduce_min3A_298 [1] : vector<256x2048xi32> to vector<256xi32>
    %broadcast_in_dim3A_300 = vector.shape_cast %reduce_min3A_299 : vector<256xi32> to vector<256x1xi32>
    %eq3A_301 = vector.broadcast %broadcast_in_dim3A_300 : vector<256x1xi32> to vector<256x2048xi32>
    %eq3A_302 = arith.cmpi eq, %select_n3A_297, %eq3A_301 : vector<256x2048xi32>
    %jit3A_303 = arith.constant 0xFF800000 : f32
    %broadcast_in_dim3A_304 = vector.broadcast %jit3A_303 : f32 to vector<256x2048xf32>
    %select_n3A_305 = arith.select %eq3A_302, %broadcast_in_dim3A_304, %select_n3A_289 : vector<256x2048xi1>, vector<256x2048xf32>
    %reduce_max3A_306 = arith.constant dense<0xFF800000> : vector<256xf32>
    %reduce_max3A_307 = vector.multi_reduction <maximumf>, %select_n3A_305, %reduce_max3A_306 [1] : vector<256x2048xf32> to vector<256xf32>
    %broadcast_in_dim3A_308 = vector.shape_cast %reduce_max3A_307 : vector<256xf32> to vector<256x1xf32>
    %eq3A_309 = vector.broadcast %broadcast_in_dim3A_308 : vector<256x1xf32> to vector<256x2048xf32>
    %eq3A_310 = arith.cmpf oeq, %select_n3A_305, %eq3A_309 : vector<256x2048xf32>
    %jit3A_311 = arith.constant 2048 : i32
    %broadcast_in_dim3A_312 = vector.broadcast %jit3A_311 : i32 to vector<256x2048xi32>
    %select_n3A_313 = arith.select %eq3A_310, %iota3A, %broadcast_in_dim3A_312 : vector<256x2048xi1>, vector<256x2048xi32>
    %reduce_min3A_314 = arith.constant dense<2147483647> : vector<256xi32>
    %reduce_min3A_315 = vector.multi_reduction <minsi>, %select_n3A_313, %reduce_min3A_314 [1] : vector<256x2048xi32> to vector<256xi32>
    %broadcast_in_dim3A_316 = vector.shape_cast %reduce_min3A_315 : vector<256xi32> to vector<256x1xi32>
    %eq3A_317 = vector.broadcast %broadcast_in_dim3A_316 : vector<256x1xi32> to vector<256x2048xi32>
    %eq3A_318 = arith.cmpi eq, %select_n3A_313, %eq3A_317 : vector<256x2048xi32>
    %jit3A_319 = arith.constant 0xFF800000 : f32
    %broadcast_in_dim3A_320 = vector.broadcast %jit3A_319 : f32 to vector<256x2048xf32>
    %select_n3A_321 = arith.select %eq3A_318, %broadcast_in_dim3A_320, %select_n3A_305 : vector<256x2048xi1>, vector<256x2048xf32>
    %reduce_max3A_322 = arith.constant dense<0xFF800000> : vector<256xf32>
    %reduce_max3A_323 = vector.multi_reduction <maximumf>, %select_n3A_321, %reduce_max3A_322 [1] : vector<256x2048xf32> to vector<256xf32>
    %broadcast_in_dim3A_324 = vector.shape_cast %reduce_max3A_323 : vector<256xf32> to vector<256x1xf32>
    %eq3A_325 = vector.broadcast %broadcast_in_dim3A_324 : vector<256x1xf32> to vector<256x2048xf32>
    %eq3A_326 = arith.cmpf oeq, %select_n3A_321, %eq3A_325 : vector<256x2048xf32>
    %jit3A_327 = arith.constant 2048 : i32
    %broadcast_in_dim3A_328 = vector.broadcast %jit3A_327 : i32 to vector<256x2048xi32>
    %select_n3A_329 = arith.select %eq3A_326, %iota3A, %broadcast_in_dim3A_328 : vector<256x2048xi1>, vector<256x2048xi32>
    %reduce_min3A_330 = arith.constant dense<2147483647> : vector<256xi32>
    %reduce_min3A_331 = vector.multi_reduction <minsi>, %select_n3A_329, %reduce_min3A_330 [1] : vector<256x2048xi32> to vector<256xi32>
    %broadcast_in_dim3A_332 = vector.shape_cast %reduce_min3A_331 : vector<256xi32> to vector<256x1xi32>
    %concatenate3A = tpu.concatenate %broadcast_in_dim3A_28, %broadcast_in_dim3A_44, %broadcast_in_dim3A_60, %broadcast_in_dim3A_76, %broadcast_in_dim3A_92, %broadcast_in_dim3A_108, %broadcast_in_dim3A_124, %broadcast_in_dim3A_140, %broadcast_in_dim3A_156, %broadcast_in_dim3A_172, %broadcast_in_dim3A_188, %broadcast_in_dim3A_204, %broadcast_in_dim3A_220, %broadcast_in_dim3A_236, %broadcast_in_dim3A_252, %broadcast_in_dim3A_268, %broadcast_in_dim3A_284, %broadcast_in_dim3A_300, %broadcast_in_dim3A_316, %broadcast_in_dim3A_332 in 1 : vector<256x1xi32>, vector<256x1xi32>, vector<256x1xi32>, vector<256x1xi32>, vector<256x1xi32>, vector<256x1xi32>, vector<256x1xi32>, vector<256x1xi32>, vector<256x1xi32>, vector<256x1xi32>, vector<256x1xi32>, vector<256x1xi32>, vector<256x1xi32>, vector<256x1xi32>, vector<256x1xi32>, vector<256x1xi32>, vector<256x1xi32>, vector<256x1xi32>, vector<256x1xi32>, vector<256x1xi32> -> vector<256x20xi32>
    %mul3A_333 = arith.constant 2048 : i32
    %mul3A_334 = arith.muli %arg0, %mul3A_333 : i32
    %add3A = vector.broadcast %mul3A_334 : i32 to vector<256x20xi32>
    %add3A_335 = arith.addi %concatenate3A, %add3A : vector<256x20xi32>
    %swap3A = arith.constant 0 : index
    %swap3A_336 = arith.constant 0 : index
    %swap3A_337 = arith.constant 0 : index
    %swap3A_338 = vector.load %arg4[%swap3A, %swap3A_336, %swap3A_337] : memref<1x256x20xi32, #tpu.memory_space<vmem>>, vector<1x256x20xi32>
    %swap3A_339 = vector.shape_cast %swap3A_338 : vector<1x256x20xi32> to vector<256x20xi32>
    %swap3A_340 = vector.shape_cast %add3A_335 : vector<256x20xi32> to vector<1x256x20xi32>
    tpu.vector_store %arg4[%swap3A, %swap3A_336, %swap3A_337], %swap3A_340 {strides = array<i32>} : memref<1x256x20xi32, #tpu.memory_space<vmem>>, vector<1x256x20xi32>,
    return
  }
  func.func @transform_0(%arg0: i32, %arg1: i32) -> (i32, i32, i32) {
    %c0_i32 = arith.constant 0 : i32
    %c0_i32_0 = arith.constant 0 : i32
    return %arg0, %c0_i32, %arg1 : i32, i32, i32
  }
  func.func @transform_1(%arg0: i32, %arg1: i32) -> (i32, i32, i32) {
    %c0_i32 = arith.constant 0 : i32
    %c0_i32_0 = arith.constant 0 : i32
    %c0_i32_1 = arith.constant 0 : i32
    return %arg0, %c0_i32, %c0_i32_0 : i32, i32, i32
  }
  func.func @transform_2(%arg0: i32, %arg1: i32) -> (i32, i32, i32) {
    %c0_i32 = arith.constant 0 : i32
    %c0_i32_0 = arith.constant 0 : i32
    return %arg0, %arg1, %c0_i32 : i32, i32, i32
  }
}

module attributes {stable_mosaic.version = 14 : i64} {
  func.func @body(%arg0: i32, %arg1: i32, %arg2: memref<1x20x64x128xf32, #tpu.memory_space<vmem>>, %arg3: memref<1x64x3xf32, #tpu.memory_space<vmem>>, %arg4: memref<64x6xf32, #tpu.memory_space<vmem>>, %arg5: memref<1x64x64xf32, #tpu.memory_space<vmem>>, %arg6: memref<1x20x64x64xf32, #tpu.memory_space<vmem>>) attributes {dimension_semantics = [#tpu.dimension_semantics<arbitrary>, #tpu.dimension_semantics<arbitrary>], iteration_bounds = array<i64: 8, 32>, scalar_prefetch = 0 : i64, scratch_operands = 0 : i64, tpu.core_type = #tpu.core_type<tc>, window_params = [{transform_indices = @transform_0, window_bounds = array<i64: 1, 20, 64, 128>}, {transform_indices = @transform_1, window_bounds = array<i64: 1, 64, 3>}, {pipeline_mode = #tpu.pipeline_mode<synchronous>, transform_indices = @transform_2, window_bounds = array<i64: 64, 6>}, {transform_indices = @transform_3, window_bounds = array<i64: 1, 64, 64>}, {transform_indices = @transform_4, window_bounds = array<i64: 1, 20, 64, 64>}]} {
    %get3A = arith.constant 0 : index
    %get3A_0 = arith.constant 0 : index
    %get3A_1 = arith.constant 0 : index
    %get3A_2 = arith.constant 0 : index
    %get3A_3 = vector.load %arg2[%get3A, %get3A_0, %get3A_1, %get3A_2] : memref<1x20x64x128xf32, #tpu.memory_space<vmem>>, vector<1x20x64x128xf32>
    %get3A_4 = vector.shape_cast %get3A_3 : vector<1x20x64x128xf32> to vector<20x64x128xf32>
    %slice3A = vector.extract_strided_slice %get3A_4 {offsets = [0, 0, 0], sizes = [20, 64, 3], strides = [1, 1, 1]} : vector<20x64x128xf32> to vector<20x64x3xf32>
    %get3A_5 = arith.constant 0 : index
    %get3A_6 = arith.constant 0 : index
    %get3A_7 = arith.constant 0 : index
    %get3A_8 = vector.load %arg3[%get3A_5, %get3A_6, %get3A_7] : memref<1x64x3xf32, #tpu.memory_space<vmem>>, vector<1x64x3xf32>
    %get3A_9 = vector.shape_cast %get3A_8 : vector<1x64x3xf32> to vector<64x3xf32>
    %broadcast_in_dim3A = vector.shape_cast %get3A_9 : vector<64x3xf32> to vector<1x64x3xf32>
    %broadcast_in_dim3A_10 = vector.shape_cast %broadcast_in_dim3A : vector<1x64x3xf32> to vector<1x64x3xf32>
    %broadcast_in_dim3A_11 = vector.broadcast %broadcast_in_dim3A_10 : vector<1x64x3xf32> to vector<20x64x3xf32>
    %concatenate3A = tpu.concatenate %slice3A, %broadcast_in_dim3A_11 in 2 : vector<20x64x3xf32>, vector<20x64x3xf32> -> vector<20x64x6xf32>
    %reshape3A = vector.shape_cast %concatenate3A : vector<20x64x6xf32> to vector<1280x6xf32>
    %get3A_12 = arith.constant 0 : index
    %get3A_13 = arith.constant 0 : index
    %get3A_14 = vector.load %arg4[%get3A_12, %get3A_13] : memref<64x6xf32, #tpu.memory_space<vmem>>, vector<64x6xf32>
    %dot_general3A = arith.constant dense<0.000000e+00> : vector<1280x64xf32>
    %dot_general3A_15 = tpu.matmul %reshape3A, %get3A_14, %dot_general3A {dimension_numbers = #tpu.dot_dimension_numbers<[1], [1], [0], [0], [0, 0, 1, 0], [], []>, transpose_lhs_hint = false} : vector<1280x6xf32>, vector<64x6xf32>, vector<1280x64xf32> -> vector<1280x64xf32>
    %reshape3A_16 = vector.shape_cast %dot_general3A_15 : vector<1280x64xf32> to vector<20x64x64xf32>
    %reduce_max3A = arith.constant dense<0xFF800000> : vector<64x64xf32>
    %reduce_max3A_17 = vector.multi_reduction <maximumf>, %reshape3A_16, %reduce_max3A [0] : vector<20x64x64xf32> to vector<64x64xf32>
    %swap3A = arith.constant 0 : index
    %swap3A_18 = arith.constant 0 : index
    %swap3A_19 = arith.constant 0 : index
    %swap3A_20 = vector.load %arg5[%swap3A, %swap3A_18, %swap3A_19] : memref<1x64x64xf32, #tpu.memory_space<vmem>>, vector<1x64x64xf32>
    %swap3A_21 = vector.shape_cast %swap3A_20 : vector<1x64x64xf32> to vector<64x64xf32>
    %swap3A_22 = vector.shape_cast %reduce_max3A_17 : vector<64x64xf32> to vector<1x64x64xf32>
    tpu.vector_store %arg5[%swap3A, %swap3A_18, %swap3A_19], %swap3A_22 {strides = array<i32>} : memref<1x64x64xf32, #tpu.memory_space<vmem>>, vector<1x64x64xf32>,
    %swap3A_23 = arith.constant 0 : index
    %swap3A_24 = arith.constant 0 : index
    %swap3A_25 = arith.constant 0 : index
    %swap3A_26 = arith.constant 0 : index
    %swap3A_27 = vector.load %arg6[%swap3A_23, %swap3A_24, %swap3A_25, %swap3A_26] : memref<1x20x64x64xf32, #tpu.memory_space<vmem>>, vector<1x20x64x64xf32>
    %swap3A_28 = vector.shape_cast %swap3A_27 : vector<1x20x64x64xf32> to vector<20x64x64xf32>
    %swap3A_29 = vector.shape_cast %reshape3A_16 : vector<20x64x64xf32> to vector<1x20x64x64xf32>
    tpu.vector_store %arg6[%swap3A_23, %swap3A_24, %swap3A_25, %swap3A_26], %swap3A_29 {strides = array<i32>} : memref<1x20x64x64xf32, #tpu.memory_space<vmem>>, vector<1x20x64x64xf32>,
    return
  }
  func.func @transform_0(%arg0: i32, %arg1: i32) -> (i32, i32, i32, i32) {
    %c0_i32 = arith.constant 0 : i32
    %c0_i32_0 = arith.constant 0 : i32
    %c0_i32_1 = arith.constant 0 : i32
    return %arg0, %c0_i32, %arg1, %c0_i32_0 : i32, i32, i32, i32
  }
  func.func @transform_1(%arg0: i32, %arg1: i32) -> (i32, i32, i32) {
    %c0_i32 = arith.constant 0 : i32
    %c0_i32_0 = arith.constant 0 : i32
    return %arg0, %arg1, %c0_i32 : i32, i32, i32
  }
  func.func @transform_2(%arg0: i32, %arg1: i32) -> (i32, i32) {
    %c0_i32 = arith.constant 0 : i32
    %c0_i32_0 = arith.constant 0 : i32
    %c0_i32_1 = arith.constant 0 : i32
    return %c0_i32, %c0_i32_0 : i32, i32
  }
  func.func @transform_3(%arg0: i32, %arg1: i32) -> (i32, i32, i32) {
    %c0_i32 = arith.constant 0 : i32
    %c0_i32_0 = arith.constant 0 : i32
    return %arg0, %arg1, %c0_i32 : i32, i32, i32
  }
  func.func @transform_4(%arg0: i32, %arg1: i32) -> (i32, i32, i32, i32) {
    %c0_i32 = arith.constant 0 : i32
    %c0_i32_0 = arith.constant 0 : i32
    %c0_i32_1 = arith.constant 0 : i32
    return %arg0, %c0_i32, %arg1, %c0_i32_0 : i32, i32, i32, i32
  }
}

module attributes {stable_mosaic.version = 14 : i64} {
  func.func @_norm_body(%arg0: i32, %arg1: memref<256x64xf32, #tpu.memory_space<vmem>>, %arg2: memref<1x64xf32, #tpu.memory_space<vmem>>, %arg3: memref<1x64xf32, #tpu.memory_space<vmem>>, %arg4: memref<256x64xf32, #tpu.memory_space<vmem>>) attributes {dimension_semantics = [#tpu.dimension_semantics<arbitrary>], iteration_bounds = array<i64: 64>, scalar_prefetch = 0 : i64, scratch_operands = 0 : i64, tpu.core_type = #tpu.core_type<tc>, window_params = [{transform_indices = @transform_0, window_bounds = array<i64: 256, 64>}, {pipeline_mode = #tpu.pipeline_mode<synchronous>, transform_indices = @transform_1, window_bounds = array<i64: 1, 64>}, {pipeline_mode = #tpu.pipeline_mode<synchronous>, transform_indices = @transform_2, window_bounds = array<i64: 1, 64>}, {transform_indices = @transform_3, window_bounds = array<i64: 256, 64>}]} {
    %get3A = arith.constant 0 : index
    %get3A_0 = arith.constant 0 : index
    %get3A_1 = vector.load %arg2[%get3A, %get3A_0] : memref<1x64xf32, #tpu.memory_space<vmem>>, vector<1x64xf32>
    %squeeze3A = vector.shape_cast %get3A_1 : vector<1x64xf32> to vector<64xf32>
    %get3A_2 = arith.constant 0 : index
    %get3A_3 = arith.constant 0 : index
    %get3A_4 = vector.load %arg3[%get3A_2, %get3A_3] : memref<1x64xf32, #tpu.memory_space<vmem>>, vector<1x64xf32>
    %squeeze3A_5 = vector.shape_cast %get3A_4 : vector<1x64xf32> to vector<64xf32>
    %add3A = arith.constant 9.99999974E-6 : f32
    %add3A_6 = vector.broadcast %add3A : f32 to vector<64xf32>
    %add3A_7 = arith.addf %squeeze3A_5, %add3A_6 : vector<64xf32>
    %sqrt3A = math.sqrt %add3A_7 : vector<64xf32>
    %get3A_8 = arith.constant 0 : index
    %get3A_9 = arith.constant 0 : index
    %get3A_10 = vector.load %arg1[%get3A_8, %get3A_9] : memref<256x64xf32, #tpu.memory_space<vmem>>, vector<256x64xf32>
    %broadcast_in_dim3A = vector.shape_cast %squeeze3A : vector<64xf32> to vector<1x64xf32>
    %sub3A = vector.broadcast %broadcast_in_dim3A : vector<1x64xf32> to vector<256x64xf32>
    %sub3A_11 = arith.subf %get3A_10, %sub3A : vector<256x64xf32>
    %broadcast_in_dim3A_12 = vector.shape_cast %sqrt3A : vector<64xf32> to vector<1x64xf32>
    %div3A = vector.broadcast %broadcast_in_dim3A_12 : vector<1x64xf32> to vector<256x64xf32>
    %div3A_13 = arith.divf %sub3A_11, %div3A : vector<256x64xf32>
    %ge3A = arith.constant 0.000000e+00 : f32
    %ge3A_14 = vector.broadcast %ge3A : f32 to vector<256x64xf32>
    %ge3A_15 = arith.cmpf oge, %div3A_13, %ge3A_14 : vector<256x64xf32>
    %mul3A = arith.constant 2.000000e-01 : f32
    %mul3A_16 = vector.broadcast %mul3A : f32 to vector<256x64xf32>
    %mul3A_17 = arith.mulf %mul3A_16, %div3A_13 : vector<256x64xf32>
    %select_n3A = arith.select %ge3A_15, %div3A_13, %mul3A_17 : vector<256x64xi1>, vector<256x64xf32>
    %swap3A = arith.constant 0 : index
    %swap3A_18 = arith.constant 0 : index
    %swap3A_19 = vector.load %arg4[%swap3A, %swap3A_18] : memref<256x64xf32, #tpu.memory_space<vmem>>, vector<256x64xf32>
    tpu.vector_store %arg4[%swap3A, %swap3A_18], %select_n3A {strides = array<i32>} : memref<256x64xf32, #tpu.memory_space<vmem>>, vector<256x64xf32>,
    return
  }
  func.func @transform_0(%arg0: i32) -> (i32, i32) {
    %c0_i32 = arith.constant 0 : i32
    %c0_i32_0 = arith.constant 0 : i32
    return %arg0, %c0_i32 : i32, i32
  }
  func.func @transform_1(%arg0: i32) -> (i32, i32) {
    %c0_i32 = arith.constant 0 : i32
    %c0_i32_0 = arith.constant 0 : i32
    %c0_i32_1 = arith.constant 0 : i32
    return %c0_i32, %c0_i32_0 : i32, i32
  }
  func.func @transform_2(%arg0: i32) -> (i32, i32) {
    %c0_i32 = arith.constant 0 : i32
    %c0_i32_0 = arith.constant 0 : i32
    %c0_i32_1 = arith.constant 0 : i32
    return %c0_i32, %c0_i32_0 : i32, i32
  }
  func.func @transform_3(%arg0: i32) -> (i32, i32) {
    %c0_i32 = arith.constant 0 : i32
    %c0_i32_0 = arith.constant 0 : i32
    return %arg0, %c0_i32 : i32, i32
  }
}

module attributes {stable_mosaic.version = 14 : i64} {
  func.func @_knn_body(%arg0: i32, %arg1: i32, %arg2: memref<1x64x256xf32, #tpu.memory_space<vmem>>, %arg3: memref<1x64x2048xf32, #tpu.memory_space<vmem>>, %arg4: memref<1x256x20xi32, #tpu.memory_space<vmem>>) attributes {dimension_semantics = [#tpu.dimension_semantics<arbitrary>, #tpu.dimension_semantics<arbitrary>], iteration_bounds = array<i64: 8, 8>, scalar_prefetch = 0 : i64, scratch_operands = 0 : i64, tpu.core_type = #tpu.core_type<tc>, window_params = [{transform_indices = @transform_0, window_bounds = array<i64: 1, 64, 256>}, {transform_indices = @transform_1, window_bounds = array<i64: 1, 64, 2048>}, {transform_indices = @transform_2, window_bounds = array<i64: 1, 256, 20>}]} {
    %get3A = arith.constant 0 : index
    %get3A_0 = arith.constant 0 : index
    %get3A_1 = arith.constant 0 : index
    %get3A_2 = vector.load %arg2[%get3A, %get3A_0, %get3A_1] : memref<1x64x256xf32, #tpu.memory_space<vmem>>, vector<1x64x256xf32>
    %get3A_3 = vector.shape_cast %get3A_2 : vector<1x64x256xf32> to vector<64x256xf32>
    %get3A_4 = arith.constant 0 : index
    %get3A_5 = arith.constant 0 : index
    %get3A_6 = arith.constant 0 : index
    %get3A_7 = vector.load %arg3[%get3A_4, %get3A_5, %get3A_6] : memref<1x64x2048xf32, #tpu.memory_space<vmem>>, vector<1x64x2048xf32>
    %get3A_8 = vector.shape_cast %get3A_7 : vector<1x64x2048xf32> to vector<64x2048xf32>
    %dot_general3A = arith.constant dense<0.000000e+00> : vector<256x2048xf32>
    %dot_general3A_9 = tpu.matmul %get3A_3, %get3A_8, %dot_general3A {dimension_numbers = #tpu.dot_dimension_numbers<[0], [0], [1], [1], [0, 1, 1, 1], [], []>, transpose_lhs_hint = false} : vector<64x256xf32>, vector<64x2048xf32>, vector<256x2048xf32> -> vector<256x2048xf32>
    %mul3A = arith.mulf %get3A_3, %get3A_3 : vector<64x256xf32>
    %reduce_sum3A = arith.constant dense<0.000000e+00> : vector<256xf32>
    %reduce_sum3A_10 = vector.multi_reduction <add>, %mul3A, %reduce_sum3A [0] : vector<64x256xf32> to vector<256xf32>
    %broadcast_in_dim3A = vector.shape_cast %reduce_sum3A_10 : vector<256xf32> to vector<256x1xf32>
    %mul3A_11 = arith.mulf %get3A_8, %get3A_8 : vector<64x2048xf32>
    %reduce_sum3A_12 = arith.constant dense<0.000000e+00> : vector<2048xf32>
    %reduce_sum3A_13 = vector.multi_reduction <add>, %mul3A_11, %reduce_sum3A_12 [0] : vector<64x2048xf32> to vector<2048xf32>
    %broadcast_in_dim3A_14 = vector.shape_cast %reduce_sum3A_13 : vector<2048xf32> to vector<1x2048xf32>
    %neg3A = arith.constant 0.000000e+00 : f32
    %neg3A_15 = vector.broadcast %neg3A : f32 to vector<256x1xf32>
    %neg3A_16 = arith.subf %neg3A_15, %broadcast_in_dim3A : vector<256x1xf32>
    %mul3A_17 = arith.constant -2.000000e+00 : f32
    %mul3A_18 = vector.broadcast %mul3A_17 : f32 to vector<256x2048xf32>
    %mul3A_19 = arith.mulf %mul3A_18, %dot_general3A_9 : vector<256x2048xf32>
    %sub3A = vector.broadcast %neg3A_16 : vector<256x1xf32> to vector<256x2048xf32>
    %sub3A_20 = arith.subf %sub3A, %mul3A_19 : vector<256x2048xf32>
    %sub3A_21 = vector.broadcast %broadcast_in_dim3A_14 : vector<1x2048xf32> to vector<256x2048xf32>
    %sub3A_22 = arith.subf %sub3A_20, %sub3A_21 : vector<256x2048xf32>
    %iota3A = tpu.iota {dimensions = array<i32: 1>} : vector<256x2048xi32>
    %reduce_max3A = arith.constant dense<0xFF800000> : vector<256xf32>
    %reduce_max3A_23 = vector.multi_reduction <maximumf>, %sub3A_22, %reduce_max3A [1] : vector<256x2048xf32> to vector<256xf32>
    %broadcast_in_dim3A_24 = vector.shape_cast %reduce_max3A_23 : vector<256xf32> to vector<256x1xf32>
    %eq3A = vector.broadcast %broadcast_in_dim3A_24 : vector<256x1xf32> to vector<256x2048xf32>
    %eq3A_25 = arith.cmpf oeq, %sub3A_22, %eq3A : vector<256x2048xf32>
    %jit3A = arith.constant 2048 : i32
    %broadcast_in_dim3A_26 = vector.broadcast %jit3A : i32 to vector<256x2048xi32>
    %select_n3A = arith.select %eq3A_25, %iota3A, %broadcast_in_dim3A_26 : vector<256x2048xi1>, vector<256x2048xi32>
    %reduce_min3A = arith.constant dense<2147483647> : vector<256xi32>
    %reduce_min3A_27 = vector.multi_reduction <minsi>, %select_n3A, %reduce_min3A [1] : vector<256x2048xi32> to vector<256xi32>
    %broadcast_in_dim3A_28 = vector.shape_cast %reduce_min3A_27 : vector<256xi32> to vector<256x1xi32>
    %eq3A_29 = vector.broadcast %broadcast_in_dim3A_28 : vector<256x1xi32> to vector<256x2048xi32>
    %eq3A_30 = arith.cmpi eq, %select_n3A, %eq3A_29 : vector<256x2048xi32>
    %jit3A_31 = arith.constant 0xFF800000 : f32
    %broadcast_in_dim3A_32 = vector.broadcast %jit3A_31 : f32 to vector<256x2048xf32>
    %select_n3A_33 = arith.select %eq3A_30, %broadcast_in_dim3A_32, %sub3A_22 : vector<256x2048xi1>, vector<256x2048xf32>
    %reduce_max3A_34 = arith.constant dense<0xFF800000> : vector<256xf32>
    %reduce_max3A_35 = vector.multi_reduction <maximumf>, %select_n3A_33, %reduce_max3A_34 [1] : vector<256x2048xf32> to vector<256xf32>
    %broadcast_in_dim3A_36 = vector.shape_cast %reduce_max3A_35 : vector<256xf32> to vector<256x1xf32>
    %eq3A_37 = vector.broadcast %broadcast_in_dim3A_36 : vector<256x1xf32> to vector<256x2048xf32>
    %eq3A_38 = arith.cmpf oeq, %select_n3A_33, %eq3A_37 : vector<256x2048xf32>
    %jit3A_39 = arith.constant 2048 : i32
    %broadcast_in_dim3A_40 = vector.broadcast %jit3A_39 : i32 to vector<256x2048xi32>
    %select_n3A_41 = arith.select %eq3A_38, %iota3A, %broadcast_in_dim3A_40 : vector<256x2048xi1>, vector<256x2048xi32>
    %reduce_min3A_42 = arith.constant dense<2147483647> : vector<256xi32>
    %reduce_min3A_43 = vector.multi_reduction <minsi>, %select_n3A_41, %reduce_min3A_42 [1] : vector<256x2048xi32> to vector<256xi32>
    %broadcast_in_dim3A_44 = vector.shape_cast %reduce_min3A_43 : vector<256xi32> to vector<256x1xi32>
    %eq3A_45 = vector.broadcast %broadcast_in_dim3A_44 : vector<256x1xi32> to vector<256x2048xi32>
    %eq3A_46 = arith.cmpi eq, %select_n3A_41, %eq3A_45 : vector<256x2048xi32>
    %jit3A_47 = arith.constant 0xFF800000 : f32
    %broadcast_in_dim3A_48 = vector.broadcast %jit3A_47 : f32 to vector<256x2048xf32>
    %select_n3A_49 = arith.select %eq3A_46, %broadcast_in_dim3A_48, %select_n3A_33 : vector<256x2048xi1>, vector<256x2048xf32>
    %reduce_max3A_50 = arith.constant dense<0xFF800000> : vector<256xf32>
    %reduce_max3A_51 = vector.multi_reduction <maximumf>, %select_n3A_49, %reduce_max3A_50 [1] : vector<256x2048xf32> to vector<256xf32>
    %broadcast_in_dim3A_52 = vector.shape_cast %reduce_max3A_51 : vector<256xf32> to vector<256x1xf32>
    %eq3A_53 = vector.broadcast %broadcast_in_dim3A_52 : vector<256x1xf32> to vector<256x2048xf32>
    %eq3A_54 = arith.cmpf oeq, %select_n3A_49, %eq3A_53 : vector<256x2048xf32>
    %jit3A_55 = arith.constant 2048 : i32
    %broadcast_in_dim3A_56 = vector.broadcast %jit3A_55 : i32 to vector<256x2048xi32>
    %select_n3A_57 = arith.select %eq3A_54, %iota3A, %broadcast_in_dim3A_56 : vector<256x2048xi1>, vector<256x2048xi32>
    %reduce_min3A_58 = arith.constant dense<2147483647> : vector<256xi32>
    %reduce_min3A_59 = vector.multi_reduction <minsi>, %select_n3A_57, %reduce_min3A_58 [1] : vector<256x2048xi32> to vector<256xi32>
    %broadcast_in_dim3A_60 = vector.shape_cast %reduce_min3A_59 : vector<256xi32> to vector<256x1xi32>
    %eq3A_61 = vector.broadcast %broadcast_in_dim3A_60 : vector<256x1xi32> to vector<256x2048xi32>
    %eq3A_62 = arith.cmpi eq, %select_n3A_57, %eq3A_61 : vector<256x2048xi32>
    %jit3A_63 = arith.constant 0xFF800000 : f32
    %broadcast_in_dim3A_64 = vector.broadcast %jit3A_63 : f32 to vector<256x2048xf32>
    %select_n3A_65 = arith.select %eq3A_62, %broadcast_in_dim3A_64, %select_n3A_49 : vector<256x2048xi1>, vector<256x2048xf32>
    %reduce_max3A_66 = arith.constant dense<0xFF800000> : vector<256xf32>
    %reduce_max3A_67 = vector.multi_reduction <maximumf>, %select_n3A_65, %reduce_max3A_66 [1] : vector<256x2048xf32> to vector<256xf32>
    %broadcast_in_dim3A_68 = vector.shape_cast %reduce_max3A_67 : vector<256xf32> to vector<256x1xf32>
    %eq3A_69 = vector.broadcast %broadcast_in_dim3A_68 : vector<256x1xf32> to vector<256x2048xf32>
    %eq3A_70 = arith.cmpf oeq, %select_n3A_65, %eq3A_69 : vector<256x2048xf32>
    %jit3A_71 = arith.constant 2048 : i32
    %broadcast_in_dim3A_72 = vector.broadcast %jit3A_71 : i32 to vector<256x2048xi32>
    %select_n3A_73 = arith.select %eq3A_70, %iota3A, %broadcast_in_dim3A_72 : vector<256x2048xi1>, vector<256x2048xi32>
    %reduce_min3A_74 = arith.constant dense<2147483647> : vector<256xi32>
    %reduce_min3A_75 = vector.multi_reduction <minsi>, %select_n3A_73, %reduce_min3A_74 [1] : vector<256x2048xi32> to vector<256xi32>
    %broadcast_in_dim3A_76 = vector.shape_cast %reduce_min3A_75 : vector<256xi32> to vector<256x1xi32>
    %eq3A_77 = vector.broadcast %broadcast_in_dim3A_76 : vector<256x1xi32> to vector<256x2048xi32>
    %eq3A_78 = arith.cmpi eq, %select_n3A_73, %eq3A_77 : vector<256x2048xi32>
    %jit3A_79 = arith.constant 0xFF800000 : f32
    %broadcast_in_dim3A_80 = vector.broadcast %jit3A_79 : f32 to vector<256x2048xf32>
    %select_n3A_81 = arith.select %eq3A_78, %broadcast_in_dim3A_80, %select_n3A_65 : vector<256x2048xi1>, vector<256x2048xf32>
    %reduce_max3A_82 = arith.constant dense<0xFF800000> : vector<256xf32>
    %reduce_max3A_83 = vector.multi_reduction <maximumf>, %select_n3A_81, %reduce_max3A_82 [1] : vector<256x2048xf32> to vector<256xf32>
    %broadcast_in_dim3A_84 = vector.shape_cast %reduce_max3A_83 : vector<256xf32> to vector<256x1xf32>
    %eq3A_85 = vector.broadcast %broadcast_in_dim3A_84 : vector<256x1xf32> to vector<256x2048xf32>
    %eq3A_86 = arith.cmpf oeq, %select_n3A_81, %eq3A_85 : vector<256x2048xf32>
    %jit3A_87 = arith.constant 2048 : i32
    %broadcast_in_dim3A_88 = vector.broadcast %jit3A_87 : i32 to vector<256x2048xi32>
    %select_n3A_89 = arith.select %eq3A_86, %iota3A, %broadcast_in_dim3A_88 : vector<256x2048xi1>, vector<256x2048xi32>
    %reduce_min3A_90 = arith.constant dense<2147483647> : vector<256xi32>
    %reduce_min3A_91 = vector.multi_reduction <minsi>, %select_n3A_89, %reduce_min3A_90 [1] : vector<256x2048xi32> to vector<256xi32>
    %broadcast_in_dim3A_92 = vector.shape_cast %reduce_min3A_91 : vector<256xi32> to vector<256x1xi32>
    %eq3A_93 = vector.broadcast %broadcast_in_dim3A_92 : vector<256x1xi32> to vector<256x2048xi32>
    %eq3A_94 = arith.cmpi eq, %select_n3A_89, %eq3A_93 : vector<256x2048xi32>
    %jit3A_95 = arith.constant 0xFF800000 : f32
    %broadcast_in_dim3A_96 = vector.broadcast %jit3A_95 : f32 to vector<256x2048xf32>
    %select_n3A_97 = arith.select %eq3A_94, %broadcast_in_dim3A_96, %select_n3A_81 : vector<256x2048xi1>, vector<256x2048xf32>
    %reduce_max3A_98 = arith.constant dense<0xFF800000> : vector<256xf32>
    %reduce_max3A_99 = vector.multi_reduction <maximumf>, %select_n3A_97, %reduce_max3A_98 [1] : vector<256x2048xf32> to vector<256xf32>
    %broadcast_in_dim3A_100 = vector.shape_cast %reduce_max3A_99 : vector<256xf32> to vector<256x1xf32>
    %eq3A_101 = vector.broadcast %broadcast_in_dim3A_100 : vector<256x1xf32> to vector<256x2048xf32>
    %eq3A_102 = arith.cmpf oeq, %select_n3A_97, %eq3A_101 : vector<256x2048xf32>
    %jit3A_103 = arith.constant 2048 : i32
    %broadcast_in_dim3A_104 = vector.broadcast %jit3A_103 : i32 to vector<256x2048xi32>
    %select_n3A_105 = arith.select %eq3A_102, %iota3A, %broadcast_in_dim3A_104 : vector<256x2048xi1>, vector<256x2048xi32>
    %reduce_min3A_106 = arith.constant dense<2147483647> : vector<256xi32>
    %reduce_min3A_107 = vector.multi_reduction <minsi>, %select_n3A_105, %reduce_min3A_106 [1] : vector<256x2048xi32> to vector<256xi32>
    %broadcast_in_dim3A_108 = vector.shape_cast %reduce_min3A_107 : vector<256xi32> to vector<256x1xi32>
    %eq3A_109 = vector.broadcast %broadcast_in_dim3A_108 : vector<256x1xi32> to vector<256x2048xi32>
    %eq3A_110 = arith.cmpi eq, %select_n3A_105, %eq3A_109 : vector<256x2048xi32>
    %jit3A_111 = arith.constant 0xFF800000 : f32
    %broadcast_in_dim3A_112 = vector.broadcast %jit3A_111 : f32 to vector<256x2048xf32>
    %select_n3A_113 = arith.select %eq3A_110, %broadcast_in_dim3A_112, %select_n3A_97 : vector<256x2048xi1>, vector<256x2048xf32>
    %reduce_max3A_114 = arith.constant dense<0xFF800000> : vector<256xf32>
    %reduce_max3A_115 = vector.multi_reduction <maximumf>, %select_n3A_113, %reduce_max3A_114 [1] : vector<256x2048xf32> to vector<256xf32>
    %broadcast_in_dim3A_116 = vector.shape_cast %reduce_max3A_115 : vector<256xf32> to vector<256x1xf32>
    %eq3A_117 = vector.broadcast %broadcast_in_dim3A_116 : vector<256x1xf32> to vector<256x2048xf32>
    %eq3A_118 = arith.cmpf oeq, %select_n3A_113, %eq3A_117 : vector<256x2048xf32>
    %jit3A_119 = arith.constant 2048 : i32
    %broadcast_in_dim3A_120 = vector.broadcast %jit3A_119 : i32 to vector<256x2048xi32>
    %select_n3A_121 = arith.select %eq3A_118, %iota3A, %broadcast_in_dim3A_120 : vector<256x2048xi1>, vector<256x2048xi32>
    %reduce_min3A_122 = arith.constant dense<2147483647> : vector<256xi32>
    %reduce_min3A_123 = vector.multi_reduction <minsi>, %select_n3A_121, %reduce_min3A_122 [1] : vector<256x2048xi32> to vector<256xi32>
    %broadcast_in_dim3A_124 = vector.shape_cast %reduce_min3A_123 : vector<256xi32> to vector<256x1xi32>
    %eq3A_125 = vector.broadcast %broadcast_in_dim3A_124 : vector<256x1xi32> to vector<256x2048xi32>
    %eq3A_126 = arith.cmpi eq, %select_n3A_121, %eq3A_125 : vector<256x2048xi32>
    %jit3A_127 = arith.constant 0xFF800000 : f32
    %broadcast_in_dim3A_128 = vector.broadcast %jit3A_127 : f32 to vector<256x2048xf32>
    %select_n3A_129 = arith.select %eq3A_126, %broadcast_in_dim3A_128, %select_n3A_113 : vector<256x2048xi1>, vector<256x2048xf32>
    %reduce_max3A_130 = arith.constant dense<0xFF800000> : vector<256xf32>
    %reduce_max3A_131 = vector.multi_reduction <maximumf>, %select_n3A_129, %reduce_max3A_130 [1] : vector<256x2048xf32> to vector<256xf32>
    %broadcast_in_dim3A_132 = vector.shape_cast %reduce_max3A_131 : vector<256xf32> to vector<256x1xf32>
    %eq3A_133 = vector.broadcast %broadcast_in_dim3A_132 : vector<256x1xf32> to vector<256x2048xf32>
    %eq3A_134 = arith.cmpf oeq, %select_n3A_129, %eq3A_133 : vector<256x2048xf32>
    %jit3A_135 = arith.constant 2048 : i32
    %broadcast_in_dim3A_136 = vector.broadcast %jit3A_135 : i32 to vector<256x2048xi32>
    %select_n3A_137 = arith.select %eq3A_134, %iota3A, %broadcast_in_dim3A_136 : vector<256x2048xi1>, vector<256x2048xi32>
    %reduce_min3A_138 = arith.constant dense<2147483647> : vector<256xi32>
    %reduce_min3A_139 = vector.multi_reduction <minsi>, %select_n3A_137, %reduce_min3A_138 [1] : vector<256x2048xi32> to vector<256xi32>
    %broadcast_in_dim3A_140 = vector.shape_cast %reduce_min3A_139 : vector<256xi32> to vector<256x1xi32>
    %eq3A_141 = vector.broadcast %broadcast_in_dim3A_140 : vector<256x1xi32> to vector<256x2048xi32>
    %eq3A_142 = arith.cmpi eq, %select_n3A_137, %eq3A_141 : vector<256x2048xi32>
    %jit3A_143 = arith.constant 0xFF800000 : f32
    %broadcast_in_dim3A_144 = vector.broadcast %jit3A_143 : f32 to vector<256x2048xf32>
    %select_n3A_145 = arith.select %eq3A_142, %broadcast_in_dim3A_144, %select_n3A_129 : vector<256x2048xi1>, vector<256x2048xf32>
    %reduce_max3A_146 = arith.constant dense<0xFF800000> : vector<256xf32>
    %reduce_max3A_147 = vector.multi_reduction <maximumf>, %select_n3A_145, %reduce_max3A_146 [1] : vector<256x2048xf32> to vector<256xf32>
    %broadcast_in_dim3A_148 = vector.shape_cast %reduce_max3A_147 : vector<256xf32> to vector<256x1xf32>
    %eq3A_149 = vector.broadcast %broadcast_in_dim3A_148 : vector<256x1xf32> to vector<256x2048xf32>
    %eq3A_150 = arith.cmpf oeq, %select_n3A_145, %eq3A_149 : vector<256x2048xf32>
    %jit3A_151 = arith.constant 2048 : i32
    %broadcast_in_dim3A_152 = vector.broadcast %jit3A_151 : i32 to vector<256x2048xi32>
    %select_n3A_153 = arith.select %eq3A_150, %iota3A, %broadcast_in_dim3A_152 : vector<256x2048xi1>, vector<256x2048xi32>
    %reduce_min3A_154 = arith.constant dense<2147483647> : vector<256xi32>
    %reduce_min3A_155 = vector.multi_reduction <minsi>, %select_n3A_153, %reduce_min3A_154 [1] : vector<256x2048xi32> to vector<256xi32>
    %broadcast_in_dim3A_156 = vector.shape_cast %reduce_min3A_155 : vector<256xi32> to vector<256x1xi32>
    %eq3A_157 = vector.broadcast %broadcast_in_dim3A_156 : vector<256x1xi32> to vector<256x2048xi32>
    %eq3A_158 = arith.cmpi eq, %select_n3A_153, %eq3A_157 : vector<256x2048xi32>
    %jit3A_159 = arith.constant 0xFF800000 : f32
    %broadcast_in_dim3A_160 = vector.broadcast %jit3A_159 : f32 to vector<256x2048xf32>
    %select_n3A_161 = arith.select %eq3A_158, %broadcast_in_dim3A_160, %select_n3A_145 : vector<256x2048xi1>, vector<256x2048xf32>
    %reduce_max3A_162 = arith.constant dense<0xFF800000> : vector<256xf32>
    %reduce_max3A_163 = vector.multi_reduction <maximumf>, %select_n3A_161, %reduce_max3A_162 [1] : vector<256x2048xf32> to vector<256xf32>
    %broadcast_in_dim3A_164 = vector.shape_cast %reduce_max3A_163 : vector<256xf32> to vector<256x1xf32>
    %eq3A_165 = vector.broadcast %broadcast_in_dim3A_164 : vector<256x1xf32> to vector<256x2048xf32>
    %eq3A_166 = arith.cmpf oeq, %select_n3A_161, %eq3A_165 : vector<256x2048xf32>
    %jit3A_167 = arith.constant 2048 : i32
    %broadcast_in_dim3A_168 = vector.broadcast %jit3A_167 : i32 to vector<256x2048xi32>
    %select_n3A_169 = arith.select %eq3A_166, %iota3A, %broadcast_in_dim3A_168 : vector<256x2048xi1>, vector<256x2048xi32>
    %reduce_min3A_170 = arith.constant dense<2147483647> : vector<256xi32>
    %reduce_min3A_171 = vector.multi_reduction <minsi>, %select_n3A_169, %reduce_min3A_170 [1] : vector<256x2048xi32> to vector<256xi32>
    %broadcast_in_dim3A_172 = vector.shape_cast %reduce_min3A_171 : vector<256xi32> to vector<256x1xi32>
    %eq3A_173 = vector.broadcast %broadcast_in_dim3A_172 : vector<256x1xi32> to vector<256x2048xi32>
    %eq3A_174 = arith.cmpi eq, %select_n3A_169, %eq3A_173 : vector<256x2048xi32>
    %jit3A_175 = arith.constant 0xFF800000 : f32
    %broadcast_in_dim3A_176 = vector.broadcast %jit3A_175 : f32 to vector<256x2048xf32>
    %select_n3A_177 = arith.select %eq3A_174, %broadcast_in_dim3A_176, %select_n3A_161 : vector<256x2048xi1>, vector<256x2048xf32>
    %reduce_max3A_178 = arith.constant dense<0xFF800000> : vector<256xf32>
    %reduce_max3A_179 = vector.multi_reduction <maximumf>, %select_n3A_177, %reduce_max3A_178 [1] : vector<256x2048xf32> to vector<256xf32>
    %broadcast_in_dim3A_180 = vector.shape_cast %reduce_max3A_179 : vector<256xf32> to vector<256x1xf32>
    %eq3A_181 = vector.broadcast %broadcast_in_dim3A_180 : vector<256x1xf32> to vector<256x2048xf32>
    %eq3A_182 = arith.cmpf oeq, %select_n3A_177, %eq3A_181 : vector<256x2048xf32>
    %jit3A_183 = arith.constant 2048 : i32
    %broadcast_in_dim3A_184 = vector.broadcast %jit3A_183 : i32 to vector<256x2048xi32>
    %select_n3A_185 = arith.select %eq3A_182, %iota3A, %broadcast_in_dim3A_184 : vector<256x2048xi1>, vector<256x2048xi32>
    %reduce_min3A_186 = arith.constant dense<2147483647> : vector<256xi32>
    %reduce_min3A_187 = vector.multi_reduction <minsi>, %select_n3A_185, %reduce_min3A_186 [1] : vector<256x2048xi32> to vector<256xi32>
    %broadcast_in_dim3A_188 = vector.shape_cast %reduce_min3A_187 : vector<256xi32> to vector<256x1xi32>
    %eq3A_189 = vector.broadcast %broadcast_in_dim3A_188 : vector<256x1xi32> to vector<256x2048xi32>
    %eq3A_190 = arith.cmpi eq, %select_n3A_185, %eq3A_189 : vector<256x2048xi32>
    %jit3A_191 = arith.constant 0xFF800000 : f32
    %broadcast_in_dim3A_192 = vector.broadcast %jit3A_191 : f32 to vector<256x2048xf32>
    %select_n3A_193 = arith.select %eq3A_190, %broadcast_in_dim3A_192, %select_n3A_177 : vector<256x2048xi1>, vector<256x2048xf32>
    %reduce_max3A_194 = arith.constant dense<0xFF800000> : vector<256xf32>
    %reduce_max3A_195 = vector.multi_reduction <maximumf>, %select_n3A_193, %reduce_max3A_194 [1] : vector<256x2048xf32> to vector<256xf32>
    %broadcast_in_dim3A_196 = vector.shape_cast %reduce_max3A_195 : vector<256xf32> to vector<256x1xf32>
    %eq3A_197 = vector.broadcast %broadcast_in_dim3A_196 : vector<256x1xf32> to vector<256x2048xf32>
    %eq3A_198 = arith.cmpf oeq, %select_n3A_193, %eq3A_197 : vector<256x2048xf32>
    %jit3A_199 = arith.constant 2048 : i32
    %broadcast_in_dim3A_200 = vector.broadcast %jit3A_199 : i32 to vector<256x2048xi32>
    %select_n3A_201 = arith.select %eq3A_198, %iota3A, %broadcast_in_dim3A_200 : vector<256x2048xi1>, vector<256x2048xi32>
    %reduce_min3A_202 = arith.constant dense<2147483647> : vector<256xi32>
    %reduce_min3A_203 = vector.multi_reduction <minsi>, %select_n3A_201, %reduce_min3A_202 [1] : vector<256x2048xi32> to vector<256xi32>
    %broadcast_in_dim3A_204 = vector.shape_cast %reduce_min3A_203 : vector<256xi32> to vector<256x1xi32>
    %eq3A_205 = vector.broadcast %broadcast_in_dim3A_204 : vector<256x1xi32> to vector<256x2048xi32>
    %eq3A_206 = arith.cmpi eq, %select_n3A_201, %eq3A_205 : vector<256x2048xi32>
    %jit3A_207 = arith.constant 0xFF800000 : f32
    %broadcast_in_dim3A_208 = vector.broadcast %jit3A_207 : f32 to vector<256x2048xf32>
    %select_n3A_209 = arith.select %eq3A_206, %broadcast_in_dim3A_208, %select_n3A_193 : vector<256x2048xi1>, vector<256x2048xf32>
    %reduce_max3A_210 = arith.constant dense<0xFF800000> : vector<256xf32>
    %reduce_max3A_211 = vector.multi_reduction <maximumf>, %select_n3A_209, %reduce_max3A_210 [1] : vector<256x2048xf32> to vector<256xf32>
    %broadcast_in_dim3A_212 = vector.shape_cast %reduce_max3A_211 : vector<256xf32> to vector<256x1xf32>
    %eq3A_213 = vector.broadcast %broadcast_in_dim3A_212 : vector<256x1xf32> to vector<256x2048xf32>
    %eq3A_214 = arith.cmpf oeq, %select_n3A_209, %eq3A_213 : vector<256x2048xf32>
    %jit3A_215 = arith.constant 2048 : i32
    %broadcast_in_dim3A_216 = vector.broadcast %jit3A_215 : i32 to vector<256x2048xi32>
    %select_n3A_217 = arith.select %eq3A_214, %iota3A, %broadcast_in_dim3A_216 : vector<256x2048xi1>, vector<256x2048xi32>
    %reduce_min3A_218 = arith.constant dense<2147483647> : vector<256xi32>
    %reduce_min3A_219 = vector.multi_reduction <minsi>, %select_n3A_217, %reduce_min3A_218 [1] : vector<256x2048xi32> to vector<256xi32>
    %broadcast_in_dim3A_220 = vector.shape_cast %reduce_min3A_219 : vector<256xi32> to vector<256x1xi32>
    %eq3A_221 = vector.broadcast %broadcast_in_dim3A_220 : vector<256x1xi32> to vector<256x2048xi32>
    %eq3A_222 = arith.cmpi eq, %select_n3A_217, %eq3A_221 : vector<256x2048xi32>
    %jit3A_223 = arith.constant 0xFF800000 : f32
    %broadcast_in_dim3A_224 = vector.broadcast %jit3A_223 : f32 to vector<256x2048xf32>
    %select_n3A_225 = arith.select %eq3A_222, %broadcast_in_dim3A_224, %select_n3A_209 : vector<256x2048xi1>, vector<256x2048xf32>
    %reduce_max3A_226 = arith.constant dense<0xFF800000> : vector<256xf32>
    %reduce_max3A_227 = vector.multi_reduction <maximumf>, %select_n3A_225, %reduce_max3A_226 [1] : vector<256x2048xf32> to vector<256xf32>
    %broadcast_in_dim3A_228 = vector.shape_cast %reduce_max3A_227 : vector<256xf32> to vector<256x1xf32>
    %eq3A_229 = vector.broadcast %broadcast_in_dim3A_228 : vector<256x1xf32> to vector<256x2048xf32>
    %eq3A_230 = arith.cmpf oeq, %select_n3A_225, %eq3A_229 : vector<256x2048xf32>
    %jit3A_231 = arith.constant 2048 : i32
    %broadcast_in_dim3A_232 = vector.broadcast %jit3A_231 : i32 to vector<256x2048xi32>
    %select_n3A_233 = arith.select %eq3A_230, %iota3A, %broadcast_in_dim3A_232 : vector<256x2048xi1>, vector<256x2048xi32>
    %reduce_min3A_234 = arith.constant dense<2147483647> : vector<256xi32>
    %reduce_min3A_235 = vector.multi_reduction <minsi>, %select_n3A_233, %reduce_min3A_234 [1] : vector<256x2048xi32> to vector<256xi32>
    %broadcast_in_dim3A_236 = vector.shape_cast %reduce_min3A_235 : vector<256xi32> to vector<256x1xi32>
    %eq3A_237 = vector.broadcast %broadcast_in_dim3A_236 : vector<256x1xi32> to vector<256x2048xi32>
    %eq3A_238 = arith.cmpi eq, %select_n3A_233, %eq3A_237 : vector<256x2048xi32>
    %jit3A_239 = arith.constant 0xFF800000 : f32
    %broadcast_in_dim3A_240 = vector.broadcast %jit3A_239 : f32 to vector<256x2048xf32>
    %select_n3A_241 = arith.select %eq3A_238, %broadcast_in_dim3A_240, %select_n3A_225 : vector<256x2048xi1>, vector<256x2048xf32>
    %reduce_max3A_242 = arith.constant dense<0xFF800000> : vector<256xf32>
    %reduce_max3A_243 = vector.multi_reduction <maximumf>, %select_n3A_241, %reduce_max3A_242 [1] : vector<256x2048xf32> to vector<256xf32>
    %broadcast_in_dim3A_244 = vector.shape_cast %reduce_max3A_243 : vector<256xf32> to vector<256x1xf32>
    %eq3A_245 = vector.broadcast %broadcast_in_dim3A_244 : vector<256x1xf32> to vector<256x2048xf32>
    %eq3A_246 = arith.cmpf oeq, %select_n3A_241, %eq3A_245 : vector<256x2048xf32>
    %jit3A_247 = arith.constant 2048 : i32
    %broadcast_in_dim3A_248 = vector.broadcast %jit3A_247 : i32 to vector<256x2048xi32>
    %select_n3A_249 = arith.select %eq3A_246, %iota3A, %broadcast_in_dim3A_248 : vector<256x2048xi1>, vector<256x2048xi32>
    %reduce_min3A_250 = arith.constant dense<2147483647> : vector<256xi32>
    %reduce_min3A_251 = vector.multi_reduction <minsi>, %select_n3A_249, %reduce_min3A_250 [1] : vector<256x2048xi32> to vector<256xi32>
    %broadcast_in_dim3A_252 = vector.shape_cast %reduce_min3A_251 : vector<256xi32> to vector<256x1xi32>
    %eq3A_253 = vector.broadcast %broadcast_in_dim3A_252 : vector<256x1xi32> to vector<256x2048xi32>
    %eq3A_254 = arith.cmpi eq, %select_n3A_249, %eq3A_253 : vector<256x2048xi32>
    %jit3A_255 = arith.constant 0xFF800000 : f32
    %broadcast_in_dim3A_256 = vector.broadcast %jit3A_255 : f32 to vector<256x2048xf32>
    %select_n3A_257 = arith.select %eq3A_254, %broadcast_in_dim3A_256, %select_n3A_241 : vector<256x2048xi1>, vector<256x2048xf32>
    %reduce_max3A_258 = arith.constant dense<0xFF800000> : vector<256xf32>
    %reduce_max3A_259 = vector.multi_reduction <maximumf>, %select_n3A_257, %reduce_max3A_258 [1] : vector<256x2048xf32> to vector<256xf32>
    %broadcast_in_dim3A_260 = vector.shape_cast %reduce_max3A_259 : vector<256xf32> to vector<256x1xf32>
    %eq3A_261 = vector.broadcast %broadcast_in_dim3A_260 : vector<256x1xf32> to vector<256x2048xf32>
    %eq3A_262 = arith.cmpf oeq, %select_n3A_257, %eq3A_261 : vector<256x2048xf32>
    %jit3A_263 = arith.constant 2048 : i32
    %broadcast_in_dim3A_264 = vector.broadcast %jit3A_263 : i32 to vector<256x2048xi32>
    %select_n3A_265 = arith.select %eq3A_262, %iota3A, %broadcast_in_dim3A_264 : vector<256x2048xi1>, vector<256x2048xi32>
    %reduce_min3A_266 = arith.constant dense<2147483647> : vector<256xi32>
    %reduce_min3A_267 = vector.multi_reduction <minsi>, %select_n3A_265, %reduce_min3A_266 [1] : vector<256x2048xi32> to vector<256xi32>
    %broadcast_in_dim3A_268 = vector.shape_cast %reduce_min3A_267 : vector<256xi32> to vector<256x1xi32>
    %eq3A_269 = vector.broadcast %broadcast_in_dim3A_268 : vector<256x1xi32> to vector<256x2048xi32>
    %eq3A_270 = arith.cmpi eq, %select_n3A_265, %eq3A_269 : vector<256x2048xi32>
    %jit3A_271 = arith.constant 0xFF800000 : f32
    %broadcast_in_dim3A_272 = vector.broadcast %jit3A_271 : f32 to vector<256x2048xf32>
    %select_n3A_273 = arith.select %eq3A_270, %broadcast_in_dim3A_272, %select_n3A_257 : vector<256x2048xi1>, vector<256x2048xf32>
    %reduce_max3A_274 = arith.constant dense<0xFF800000> : vector<256xf32>
    %reduce_max3A_275 = vector.multi_reduction <maximumf>, %select_n3A_273, %reduce_max3A_274 [1] : vector<256x2048xf32> to vector<256xf32>
    %broadcast_in_dim3A_276 = vector.shape_cast %reduce_max3A_275 : vector<256xf32> to vector<256x1xf32>
    %eq3A_277 = vector.broadcast %broadcast_in_dim3A_276 : vector<256x1xf32> to vector<256x2048xf32>
    %eq3A_278 = arith.cmpf oeq, %select_n3A_273, %eq3A_277 : vector<256x2048xf32>
    %jit3A_279 = arith.constant 2048 : i32
    %broadcast_in_dim3A_280 = vector.broadcast %jit3A_279 : i32 to vector<256x2048xi32>
    %select_n3A_281 = arith.select %eq3A_278, %iota3A, %broadcast_in_dim3A_280 : vector<256x2048xi1>, vector<256x2048xi32>
    %reduce_min3A_282 = arith.constant dense<2147483647> : vector<256xi32>
    %reduce_min3A_283 = vector.multi_reduction <minsi>, %select_n3A_281, %reduce_min3A_282 [1] : vector<256x2048xi32> to vector<256xi32>
    %broadcast_in_dim3A_284 = vector.shape_cast %reduce_min3A_283 : vector<256xi32> to vector<256x1xi32>
    %eq3A_285 = vector.broadcast %broadcast_in_dim3A_284 : vector<256x1xi32> to vector<256x2048xi32>
    %eq3A_286 = arith.cmpi eq, %select_n3A_281, %eq3A_285 : vector<256x2048xi32>
    %jit3A_287 = arith.constant 0xFF800000 : f32
    %broadcast_in_dim3A_288 = vector.broadcast %jit3A_287 : f32 to vector<256x2048xf32>
    %select_n3A_289 = arith.select %eq3A_286, %broadcast_in_dim3A_288, %select_n3A_273 : vector<256x2048xi1>, vector<256x2048xf32>
    %reduce_max3A_290 = arith.constant dense<0xFF800000> : vector<256xf32>
    %reduce_max3A_291 = vector.multi_reduction <maximumf>, %select_n3A_289, %reduce_max3A_290 [1] : vector<256x2048xf32> to vector<256xf32>
    %broadcast_in_dim3A_292 = vector.shape_cast %reduce_max3A_291 : vector<256xf32> to vector<256x1xf32>
    %eq3A_293 = vector.broadcast %broadcast_in_dim3A_292 : vector<256x1xf32> to vector<256x2048xf32>
    %eq3A_294 = arith.cmpf oeq, %select_n3A_289, %eq3A_293 : vector<256x2048xf32>
    %jit3A_295 = arith.constant 2048 : i32
    %broadcast_in_dim3A_296 = vector.broadcast %jit3A_295 : i32 to vector<256x2048xi32>
    %select_n3A_297 = arith.select %eq3A_294, %iota3A, %broadcast_in_dim3A_296 : vector<256x2048xi1>, vector<256x2048xi32>
    %reduce_min3A_298 = arith.constant dense<2147483647> : vector<256xi32>
    %reduce_min3A_299 = vector.multi_reduction <minsi>, %select_n3A_297, %reduce_min3A_298 [1] : vector<256x2048xi32> to vector<256xi32>
    %broadcast_in_dim3A_300 = vector.shape_cast %reduce_min3A_299 : vector<256xi32> to vector<256x1xi32>
    %eq3A_301 = vector.broadcast %broadcast_in_dim3A_300 : vector<256x1xi32> to vector<256x2048xi32>
    %eq3A_302 = arith.cmpi eq, %select_n3A_297, %eq3A_301 : vector<256x2048xi32>
    %jit3A_303 = arith.constant 0xFF800000 : f32
    %broadcast_in_dim3A_304 = vector.broadcast %jit3A_303 : f32 to vector<256x2048xf32>
    %select_n3A_305 = arith.select %eq3A_302, %broadcast_in_dim3A_304, %select_n3A_289 : vector<256x2048xi1>, vector<256x2048xf32>
    %reduce_max3A_306 = arith.constant dense<0xFF800000> : vector<256xf32>
    %reduce_max3A_307 = vector.multi_reduction <maximumf>, %select_n3A_305, %reduce_max3A_306 [1] : vector<256x2048xf32> to vector<256xf32>
    %broadcast_in_dim3A_308 = vector.shape_cast %reduce_max3A_307 : vector<256xf32> to vector<256x1xf32>
    %eq3A_309 = vector.broadcast %broadcast_in_dim3A_308 : vector<256x1xf32> to vector<256x2048xf32>
    %eq3A_310 = arith.cmpf oeq, %select_n3A_305, %eq3A_309 : vector<256x2048xf32>
    %jit3A_311 = arith.constant 2048 : i32
    %broadcast_in_dim3A_312 = vector.broadcast %jit3A_311 : i32 to vector<256x2048xi32>
    %select_n3A_313 = arith.select %eq3A_310, %iota3A, %broadcast_in_dim3A_312 : vector<256x2048xi1>, vector<256x2048xi32>
    %reduce_min3A_314 = arith.constant dense<2147483647> : vector<256xi32>
    %reduce_min3A_315 = vector.multi_reduction <minsi>, %select_n3A_313, %reduce_min3A_314 [1] : vector<256x2048xi32> to vector<256xi32>
    %broadcast_in_dim3A_316 = vector.shape_cast %reduce_min3A_315 : vector<256xi32> to vector<256x1xi32>
    %eq3A_317 = vector.broadcast %broadcast_in_dim3A_316 : vector<256x1xi32> to vector<256x2048xi32>
    %eq3A_318 = arith.cmpi eq, %select_n3A_313, %eq3A_317 : vector<256x2048xi32>
    %jit3A_319 = arith.constant 0xFF800000 : f32
    %broadcast_in_dim3A_320 = vector.broadcast %jit3A_319 : f32 to vector<256x2048xf32>
    %select_n3A_321 = arith.select %eq3A_318, %broadcast_in_dim3A_320, %select_n3A_305 : vector<256x2048xi1>, vector<256x2048xf32>
    %reduce_max3A_322 = arith.constant dense<0xFF800000> : vector<256xf32>
    %reduce_max3A_323 = vector.multi_reduction <maximumf>, %select_n3A_321, %reduce_max3A_322 [1] : vector<256x2048xf32> to vector<256xf32>
    %broadcast_in_dim3A_324 = vector.shape_cast %reduce_max3A_323 : vector<256xf32> to vector<256x1xf32>
    %eq3A_325 = vector.broadcast %broadcast_in_dim3A_324 : vector<256x1xf32> to vector<256x2048xf32>
    %eq3A_326 = arith.cmpf oeq, %select_n3A_321, %eq3A_325 : vector<256x2048xf32>
    %jit3A_327 = arith.constant 2048 : i32
    %broadcast_in_dim3A_328 = vector.broadcast %jit3A_327 : i32 to vector<256x2048xi32>
    %select_n3A_329 = arith.select %eq3A_326, %iota3A, %broadcast_in_dim3A_328 : vector<256x2048xi1>, vector<256x2048xi32>
    %reduce_min3A_330 = arith.constant dense<2147483647> : vector<256xi32>
    %reduce_min3A_331 = vector.multi_reduction <minsi>, %select_n3A_329, %reduce_min3A_330 [1] : vector<256x2048xi32> to vector<256xi32>
    %broadcast_in_dim3A_332 = vector.shape_cast %reduce_min3A_331 : vector<256xi32> to vector<256x1xi32>
    %concatenate3A = tpu.concatenate %broadcast_in_dim3A_28, %broadcast_in_dim3A_44, %broadcast_in_dim3A_60, %broadcast_in_dim3A_76, %broadcast_in_dim3A_92, %broadcast_in_dim3A_108, %broadcast_in_dim3A_124, %broadcast_in_dim3A_140, %broadcast_in_dim3A_156, %broadcast_in_dim3A_172, %broadcast_in_dim3A_188, %broadcast_in_dim3A_204, %broadcast_in_dim3A_220, %broadcast_in_dim3A_236, %broadcast_in_dim3A_252, %broadcast_in_dim3A_268, %broadcast_in_dim3A_284, %broadcast_in_dim3A_300, %broadcast_in_dim3A_316, %broadcast_in_dim3A_332 in 1 : vector<256x1xi32>, vector<256x1xi32>, vector<256x1xi32>, vector<256x1xi32>, vector<256x1xi32>, vector<256x1xi32>, vector<256x1xi32>, vector<256x1xi32>, vector<256x1xi32>, vector<256x1xi32>, vector<256x1xi32>, vector<256x1xi32>, vector<256x1xi32>, vector<256x1xi32>, vector<256x1xi32>, vector<256x1xi32>, vector<256x1xi32>, vector<256x1xi32>, vector<256x1xi32>, vector<256x1xi32> -> vector<256x20xi32>
    %mul3A_333 = arith.constant 2048 : i32
    %mul3A_334 = arith.muli %arg0, %mul3A_333 : i32
    %add3A = vector.broadcast %mul3A_334 : i32 to vector<256x20xi32>
    %add3A_335 = arith.addi %concatenate3A, %add3A : vector<256x20xi32>
    %swap3A = arith.constant 0 : index
    %swap3A_336 = arith.constant 0 : index
    %swap3A_337 = arith.constant 0 : index
    %swap3A_338 = vector.load %arg4[%swap3A, %swap3A_336, %swap3A_337] : memref<1x256x20xi32, #tpu.memory_space<vmem>>, vector<1x256x20xi32>
    %swap3A_339 = vector.shape_cast %swap3A_338 : vector<1x256x20xi32> to vector<256x20xi32>
    %swap3A_340 = vector.shape_cast %add3A_335 : vector<256x20xi32> to vector<1x256x20xi32>
    tpu.vector_store %arg4[%swap3A, %swap3A_336, %swap3A_337], %swap3A_340 {strides = array<i32>} : memref<1x256x20xi32, #tpu.memory_space<vmem>>, vector<1x256x20xi32>,
    return
  }
  func.func @transform_0(%arg0: i32, %arg1: i32) -> (i32, i32, i32) {
    %c0_i32 = arith.constant 0 : i32
    %c0_i32_0 = arith.constant 0 : i32
    return %arg0, %c0_i32, %arg1 : i32, i32, i32
  }
  func.func @transform_1(%arg0: i32, %arg1: i32) -> (i32, i32, i32) {
    %c0_i32 = arith.constant 0 : i32
    %c0_i32_0 = arith.constant 0 : i32
    %c0_i32_1 = arith.constant 0 : i32
    return %arg0, %c0_i32, %c0_i32_0 : i32, i32, i32
  }
  func.func @transform_2(%arg0: i32, %arg1: i32) -> (i32, i32, i32) {
    %c0_i32 = arith.constant 0 : i32
    %c0_i32_0 = arith.constant 0 : i32
    return %arg0, %arg1, %c0_i32 : i32, i32, i32
  }
}

module attributes {stable_mosaic.version = 14 : i64} {
  func.func @body(%arg0: i32, %arg1: i32, %arg2: memref<1x20x64x128xf32, #tpu.memory_space<vmem>>, %arg3: memref<1x64x64xf32, #tpu.memory_space<vmem>>, %arg4: memref<128x128xf32, #tpu.memory_space<vmem>>, %arg5: memref<1x64x128xf32, #tpu.memory_space<vmem>>, %arg6: memref<1x20x64x128xf32, #tpu.memory_space<vmem>>) attributes {dimension_semantics = [#tpu.dimension_semantics<arbitrary>, #tpu.dimension_semantics<arbitrary>], iteration_bounds = array<i64: 8, 32>, scalar_prefetch = 0 : i64, scratch_operands = 0 : i64, tpu.core_type = #tpu.core_type<tc>, window_params = [{transform_indices = @transform_0, window_bounds = array<i64: 1, 20, 64, 128>}, {transform_indices = @transform_1, window_bounds = array<i64: 1, 64, 64>}, {pipeline_mode = #tpu.pipeline_mode<synchronous>, transform_indices = @transform_2, window_bounds = array<i64: 128, 128>}, {transform_indices = @transform_3, window_bounds = array<i64: 1, 64, 128>}, {transform_indices = @transform_4, window_bounds = array<i64: 1, 20, 64, 128>}]} {
    %get3A = arith.constant 0 : index
    %get3A_0 = arith.constant 0 : index
    %get3A_1 = arith.constant 0 : index
    %get3A_2 = arith.constant 0 : index
    %get3A_3 = vector.load %arg2[%get3A, %get3A_0, %get3A_1, %get3A_2] : memref<1x20x64x128xf32, #tpu.memory_space<vmem>>, vector<1x20x64x128xf32>
    %get3A_4 = vector.shape_cast %get3A_3 : vector<1x20x64x128xf32> to vector<20x64x128xf32>
    %slice3A = vector.extract_strided_slice %get3A_4 {offsets = [0, 0, 0], sizes = [20, 64, 64], strides = [1, 1, 1]} : vector<20x64x128xf32> to vector<20x64x64xf32>
    %get3A_5 = arith.constant 0 : index
    %get3A_6 = arith.constant 0 : index
    %get3A_7 = arith.constant 0 : index
    %get3A_8 = vector.load %arg3[%get3A_5, %get3A_6, %get3A_7] : memref<1x64x64xf32, #tpu.memory_space<vmem>>, vector<1x64x64xf32>
    %get3A_9 = vector.shape_cast %get3A_8 : vector<1x64x64xf32> to vector<64x64xf32>
    %broadcast_in_dim3A = vector.shape_cast %get3A_9 : vector<64x64xf32> to vector<1x64x64xf32>
    %broadcast_in_dim3A_10 = vector.shape_cast %broadcast_in_dim3A : vector<1x64x64xf32> to vector<1x64x64xf32>
    %broadcast_in_dim3A_11 = vector.broadcast %broadcast_in_dim3A_10 : vector<1x64x64xf32> to vector<20x64x64xf32>
    %concatenate3A = tpu.concatenate %slice3A, %broadcast_in_dim3A_11 in 2 : vector<20x64x64xf32>, vector<20x64x64xf32> -> vector<20x64x128xf32>
    %reshape3A = vector.shape_cast %concatenate3A : vector<20x64x128xf32> to vector<1280x128xf32>
    %get3A_12 = arith.constant 0 : index
    %get3A_13 = arith.constant 0 : index
    %get3A_14 = vector.load %arg4[%get3A_12, %get3A_13] : memref<128x128xf32, #tpu.memory_space<vmem>>, vector<128x128xf32>
    %dot_general3A = arith.constant dense<0.000000e+00> : vector<1280x128xf32>
    %dot_general3A_15 = tpu.matmul %reshape3A, %get3A_14, %dot_general3A {dimension_numbers = #tpu.dot_dimension_numbers<[1], [1], [0], [0], [0, 0, 1, 0], [], []>, transpose_lhs_hint = false} : vector<1280x128xf32>, vector<128x128xf32>, vector<1280x128xf32> -> vector<1280x128xf32>
    %reshape3A_16 = vector.shape_cast %dot_general3A_15 : vector<1280x128xf32> to vector<20x64x128xf32>
    %reduce_max3A = arith.constant dense<0xFF800000> : vector<64x128xf32>
    %reduce_max3A_17 = vector.multi_reduction <maximumf>, %reshape3A_16, %reduce_max3A [0] : vector<20x64x128xf32> to vector<64x128xf32>
    %swap3A = arith.constant 0 : index
    %swap3A_18 = arith.constant 0 : index
    %swap3A_19 = arith.constant 0 : index
    %swap3A_20 = vector.load %arg5[%swap3A, %swap3A_18, %swap3A_19] : memref<1x64x128xf32, #tpu.memory_space<vmem>>, vector<1x64x128xf32>
    %swap3A_21 = vector.shape_cast %swap3A_20 : vector<1x64x128xf32> to vector<64x128xf32>
    %swap3A_22 = vector.shape_cast %reduce_max3A_17 : vector<64x128xf32> to vector<1x64x128xf32>
    tpu.vector_store %arg5[%swap3A, %swap3A_18, %swap3A_19], %swap3A_22 {strides = array<i32>} : memref<1x64x128xf32, #tpu.memory_space<vmem>>, vector<1x64x128xf32>,
    %swap3A_23 = arith.constant 0 : index
    %swap3A_24 = arith.constant 0 : index
    %swap3A_25 = arith.constant 0 : index
    %swap3A_26 = arith.constant 0 : index
    %swap3A_27 = vector.load %arg6[%swap3A_23, %swap3A_24, %swap3A_25, %swap3A_26] : memref<1x20x64x128xf32, #tpu.memory_space<vmem>>, vector<1x20x64x128xf32>
    %swap3A_28 = vector.shape_cast %swap3A_27 : vector<1x20x64x128xf32> to vector<20x64x128xf32>
    %swap3A_29 = vector.shape_cast %reshape3A_16 : vector<20x64x128xf32> to vector<1x20x64x128xf32>
    tpu.vector_store %arg6[%swap3A_23, %swap3A_24, %swap3A_25, %swap3A_26], %swap3A_29 {strides = array<i32>} : memref<1x20x64x128xf32, #tpu.memory_space<vmem>>, vector<1x20x64x128xf32>,
    return
  }
  func.func @transform_0(%arg0: i32, %arg1: i32) -> (i32, i32, i32, i32) {
    %c0_i32 = arith.constant 0 : i32
    %c0_i32_0 = arith.constant 0 : i32
    %c0_i32_1 = arith.constant 0 : i32
    return %arg0, %c0_i32, %arg1, %c0_i32_0 : i32, i32, i32, i32
  }
  func.func @transform_1(%arg0: i32, %arg1: i32) -> (i32, i32, i32) {
    %c0_i32 = arith.constant 0 : i32
    %c0_i32_0 = arith.constant 0 : i32
    return %arg0, %arg1, %c0_i32 : i32, i32, i32
  }
  func.func @transform_2(%arg0: i32, %arg1: i32) -> (i32, i32) {
    %c0_i32 = arith.constant 0 : i32
    %c0_i32_0 = arith.constant 0 : i32
    %c0_i32_1 = arith.constant 0 : i32
    return %c0_i32, %c0_i32_0 : i32, i32
  }
  func.func @transform_3(%arg0: i32, %arg1: i32) -> (i32, i32, i32) {
    %c0_i32 = arith.constant 0 : i32
    %c0_i32_0 = arith.constant 0 : i32
    return %arg0, %arg1, %c0_i32 : i32, i32, i32
  }
  func.func @transform_4(%arg0: i32, %arg1: i32) -> (i32, i32, i32, i32) {
    %c0_i32 = arith.constant 0 : i32
    %c0_i32_0 = arith.constant 0 : i32
    %c0_i32_1 = arith.constant 0 : i32
    return %arg0, %c0_i32, %arg1, %c0_i32_0 : i32, i32, i32, i32
  }
}

module attributes {stable_mosaic.version = 14 : i64} {
  func.func @body(%arg0: i32, %arg1: i32, %arg2: memref<1x20x64x128xf32, #tpu.memory_space<vmem>>, %arg3: memref<1x64x64xf32, #tpu.memory_space<vmem>>, %arg4: memref<64x128xf32, #tpu.memory_space<vmem>>, %arg5: memref<1x64x64xf32, #tpu.memory_space<vmem>>, %arg6: memref<1x20x64x64xf32, #tpu.memory_space<vmem>>) attributes {dimension_semantics = [#tpu.dimension_semantics<arbitrary>, #tpu.dimension_semantics<arbitrary>], iteration_bounds = array<i64: 8, 32>, scalar_prefetch = 0 : i64, scratch_operands = 0 : i64, tpu.core_type = #tpu.core_type<tc>, window_params = [{transform_indices = @transform_0, window_bounds = array<i64: 1, 20, 64, 128>}, {transform_indices = @transform_1, window_bounds = array<i64: 1, 64, 64>}, {pipeline_mode = #tpu.pipeline_mode<synchronous>, transform_indices = @transform_2, window_bounds = array<i64: 64, 128>}, {transform_indices = @transform_3, window_bounds = array<i64: 1, 64, 64>}, {transform_indices = @transform_4, window_bounds = array<i64: 1, 20, 64, 64>}]} {
    %get3A = arith.constant 0 : index
    %get3A_0 = arith.constant 0 : index
    %get3A_1 = arith.constant 0 : index
    %get3A_2 = arith.constant 0 : index
    %get3A_3 = vector.load %arg2[%get3A, %get3A_0, %get3A_1, %get3A_2] : memref<1x20x64x128xf32, #tpu.memory_space<vmem>>, vector<1x20x64x128xf32>
    %get3A_4 = vector.shape_cast %get3A_3 : vector<1x20x64x128xf32> to vector<20x64x128xf32>
    %slice3A = vector.extract_strided_slice %get3A_4 {offsets = [0, 0, 0], sizes = [20, 64, 64], strides = [1, 1, 1]} : vector<20x64x128xf32> to vector<20x64x64xf32>
    %get3A_5 = arith.constant 0 : index
    %get3A_6 = arith.constant 0 : index
    %get3A_7 = arith.constant 0 : index
    %get3A_8 = vector.load %arg3[%get3A_5, %get3A_6, %get3A_7] : memref<1x64x64xf32, #tpu.memory_space<vmem>>, vector<1x64x64xf32>
    %get3A_9 = vector.shape_cast %get3A_8 : vector<1x64x64xf32> to vector<64x64xf32>
    %broadcast_in_dim3A = vector.shape_cast %get3A_9 : vector<64x64xf32> to vector<1x64x64xf32>
    %broadcast_in_dim3A_10 = vector.shape_cast %broadcast_in_dim3A : vector<1x64x64xf32> to vector<1x64x64xf32>
    %broadcast_in_dim3A_11 = vector.broadcast %broadcast_in_dim3A_10 : vector<1x64x64xf32> to vector<20x64x64xf32>
    %concatenate3A = tpu.concatenate %slice3A, %broadcast_in_dim3A_11 in 2 : vector<20x64x64xf32>, vector<20x64x64xf32> -> vector<20x64x128xf32>
    %reshape3A = vector.shape_cast %concatenate3A : vector<20x64x128xf32> to vector<1280x128xf32>
    %get3A_12 = arith.constant 0 : index
    %get3A_13 = arith.constant 0 : index
    %get3A_14 = vector.load %arg4[%get3A_12, %get3A_13] : memref<64x128xf32, #tpu.memory_space<vmem>>, vector<64x128xf32>
    %dot_general3A = arith.constant dense<0.000000e+00> : vector<1280x64xf32>
    %dot_general3A_15 = tpu.matmul %reshape3A, %get3A_14, %dot_general3A {dimension_numbers = #tpu.dot_dimension_numbers<[1], [1], [0], [0], [0, 0, 1, 0], [], []>, transpose_lhs_hint = false} : vector<1280x128xf32>, vector<64x128xf32>, vector<1280x64xf32> -> vector<1280x64xf32>
    %reshape3A_16 = vector.shape_cast %dot_general3A_15 : vector<1280x64xf32> to vector<20x64x64xf32>
    %reduce_max3A = arith.constant dense<0xFF800000> : vector<64x64xf32>
    %reduce_max3A_17 = vector.multi_reduction <maximumf>, %reshape3A_16, %reduce_max3A [0] : vector<20x64x64xf32> to vector<64x64xf32>
    %swap3A = arith.constant 0 : index
    %swap3A_18 = arith.constant 0 : index
    %swap3A_19 = arith.constant 0 : index
    %swap3A_20 = vector.load %arg5[%swap3A, %swap3A_18, %swap3A_19] : memref<1x64x64xf32, #tpu.memory_space<vmem>>, vector<1x64x64xf32>
    %swap3A_21 = vector.shape_cast %swap3A_20 : vector<1x64x64xf32> to vector<64x64xf32>
    %swap3A_22 = vector.shape_cast %reduce_max3A_17 : vector<64x64xf32> to vector<1x64x64xf32>
    tpu.vector_store %arg5[%swap3A, %swap3A_18, %swap3A_19], %swap3A_22 {strides = array<i32>} : memref<1x64x64xf32, #tpu.memory_space<vmem>>, vector<1x64x64xf32>,
    %swap3A_23 = arith.constant 0 : index
    %swap3A_24 = arith.constant 0 : index
    %swap3A_25 = arith.constant 0 : index
    %swap3A_26 = arith.constant 0 : index
    %swap3A_27 = vector.load %arg6[%swap3A_23, %swap3A_24, %swap3A_25, %swap3A_26] : memref<1x20x64x64xf32, #tpu.memory_space<vmem>>, vector<1x20x64x64xf32>
    %swap3A_28 = vector.shape_cast %swap3A_27 : vector<1x20x64x64xf32> to vector<20x64x64xf32>
    %swap3A_29 = vector.shape_cast %reshape3A_16 : vector<20x64x64xf32> to vector<1x20x64x64xf32>
    tpu.vector_store %arg6[%swap3A_23, %swap3A_24, %swap3A_25, %swap3A_26], %swap3A_29 {strides = array<i32>} : memref<1x20x64x64xf32, #tpu.memory_space<vmem>>, vector<1x20x64x64xf32>,
    return
  }
  func.func @transform_0(%arg0: i32, %arg1: i32) -> (i32, i32, i32, i32) {
    %c0_i32 = arith.constant 0 : i32
    %c0_i32_0 = arith.constant 0 : i32
    %c0_i32_1 = arith.constant 0 : i32
    return %arg0, %c0_i32, %arg1, %c0_i32_0 : i32, i32, i32, i32
  }
  func.func @transform_1(%arg0: i32, %arg1: i32) -> (i32, i32, i32) {
    %c0_i32 = arith.constant 0 : i32
    %c0_i32_0 = arith.constant 0 : i32
    return %arg0, %arg1, %c0_i32 : i32, i32, i32
  }
  func.func @transform_2(%arg0: i32, %arg1: i32) -> (i32, i32) {
    %c0_i32 = arith.constant 0 : i32
    %c0_i32_0 = arith.constant 0 : i32
    %c0_i32_1 = arith.constant 0 : i32
    return %c0_i32, %c0_i32_0 : i32, i32
  }
  func.func @transform_3(%arg0: i32, %arg1: i32) -> (i32, i32, i32) {
    %c0_i32 = arith.constant 0 : i32
    %c0_i32_0 = arith.constant 0 : i32
    return %arg0, %arg1, %c0_i32 : i32, i32, i32
  }
  func.func @transform_4(%arg0: i32, %arg1: i32) -> (i32, i32, i32, i32) {
    %c0_i32 = arith.constant 0 : i32
    %c0_i32_0 = arith.constant 0 : i32
    %c0_i32_1 = arith.constant 0 : i32
    return %arg0, %c0_i32, %arg1, %c0_i32_0 : i32, i32, i32, i32
  }
}

module attributes {stable_mosaic.version = 14 : i64} {
  func.func @_norm_body(%arg0: i32, %arg1: memref<256x128xf32, #tpu.memory_space<vmem>>, %arg2: memref<1x128xf32, #tpu.memory_space<vmem>>, %arg3: memref<1x128xf32, #tpu.memory_space<vmem>>, %arg4: memref<256x128xf32, #tpu.memory_space<vmem>>) attributes {dimension_semantics = [#tpu.dimension_semantics<arbitrary>], iteration_bounds = array<i64: 64>, scalar_prefetch = 0 : i64, scratch_operands = 0 : i64, tpu.core_type = #tpu.core_type<tc>, window_params = [{transform_indices = @transform_0, window_bounds = array<i64: 256, 128>}, {pipeline_mode = #tpu.pipeline_mode<synchronous>, transform_indices = @transform_1, window_bounds = array<i64: 1, 128>}, {pipeline_mode = #tpu.pipeline_mode<synchronous>, transform_indices = @transform_2, window_bounds = array<i64: 1, 128>}, {transform_indices = @transform_3, window_bounds = array<i64: 256, 128>}]} {
    %get3A = arith.constant 0 : index
    %get3A_0 = arith.constant 0 : index
    %get3A_1 = vector.load %arg2[%get3A, %get3A_0] : memref<1x128xf32, #tpu.memory_space<vmem>>, vector<1x128xf32>
    %squeeze3A = vector.shape_cast %get3A_1 : vector<1x128xf32> to vector<128xf32>
    %get3A_2 = arith.constant 0 : index
    %get3A_3 = arith.constant 0 : index
    %get3A_4 = vector.load %arg3[%get3A_2, %get3A_3] : memref<1x128xf32, #tpu.memory_space<vmem>>, vector<1x128xf32>
    %squeeze3A_5 = vector.shape_cast %get3A_4 : vector<1x128xf32> to vector<128xf32>
    %add3A = arith.constant 9.99999974E-6 : f32
    %add3A_6 = vector.broadcast %add3A : f32 to vector<128xf32>
    %add3A_7 = arith.addf %squeeze3A_5, %add3A_6 : vector<128xf32>
    %sqrt3A = math.sqrt %add3A_7 : vector<128xf32>
    %get3A_8 = arith.constant 0 : index
    %get3A_9 = arith.constant 0 : index
    %get3A_10 = vector.load %arg1[%get3A_8, %get3A_9] : memref<256x128xf32, #tpu.memory_space<vmem>>, vector<256x128xf32>
    %broadcast_in_dim3A = vector.shape_cast %squeeze3A : vector<128xf32> to vector<1x128xf32>
    %sub3A = vector.broadcast %broadcast_in_dim3A : vector<1x128xf32> to vector<256x128xf32>
    %sub3A_11 = arith.subf %get3A_10, %sub3A : vector<256x128xf32>
    %broadcast_in_dim3A_12 = vector.shape_cast %sqrt3A : vector<128xf32> to vector<1x128xf32>
    %div3A = vector.broadcast %broadcast_in_dim3A_12 : vector<1x128xf32> to vector<256x128xf32>
    %div3A_13 = arith.divf %sub3A_11, %div3A : vector<256x128xf32>
    %ge3A = arith.constant 0.000000e+00 : f32
    %ge3A_14 = vector.broadcast %ge3A : f32 to vector<256x128xf32>
    %ge3A_15 = arith.cmpf oge, %div3A_13, %ge3A_14 : vector<256x128xf32>
    %mul3A = arith.constant 2.000000e-01 : f32
    %mul3A_16 = vector.broadcast %mul3A : f32 to vector<256x128xf32>
    %mul3A_17 = arith.mulf %mul3A_16, %div3A_13 : vector<256x128xf32>
    %select_n3A = arith.select %ge3A_15, %div3A_13, %mul3A_17 : vector<256x128xi1>, vector<256x128xf32>
    %swap3A = arith.constant 0 : index
    %swap3A_18 = arith.constant 0 : index
    %swap3A_19 = vector.load %arg4[%swap3A, %swap3A_18] : memref<256x128xf32, #tpu.memory_space<vmem>>, vector<256x128xf32>
    tpu.vector_store %arg4[%swap3A, %swap3A_18], %select_n3A {strides = array<i32>} : memref<256x128xf32, #tpu.memory_space<vmem>>, vector<256x128xf32>,
    return
  }
  func.func @transform_0(%arg0: i32) -> (i32, i32) {
    %c0_i32 = arith.constant 0 : i32
    %c0_i32_0 = arith.constant 0 : i32
    return %arg0, %c0_i32 : i32, i32
  }
  func.func @transform_1(%arg0: i32) -> (i32, i32) {
    %c0_i32 = arith.constant 0 : i32
    %c0_i32_0 = arith.constant 0 : i32
    %c0_i32_1 = arith.constant 0 : i32
    return %c0_i32, %c0_i32_0 : i32, i32
  }
  func.func @transform_2(%arg0: i32) -> (i32, i32) {
    %c0_i32 = arith.constant 0 : i32
    %c0_i32_0 = arith.constant 0 : i32
    %c0_i32_1 = arith.constant 0 : i32
    return %c0_i32, %c0_i32_0 : i32, i32
  }
  func.func @transform_3(%arg0: i32) -> (i32, i32) {
    %c0_i32 = arith.constant 0 : i32
    %c0_i32_0 = arith.constant 0 : i32
    return %arg0, %c0_i32 : i32, i32
  }
}

module attributes {stable_mosaic.version = 14 : i64} {
  func.func @_knn_body(%arg0: i32, %arg1: i32, %arg2: memref<1x128x256xf32, #tpu.memory_space<vmem>>, %arg3: memref<1x128x2048xf32, #tpu.memory_space<vmem>>, %arg4: memref<1x256x20xi32, #tpu.memory_space<vmem>>) attributes {dimension_semantics = [#tpu.dimension_semantics<arbitrary>, #tpu.dimension_semantics<arbitrary>], iteration_bounds = array<i64: 8, 8>, scalar_prefetch = 0 : i64, scratch_operands = 0 : i64, tpu.core_type = #tpu.core_type<tc>, window_params = [{transform_indices = @transform_0, window_bounds = array<i64: 1, 128, 256>}, {transform_indices = @transform_1, window_bounds = array<i64: 1, 128, 2048>}, {transform_indices = @transform_2, window_bounds = array<i64: 1, 256, 20>}]} {
    %get3A = arith.constant 0 : index
    %get3A_0 = arith.constant 0 : index
    %get3A_1 = arith.constant 0 : index
    %get3A_2 = vector.load %arg2[%get3A, %get3A_0, %get3A_1] : memref<1x128x256xf32, #tpu.memory_space<vmem>>, vector<1x128x256xf32>
    %get3A_3 = vector.shape_cast %get3A_2 : vector<1x128x256xf32> to vector<128x256xf32>
    %get3A_4 = arith.constant 0 : index
    %get3A_5 = arith.constant 0 : index
    %get3A_6 = arith.constant 0 : index
    %get3A_7 = vector.load %arg3[%get3A_4, %get3A_5, %get3A_6] : memref<1x128x2048xf32, #tpu.memory_space<vmem>>, vector<1x128x2048xf32>
    %get3A_8 = vector.shape_cast %get3A_7 : vector<1x128x2048xf32> to vector<128x2048xf32>
    %dot_general3A = arith.constant dense<0.000000e+00> : vector<256x2048xf32>
    %dot_general3A_9 = tpu.matmul %get3A_3, %get3A_8, %dot_general3A {dimension_numbers = #tpu.dot_dimension_numbers<[0], [0], [1], [1], [0, 1, 1, 1], [], []>, transpose_lhs_hint = false} : vector<128x256xf32>, vector<128x2048xf32>, vector<256x2048xf32> -> vector<256x2048xf32>
    %mul3A = arith.mulf %get3A_3, %get3A_3 : vector<128x256xf32>
    %reduce_sum3A = arith.constant dense<0.000000e+00> : vector<256xf32>
    %reduce_sum3A_10 = vector.multi_reduction <add>, %mul3A, %reduce_sum3A [0] : vector<128x256xf32> to vector<256xf32>
    %broadcast_in_dim3A = vector.shape_cast %reduce_sum3A_10 : vector<256xf32> to vector<256x1xf32>
    %mul3A_11 = arith.mulf %get3A_8, %get3A_8 : vector<128x2048xf32>
    %reduce_sum3A_12 = arith.constant dense<0.000000e+00> : vector<2048xf32>
    %reduce_sum3A_13 = vector.multi_reduction <add>, %mul3A_11, %reduce_sum3A_12 [0] : vector<128x2048xf32> to vector<2048xf32>
    %broadcast_in_dim3A_14 = vector.shape_cast %reduce_sum3A_13 : vector<2048xf32> to vector<1x2048xf32>
    %neg3A = arith.constant 0.000000e+00 : f32
    %neg3A_15 = vector.broadcast %neg3A : f32 to vector<256x1xf32>
    %neg3A_16 = arith.subf %neg3A_15, %broadcast_in_dim3A : vector<256x1xf32>
    %mul3A_17 = arith.constant -2.000000e+00 : f32
    %mul3A_18 = vector.broadcast %mul3A_17 : f32 to vector<256x2048xf32>
    %mul3A_19 = arith.mulf %mul3A_18, %dot_general3A_9 : vector<256x2048xf32>
    %sub3A = vector.broadcast %neg3A_16 : vector<256x1xf32> to vector<256x2048xf32>
    %sub3A_20 = arith.subf %sub3A, %mul3A_19 : vector<256x2048xf32>
    %sub3A_21 = vector.broadcast %broadcast_in_dim3A_14 : vector<1x2048xf32> to vector<256x2048xf32>
    %sub3A_22 = arith.subf %sub3A_20, %sub3A_21 : vector<256x2048xf32>
    %iota3A = tpu.iota {dimensions = array<i32: 1>} : vector<256x2048xi32>
    %reduce_max3A = arith.constant dense<0xFF800000> : vector<256xf32>
    %reduce_max3A_23 = vector.multi_reduction <maximumf>, %sub3A_22, %reduce_max3A [1] : vector<256x2048xf32> to vector<256xf32>
    %broadcast_in_dim3A_24 = vector.shape_cast %reduce_max3A_23 : vector<256xf32> to vector<256x1xf32>
    %eq3A = vector.broadcast %broadcast_in_dim3A_24 : vector<256x1xf32> to vector<256x2048xf32>
    %eq3A_25 = arith.cmpf oeq, %sub3A_22, %eq3A : vector<256x2048xf32>
    %jit3A = arith.constant 2048 : i32
    %broadcast_in_dim3A_26 = vector.broadcast %jit3A : i32 to vector<256x2048xi32>
    %select_n3A = arith.select %eq3A_25, %iota3A, %broadcast_in_dim3A_26 : vector<256x2048xi1>, vector<256x2048xi32>
    %reduce_min3A = arith.constant dense<2147483647> : vector<256xi32>
    %reduce_min3A_27 = vector.multi_reduction <minsi>, %select_n3A, %reduce_min3A [1] : vector<256x2048xi32> to vector<256xi32>
    %broadcast_in_dim3A_28 = vector.shape_cast %reduce_min3A_27 : vector<256xi32> to vector<256x1xi32>
    %eq3A_29 = vector.broadcast %broadcast_in_dim3A_28 : vector<256x1xi32> to vector<256x2048xi32>
    %eq3A_30 = arith.cmpi eq, %select_n3A, %eq3A_29 : vector<256x2048xi32>
    %jit3A_31 = arith.constant 0xFF800000 : f32
    %broadcast_in_dim3A_32 = vector.broadcast %jit3A_31 : f32 to vector<256x2048xf32>
    %select_n3A_33 = arith.select %eq3A_30, %broadcast_in_dim3A_32, %sub3A_22 : vector<256x2048xi1>, vector<256x2048xf32>
    %reduce_max3A_34 = arith.constant dense<0xFF800000> : vector<256xf32>
    %reduce_max3A_35 = vector.multi_reduction <maximumf>, %select_n3A_33, %reduce_max3A_34 [1] : vector<256x2048xf32> to vector<256xf32>
    %broadcast_in_dim3A_36 = vector.shape_cast %reduce_max3A_35 : vector<256xf32> to vector<256x1xf32>
    %eq3A_37 = vector.broadcast %broadcast_in_dim3A_36 : vector<256x1xf32> to vector<256x2048xf32>
    %eq3A_38 = arith.cmpf oeq, %select_n3A_33, %eq3A_37 : vector<256x2048xf32>
    %jit3A_39 = arith.constant 2048 : i32
    %broadcast_in_dim3A_40 = vector.broadcast %jit3A_39 : i32 to vector<256x2048xi32>
    %select_n3A_41 = arith.select %eq3A_38, %iota3A, %broadcast_in_dim3A_40 : vector<256x2048xi1>, vector<256x2048xi32>
    %reduce_min3A_42 = arith.constant dense<2147483647> : vector<256xi32>
    %reduce_min3A_43 = vector.multi_reduction <minsi>, %select_n3A_41, %reduce_min3A_42 [1] : vector<256x2048xi32> to vector<256xi32>
    %broadcast_in_dim3A_44 = vector.shape_cast %reduce_min3A_43 : vector<256xi32> to vector<256x1xi32>
    %eq3A_45 = vector.broadcast %broadcast_in_dim3A_44 : vector<256x1xi32> to vector<256x2048xi32>
    %eq3A_46 = arith.cmpi eq, %select_n3A_41, %eq3A_45 : vector<256x2048xi32>
    %jit3A_47 = arith.constant 0xFF800000 : f32
    %broadcast_in_dim3A_48 = vector.broadcast %jit3A_47 : f32 to vector<256x2048xf32>
    %select_n3A_49 = arith.select %eq3A_46, %broadcast_in_dim3A_48, %select_n3A_33 : vector<256x2048xi1>, vector<256x2048xf32>
    %reduce_max3A_50 = arith.constant dense<0xFF800000> : vector<256xf32>
    %reduce_max3A_51 = vector.multi_reduction <maximumf>, %select_n3A_49, %reduce_max3A_50 [1] : vector<256x2048xf32> to vector<256xf32>
    %broadcast_in_dim3A_52 = vector.shape_cast %reduce_max3A_51 : vector<256xf32> to vector<256x1xf32>
    %eq3A_53 = vector.broadcast %broadcast_in_dim3A_52 : vector<256x1xf32> to vector<256x2048xf32>
    %eq3A_54 = arith.cmpf oeq, %select_n3A_49, %eq3A_53 : vector<256x2048xf32>
    %jit3A_55 = arith.constant 2048 : i32
    %broadcast_in_dim3A_56 = vector.broadcast %jit3A_55 : i32 to vector<256x2048xi32>
    %select_n3A_57 = arith.select %eq3A_54, %iota3A, %broadcast_in_dim3A_56 : vector<256x2048xi1>, vector<256x2048xi32>
    %reduce_min3A_58 = arith.constant dense<2147483647> : vector<256xi32>
    %reduce_min3A_59 = vector.multi_reduction <minsi>, %select_n3A_57, %reduce_min3A_58 [1] : vector<256x2048xi32> to vector<256xi32>
    %broadcast_in_dim3A_60 = vector.shape_cast %reduce_min3A_59 : vector<256xi32> to vector<256x1xi32>
    %eq3A_61 = vector.broadcast %broadcast_in_dim3A_60 : vector<256x1xi32> to vector<256x2048xi32>
    %eq3A_62 = arith.cmpi eq, %select_n3A_57, %eq3A_61 : vector<256x2048xi32>
    %jit3A_63 = arith.constant 0xFF800000 : f32
    %broadcast_in_dim3A_64 = vector.broadcast %jit3A_63 : f32 to vector<256x2048xf32>
    %select_n3A_65 = arith.select %eq3A_62, %broadcast_in_dim3A_64, %select_n3A_49 : vector<256x2048xi1>, vector<256x2048xf32>
    %reduce_max3A_66 = arith.constant dense<0xFF800000> : vector<256xf32>
    %reduce_max3A_67 = vector.multi_reduction <maximumf>, %select_n3A_65, %reduce_max3A_66 [1] : vector<256x2048xf32> to vector<256xf32>
    %broadcast_in_dim3A_68 = vector.shape_cast %reduce_max3A_67 : vector<256xf32> to vector<256x1xf32>
    %eq3A_69 = vector.broadcast %broadcast_in_dim3A_68 : vector<256x1xf32> to vector<256x2048xf32>
    %eq3A_70 = arith.cmpf oeq, %select_n3A_65, %eq3A_69 : vector<256x2048xf32>
    %jit3A_71 = arith.constant 2048 : i32
    %broadcast_in_dim3A_72 = vector.broadcast %jit3A_71 : i32 to vector<256x2048xi32>
    %select_n3A_73 = arith.select %eq3A_70, %iota3A, %broadcast_in_dim3A_72 : vector<256x2048xi1>, vector<256x2048xi32>
    %reduce_min3A_74 = arith.constant dense<2147483647> : vector<256xi32>
    %reduce_min3A_75 = vector.multi_reduction <minsi>, %select_n3A_73, %reduce_min3A_74 [1] : vector<256x2048xi32> to vector<256xi32>
    %broadcast_in_dim3A_76 = vector.shape_cast %reduce_min3A_75 : vector<256xi32> to vector<256x1xi32>
    %eq3A_77 = vector.broadcast %broadcast_in_dim3A_76 : vector<256x1xi32> to vector<256x2048xi32>
    %eq3A_78 = arith.cmpi eq, %select_n3A_73, %eq3A_77 : vector<256x2048xi32>
    %jit3A_79 = arith.constant 0xFF800000 : f32
    %broadcast_in_dim3A_80 = vector.broadcast %jit3A_79 : f32 to vector<256x2048xf32>
    %select_n3A_81 = arith.select %eq3A_78, %broadcast_in_dim3A_80, %select_n3A_65 : vector<256x2048xi1>, vector<256x2048xf32>
    %reduce_max3A_82 = arith.constant dense<0xFF800000> : vector<256xf32>
    %reduce_max3A_83 = vector.multi_reduction <maximumf>, %select_n3A_81, %reduce_max3A_82 [1] : vector<256x2048xf32> to vector<256xf32>
    %broadcast_in_dim3A_84 = vector.shape_cast %reduce_max3A_83 : vector<256xf32> to vector<256x1xf32>
    %eq3A_85 = vector.broadcast %broadcast_in_dim3A_84 : vector<256x1xf32> to vector<256x2048xf32>
    %eq3A_86 = arith.cmpf oeq, %select_n3A_81, %eq3A_85 : vector<256x2048xf32>
    %jit3A_87 = arith.constant 2048 : i32
    %broadcast_in_dim3A_88 = vector.broadcast %jit3A_87 : i32 to vector<256x2048xi32>
    %select_n3A_89 = arith.select %eq3A_86, %iota3A, %broadcast_in_dim3A_88 : vector<256x2048xi1>, vector<256x2048xi32>
    %reduce_min3A_90 = arith.constant dense<2147483647> : vector<256xi32>
    %reduce_min3A_91 = vector.multi_reduction <minsi>, %select_n3A_89, %reduce_min3A_90 [1] : vector<256x2048xi32> to vector<256xi32>
    %broadcast_in_dim3A_92 = vector.shape_cast %reduce_min3A_91 : vector<256xi32> to vector<256x1xi32>
    %eq3A_93 = vector.broadcast %broadcast_in_dim3A_92 : vector<256x1xi32> to vector<256x2048xi32>
    %eq3A_94 = arith.cmpi eq, %select_n3A_89, %eq3A_93 : vector<256x2048xi32>
    %jit3A_95 = arith.constant 0xFF800000 : f32
    %broadcast_in_dim3A_96 = vector.broadcast %jit3A_95 : f32 to vector<256x2048xf32>
    %select_n3A_97 = arith.select %eq3A_94, %broadcast_in_dim3A_96, %select_n3A_81 : vector<256x2048xi1>, vector<256x2048xf32>
    %reduce_max3A_98 = arith.constant dense<0xFF800000> : vector<256xf32>
    %reduce_max3A_99 = vector.multi_reduction <maximumf>, %select_n3A_97, %reduce_max3A_98 [1] : vector<256x2048xf32> to vector<256xf32>
    %broadcast_in_dim3A_100 = vector.shape_cast %reduce_max3A_99 : vector<256xf32> to vector<256x1xf32>
    %eq3A_101 = vector.broadcast %broadcast_in_dim3A_100 : vector<256x1xf32> to vector<256x2048xf32>
    %eq3A_102 = arith.cmpf oeq, %select_n3A_97, %eq3A_101 : vector<256x2048xf32>
    %jit3A_103 = arith.constant 2048 : i32
    %broadcast_in_dim3A_104 = vector.broadcast %jit3A_103 : i32 to vector<256x2048xi32>
    %select_n3A_105 = arith.select %eq3A_102, %iota3A, %broadcast_in_dim3A_104 : vector<256x2048xi1>, vector<256x2048xi32>
    %reduce_min3A_106 = arith.constant dense<2147483647> : vector<256xi32>
    %reduce_min3A_107 = vector.multi_reduction <minsi>, %select_n3A_105, %reduce_min3A_106 [1] : vector<256x2048xi32> to vector<256xi32>
    %broadcast_in_dim3A_108 = vector.shape_cast %reduce_min3A_107 : vector<256xi32> to vector<256x1xi32>
    %eq3A_109 = vector.broadcast %broadcast_in_dim3A_108 : vector<256x1xi32> to vector<256x2048xi32>
    %eq3A_110 = arith.cmpi eq, %select_n3A_105, %eq3A_109 : vector<256x2048xi32>
    %jit3A_111 = arith.constant 0xFF800000 : f32
    %broadcast_in_dim3A_112 = vector.broadcast %jit3A_111 : f32 to vector<256x2048xf32>
    %select_n3A_113 = arith.select %eq3A_110, %broadcast_in_dim3A_112, %select_n3A_97 : vector<256x2048xi1>, vector<256x2048xf32>
    %reduce_max3A_114 = arith.constant dense<0xFF800000> : vector<256xf32>
    %reduce_max3A_115 = vector.multi_reduction <maximumf>, %select_n3A_113, %reduce_max3A_114 [1] : vector<256x2048xf32> to vector<256xf32>
    %broadcast_in_dim3A_116 = vector.shape_cast %reduce_max3A_115 : vector<256xf32> to vector<256x1xf32>
    %eq3A_117 = vector.broadcast %broadcast_in_dim3A_116 : vector<256x1xf32> to vector<256x2048xf32>
    %eq3A_118 = arith.cmpf oeq, %select_n3A_113, %eq3A_117 : vector<256x2048xf32>
    %jit3A_119 = arith.constant 2048 : i32
    %broadcast_in_dim3A_120 = vector.broadcast %jit3A_119 : i32 to vector<256x2048xi32>
    %select_n3A_121 = arith.select %eq3A_118, %iota3A, %broadcast_in_dim3A_120 : vector<256x2048xi1>, vector<256x2048xi32>
    %reduce_min3A_122 = arith.constant dense<2147483647> : vector<256xi32>
    %reduce_min3A_123 = vector.multi_reduction <minsi>, %select_n3A_121, %reduce_min3A_122 [1] : vector<256x2048xi32> to vector<256xi32>
    %broadcast_in_dim3A_124 = vector.shape_cast %reduce_min3A_123 : vector<256xi32> to vector<256x1xi32>
    %eq3A_125 = vector.broadcast %broadcast_in_dim3A_124 : vector<256x1xi32> to vector<256x2048xi32>
    %eq3A_126 = arith.cmpi eq, %select_n3A_121, %eq3A_125 : vector<256x2048xi32>
    %jit3A_127 = arith.constant 0xFF800000 : f32
    %broadcast_in_dim3A_128 = vector.broadcast %jit3A_127 : f32 to vector<256x2048xf32>
    %select_n3A_129 = arith.select %eq3A_126, %broadcast_in_dim3A_128, %select_n3A_113 : vector<256x2048xi1>, vector<256x2048xf32>
    %reduce_max3A_130 = arith.constant dense<0xFF800000> : vector<256xf32>
    %reduce_max3A_131 = vector.multi_reduction <maximumf>, %select_n3A_129, %reduce_max3A_130 [1] : vector<256x2048xf32> to vector<256xf32>
    %broadcast_in_dim3A_132 = vector.shape_cast %reduce_max3A_131 : vector<256xf32> to vector<256x1xf32>
    %eq3A_133 = vector.broadcast %broadcast_in_dim3A_132 : vector<256x1xf32> to vector<256x2048xf32>
    %eq3A_134 = arith.cmpf oeq, %select_n3A_129, %eq3A_133 : vector<256x2048xf32>
    %jit3A_135 = arith.constant 2048 : i32
    %broadcast_in_dim3A_136 = vector.broadcast %jit3A_135 : i32 to vector<256x2048xi32>
    %select_n3A_137 = arith.select %eq3A_134, %iota3A, %broadcast_in_dim3A_136 : vector<256x2048xi1>, vector<256x2048xi32>
    %reduce_min3A_138 = arith.constant dense<2147483647> : vector<256xi32>
    %reduce_min3A_139 = vector.multi_reduction <minsi>, %select_n3A_137, %reduce_min3A_138 [1] : vector<256x2048xi32> to vector<256xi32>
    %broadcast_in_dim3A_140 = vector.shape_cast %reduce_min3A_139 : vector<256xi32> to vector<256x1xi32>
    %eq3A_141 = vector.broadcast %broadcast_in_dim3A_140 : vector<256x1xi32> to vector<256x2048xi32>
    %eq3A_142 = arith.cmpi eq, %select_n3A_137, %eq3A_141 : vector<256x2048xi32>
    %jit3A_143 = arith.constant 0xFF800000 : f32
    %broadcast_in_dim3A_144 = vector.broadcast %jit3A_143 : f32 to vector<256x2048xf32>
    %select_n3A_145 = arith.select %eq3A_142, %broadcast_in_dim3A_144, %select_n3A_129 : vector<256x2048xi1>, vector<256x2048xf32>
    %reduce_max3A_146 = arith.constant dense<0xFF800000> : vector<256xf32>
    %reduce_max3A_147 = vector.multi_reduction <maximumf>, %select_n3A_145, %reduce_max3A_146 [1] : vector<256x2048xf32> to vector<256xf32>
    %broadcast_in_dim3A_148 = vector.shape_cast %reduce_max3A_147 : vector<256xf32> to vector<256x1xf32>
    %eq3A_149 = vector.broadcast %broadcast_in_dim3A_148 : vector<256x1xf32> to vector<256x2048xf32>
    %eq3A_150 = arith.cmpf oeq, %select_n3A_145, %eq3A_149 : vector<256x2048xf32>
    %jit3A_151 = arith.constant 2048 : i32
    %broadcast_in_dim3A_152 = vector.broadcast %jit3A_151 : i32 to vector<256x2048xi32>
    %select_n3A_153 = arith.select %eq3A_150, %iota3A, %broadcast_in_dim3A_152 : vector<256x2048xi1>, vector<256x2048xi32>
    %reduce_min3A_154 = arith.constant dense<2147483647> : vector<256xi32>
    %reduce_min3A_155 = vector.multi_reduction <minsi>, %select_n3A_153, %reduce_min3A_154 [1] : vector<256x2048xi32> to vector<256xi32>
    %broadcast_in_dim3A_156 = vector.shape_cast %reduce_min3A_155 : vector<256xi32> to vector<256x1xi32>
    %eq3A_157 = vector.broadcast %broadcast_in_dim3A_156 : vector<256x1xi32> to vector<256x2048xi32>
    %eq3A_158 = arith.cmpi eq, %select_n3A_153, %eq3A_157 : vector<256x2048xi32>
    %jit3A_159 = arith.constant 0xFF800000 : f32
    %broadcast_in_dim3A_160 = vector.broadcast %jit3A_159 : f32 to vector<256x2048xf32>
    %select_n3A_161 = arith.select %eq3A_158, %broadcast_in_dim3A_160, %select_n3A_145 : vector<256x2048xi1>, vector<256x2048xf32>
    %reduce_max3A_162 = arith.constant dense<0xFF800000> : vector<256xf32>
    %reduce_max3A_163 = vector.multi_reduction <maximumf>, %select_n3A_161, %reduce_max3A_162 [1] : vector<256x2048xf32> to vector<256xf32>
    %broadcast_in_dim3A_164 = vector.shape_cast %reduce_max3A_163 : vector<256xf32> to vector<256x1xf32>
    %eq3A_165 = vector.broadcast %broadcast_in_dim3A_164 : vector<256x1xf32> to vector<256x2048xf32>
    %eq3A_166 = arith.cmpf oeq, %select_n3A_161, %eq3A_165 : vector<256x2048xf32>
    %jit3A_167 = arith.constant 2048 : i32
    %broadcast_in_dim3A_168 = vector.broadcast %jit3A_167 : i32 to vector<256x2048xi32>
    %select_n3A_169 = arith.select %eq3A_166, %iota3A, %broadcast_in_dim3A_168 : vector<256x2048xi1>, vector<256x2048xi32>
    %reduce_min3A_170 = arith.constant dense<2147483647> : vector<256xi32>
    %reduce_min3A_171 = vector.multi_reduction <minsi>, %select_n3A_169, %reduce_min3A_170 [1] : vector<256x2048xi32> to vector<256xi32>
    %broadcast_in_dim3A_172 = vector.shape_cast %reduce_min3A_171 : vector<256xi32> to vector<256x1xi32>
    %eq3A_173 = vector.broadcast %broadcast_in_dim3A_172 : vector<256x1xi32> to vector<256x2048xi32>
    %eq3A_174 = arith.cmpi eq, %select_n3A_169, %eq3A_173 : vector<256x2048xi32>
    %jit3A_175 = arith.constant 0xFF800000 : f32
    %broadcast_in_dim3A_176 = vector.broadcast %jit3A_175 : f32 to vector<256x2048xf32>
    %select_n3A_177 = arith.select %eq3A_174, %broadcast_in_dim3A_176, %select_n3A_161 : vector<256x2048xi1>, vector<256x2048xf32>
    %reduce_max3A_178 = arith.constant dense<0xFF800000> : vector<256xf32>
    %reduce_max3A_179 = vector.multi_reduction <maximumf>, %select_n3A_177, %reduce_max3A_178 [1] : vector<256x2048xf32> to vector<256xf32>
    %broadcast_in_dim3A_180 = vector.shape_cast %reduce_max3A_179 : vector<256xf32> to vector<256x1xf32>
    %eq3A_181 = vector.broadcast %broadcast_in_dim3A_180 : vector<256x1xf32> to vector<256x2048xf32>
    %eq3A_182 = arith.cmpf oeq, %select_n3A_177, %eq3A_181 : vector<256x2048xf32>
    %jit3A_183 = arith.constant 2048 : i32
    %broadcast_in_dim3A_184 = vector.broadcast %jit3A_183 : i32 to vector<256x2048xi32>
    %select_n3A_185 = arith.select %eq3A_182, %iota3A, %broadcast_in_dim3A_184 : vector<256x2048xi1>, vector<256x2048xi32>
    %reduce_min3A_186 = arith.constant dense<2147483647> : vector<256xi32>
    %reduce_min3A_187 = vector.multi_reduction <minsi>, %select_n3A_185, %reduce_min3A_186 [1] : vector<256x2048xi32> to vector<256xi32>
    %broadcast_in_dim3A_188 = vector.shape_cast %reduce_min3A_187 : vector<256xi32> to vector<256x1xi32>
    %eq3A_189 = vector.broadcast %broadcast_in_dim3A_188 : vector<256x1xi32> to vector<256x2048xi32>
    %eq3A_190 = arith.cmpi eq, %select_n3A_185, %eq3A_189 : vector<256x2048xi32>
    %jit3A_191 = arith.constant 0xFF800000 : f32
    %broadcast_in_dim3A_192 = vector.broadcast %jit3A_191 : f32 to vector<256x2048xf32>
    %select_n3A_193 = arith.select %eq3A_190, %broadcast_in_dim3A_192, %select_n3A_177 : vector<256x2048xi1>, vector<256x2048xf32>
    %reduce_max3A_194 = arith.constant dense<0xFF800000> : vector<256xf32>
    %reduce_max3A_195 = vector.multi_reduction <maximumf>, %select_n3A_193, %reduce_max3A_194 [1] : vector<256x2048xf32> to vector<256xf32>
    %broadcast_in_dim3A_196 = vector.shape_cast %reduce_max3A_195 : vector<256xf32> to vector<256x1xf32>
    %eq3A_197 = vector.broadcast %broadcast_in_dim3A_196 : vector<256x1xf32> to vector<256x2048xf32>
    %eq3A_198 = arith.cmpf oeq, %select_n3A_193, %eq3A_197 : vector<256x2048xf32>
    %jit3A_199 = arith.constant 2048 : i32
    %broadcast_in_dim3A_200 = vector.broadcast %jit3A_199 : i32 to vector<256x2048xi32>
    %select_n3A_201 = arith.select %eq3A_198, %iota3A, %broadcast_in_dim3A_200 : vector<256x2048xi1>, vector<256x2048xi32>
    %reduce_min3A_202 = arith.constant dense<2147483647> : vector<256xi32>
    %reduce_min3A_203 = vector.multi_reduction <minsi>, %select_n3A_201, %reduce_min3A_202 [1] : vector<256x2048xi32> to vector<256xi32>
    %broadcast_in_dim3A_204 = vector.shape_cast %reduce_min3A_203 : vector<256xi32> to vector<256x1xi32>
    %eq3A_205 = vector.broadcast %broadcast_in_dim3A_204 : vector<256x1xi32> to vector<256x2048xi32>
    %eq3A_206 = arith.cmpi eq, %select_n3A_201, %eq3A_205 : vector<256x2048xi32>
    %jit3A_207 = arith.constant 0xFF800000 : f32
    %broadcast_in_dim3A_208 = vector.broadcast %jit3A_207 : f32 to vector<256x2048xf32>
    %select_n3A_209 = arith.select %eq3A_206, %broadcast_in_dim3A_208, %select_n3A_193 : vector<256x2048xi1>, vector<256x2048xf32>
    %reduce_max3A_210 = arith.constant dense<0xFF800000> : vector<256xf32>
    %reduce_max3A_211 = vector.multi_reduction <maximumf>, %select_n3A_209, %reduce_max3A_210 [1] : vector<256x2048xf32> to vector<256xf32>
    %broadcast_in_dim3A_212 = vector.shape_cast %reduce_max3A_211 : vector<256xf32> to vector<256x1xf32>
    %eq3A_213 = vector.broadcast %broadcast_in_dim3A_212 : vector<256x1xf32> to vector<256x2048xf32>
    %eq3A_214 = arith.cmpf oeq, %select_n3A_209, %eq3A_213 : vector<256x2048xf32>
    %jit3A_215 = arith.constant 2048 : i32
    %broadcast_in_dim3A_216 = vector.broadcast %jit3A_215 : i32 to vector<256x2048xi32>
    %select_n3A_217 = arith.select %eq3A_214, %iota3A, %broadcast_in_dim3A_216 : vector<256x2048xi1>, vector<256x2048xi32>
    %reduce_min3A_218 = arith.constant dense<2147483647> : vector<256xi32>
    %reduce_min3A_219 = vector.multi_reduction <minsi>, %select_n3A_217, %reduce_min3A_218 [1] : vector<256x2048xi32> to vector<256xi32>
    %broadcast_in_dim3A_220 = vector.shape_cast %reduce_min3A_219 : vector<256xi32> to vector<256x1xi32>
    %eq3A_221 = vector.broadcast %broadcast_in_dim3A_220 : vector<256x1xi32> to vector<256x2048xi32>
    %eq3A_222 = arith.cmpi eq, %select_n3A_217, %eq3A_221 : vector<256x2048xi32>
    %jit3A_223 = arith.constant 0xFF800000 : f32
    %broadcast_in_dim3A_224 = vector.broadcast %jit3A_223 : f32 to vector<256x2048xf32>
    %select_n3A_225 = arith.select %eq3A_222, %broadcast_in_dim3A_224, %select_n3A_209 : vector<256x2048xi1>, vector<256x2048xf32>
    %reduce_max3A_226 = arith.constant dense<0xFF800000> : vector<256xf32>
    %reduce_max3A_227 = vector.multi_reduction <maximumf>, %select_n3A_225, %reduce_max3A_226 [1] : vector<256x2048xf32> to vector<256xf32>
    %broadcast_in_dim3A_228 = vector.shape_cast %reduce_max3A_227 : vector<256xf32> to vector<256x1xf32>
    %eq3A_229 = vector.broadcast %broadcast_in_dim3A_228 : vector<256x1xf32> to vector<256x2048xf32>
    %eq3A_230 = arith.cmpf oeq, %select_n3A_225, %eq3A_229 : vector<256x2048xf32>
    %jit3A_231 = arith.constant 2048 : i32
    %broadcast_in_dim3A_232 = vector.broadcast %jit3A_231 : i32 to vector<256x2048xi32>
    %select_n3A_233 = arith.select %eq3A_230, %iota3A, %broadcast_in_dim3A_232 : vector<256x2048xi1>, vector<256x2048xi32>
    %reduce_min3A_234 = arith.constant dense<2147483647> : vector<256xi32>
    %reduce_min3A_235 = vector.multi_reduction <minsi>, %select_n3A_233, %reduce_min3A_234 [1] : vector<256x2048xi32> to vector<256xi32>
    %broadcast_in_dim3A_236 = vector.shape_cast %reduce_min3A_235 : vector<256xi32> to vector<256x1xi32>
    %eq3A_237 = vector.broadcast %broadcast_in_dim3A_236 : vector<256x1xi32> to vector<256x2048xi32>
    %eq3A_238 = arith.cmpi eq, %select_n3A_233, %eq3A_237 : vector<256x2048xi32>
    %jit3A_239 = arith.constant 0xFF800000 : f32
    %broadcast_in_dim3A_240 = vector.broadcast %jit3A_239 : f32 to vector<256x2048xf32>
    %select_n3A_241 = arith.select %eq3A_238, %broadcast_in_dim3A_240, %select_n3A_225 : vector<256x2048xi1>, vector<256x2048xf32>
    %reduce_max3A_242 = arith.constant dense<0xFF800000> : vector<256xf32>
    %reduce_max3A_243 = vector.multi_reduction <maximumf>, %select_n3A_241, %reduce_max3A_242 [1] : vector<256x2048xf32> to vector<256xf32>
    %broadcast_in_dim3A_244 = vector.shape_cast %reduce_max3A_243 : vector<256xf32> to vector<256x1xf32>
    %eq3A_245 = vector.broadcast %broadcast_in_dim3A_244 : vector<256x1xf32> to vector<256x2048xf32>
    %eq3A_246 = arith.cmpf oeq, %select_n3A_241, %eq3A_245 : vector<256x2048xf32>
    %jit3A_247 = arith.constant 2048 : i32
    %broadcast_in_dim3A_248 = vector.broadcast %jit3A_247 : i32 to vector<256x2048xi32>
    %select_n3A_249 = arith.select %eq3A_246, %iota3A, %broadcast_in_dim3A_248 : vector<256x2048xi1>, vector<256x2048xi32>
    %reduce_min3A_250 = arith.constant dense<2147483647> : vector<256xi32>
    %reduce_min3A_251 = vector.multi_reduction <minsi>, %select_n3A_249, %reduce_min3A_250 [1] : vector<256x2048xi32> to vector<256xi32>
    %broadcast_in_dim3A_252 = vector.shape_cast %reduce_min3A_251 : vector<256xi32> to vector<256x1xi32>
    %eq3A_253 = vector.broadcast %broadcast_in_dim3A_252 : vector<256x1xi32> to vector<256x2048xi32>
    %eq3A_254 = arith.cmpi eq, %select_n3A_249, %eq3A_253 : vector<256x2048xi32>
    %jit3A_255 = arith.constant 0xFF800000 : f32
    %broadcast_in_dim3A_256 = vector.broadcast %jit3A_255 : f32 to vector<256x2048xf32>
    %select_n3A_257 = arith.select %eq3A_254, %broadcast_in_dim3A_256, %select_n3A_241 : vector<256x2048xi1>, vector<256x2048xf32>
    %reduce_max3A_258 = arith.constant dense<0xFF800000> : vector<256xf32>
    %reduce_max3A_259 = vector.multi_reduction <maximumf>, %select_n3A_257, %reduce_max3A_258 [1] : vector<256x2048xf32> to vector<256xf32>
    %broadcast_in_dim3A_260 = vector.shape_cast %reduce_max3A_259 : vector<256xf32> to vector<256x1xf32>
    %eq3A_261 = vector.broadcast %broadcast_in_dim3A_260 : vector<256x1xf32> to vector<256x2048xf32>
    %eq3A_262 = arith.cmpf oeq, %select_n3A_257, %eq3A_261 : vector<256x2048xf32>
    %jit3A_263 = arith.constant 2048 : i32
    %broadcast_in_dim3A_264 = vector.broadcast %jit3A_263 : i32 to vector<256x2048xi32>
    %select_n3A_265 = arith.select %eq3A_262, %iota3A, %broadcast_in_dim3A_264 : vector<256x2048xi1>, vector<256x2048xi32>
    %reduce_min3A_266 = arith.constant dense<2147483647> : vector<256xi32>
    %reduce_min3A_267 = vector.multi_reduction <minsi>, %select_n3A_265, %reduce_min3A_266 [1] : vector<256x2048xi32> to vector<256xi32>
    %broadcast_in_dim3A_268 = vector.shape_cast %reduce_min3A_267 : vector<256xi32> to vector<256x1xi32>
    %eq3A_269 = vector.broadcast %broadcast_in_dim3A_268 : vector<256x1xi32> to vector<256x2048xi32>
    %eq3A_270 = arith.cmpi eq, %select_n3A_265, %eq3A_269 : vector<256x2048xi32>
    %jit3A_271 = arith.constant 0xFF800000 : f32
    %broadcast_in_dim3A_272 = vector.broadcast %jit3A_271 : f32 to vector<256x2048xf32>
    %select_n3A_273 = arith.select %eq3A_270, %broadcast_in_dim3A_272, %select_n3A_257 : vector<256x2048xi1>, vector<256x2048xf32>
    %reduce_max3A_274 = arith.constant dense<0xFF800000> : vector<256xf32>
    %reduce_max3A_275 = vector.multi_reduction <maximumf>, %select_n3A_273, %reduce_max3A_274 [1] : vector<256x2048xf32> to vector<256xf32>
    %broadcast_in_dim3A_276 = vector.shape_cast %reduce_max3A_275 : vector<256xf32> to vector<256x1xf32>
    %eq3A_277 = vector.broadcast %broadcast_in_dim3A_276 : vector<256x1xf32> to vector<256x2048xf32>
    %eq3A_278 = arith.cmpf oeq, %select_n3A_273, %eq3A_277 : vector<256x2048xf32>
    %jit3A_279 = arith.constant 2048 : i32
    %broadcast_in_dim3A_280 = vector.broadcast %jit3A_279 : i32 to vector<256x2048xi32>
    %select_n3A_281 = arith.select %eq3A_278, %iota3A, %broadcast_in_dim3A_280 : vector<256x2048xi1>, vector<256x2048xi32>
    %reduce_min3A_282 = arith.constant dense<2147483647> : vector<256xi32>
    %reduce_min3A_283 = vector.multi_reduction <minsi>, %select_n3A_281, %reduce_min3A_282 [1] : vector<256x2048xi32> to vector<256xi32>
    %broadcast_in_dim3A_284 = vector.shape_cast %reduce_min3A_283 : vector<256xi32> to vector<256x1xi32>
    %eq3A_285 = vector.broadcast %broadcast_in_dim3A_284 : vector<256x1xi32> to vector<256x2048xi32>
    %eq3A_286 = arith.cmpi eq, %select_n3A_281, %eq3A_285 : vector<256x2048xi32>
    %jit3A_287 = arith.constant 0xFF800000 : f32
    %broadcast_in_dim3A_288 = vector.broadcast %jit3A_287 : f32 to vector<256x2048xf32>
    %select_n3A_289 = arith.select %eq3A_286, %broadcast_in_dim3A_288, %select_n3A_273 : vector<256x2048xi1>, vector<256x2048xf32>
    %reduce_max3A_290 = arith.constant dense<0xFF800000> : vector<256xf32>
    %reduce_max3A_291 = vector.multi_reduction <maximumf>, %select_n3A_289, %reduce_max3A_290 [1] : vector<256x2048xf32> to vector<256xf32>
    %broadcast_in_dim3A_292 = vector.shape_cast %reduce_max3A_291 : vector<256xf32> to vector<256x1xf32>
    %eq3A_293 = vector.broadcast %broadcast_in_dim3A_292 : vector<256x1xf32> to vector<256x2048xf32>
    %eq3A_294 = arith.cmpf oeq, %select_n3A_289, %eq3A_293 : vector<256x2048xf32>
    %jit3A_295 = arith.constant 2048 : i32
    %broadcast_in_dim3A_296 = vector.broadcast %jit3A_295 : i32 to vector<256x2048xi32>
    %select_n3A_297 = arith.select %eq3A_294, %iota3A, %broadcast_in_dim3A_296 : vector<256x2048xi1>, vector<256x2048xi32>
    %reduce_min3A_298 = arith.constant dense<2147483647> : vector<256xi32>
    %reduce_min3A_299 = vector.multi_reduction <minsi>, %select_n3A_297, %reduce_min3A_298 [1] : vector<256x2048xi32> to vector<256xi32>
    %broadcast_in_dim3A_300 = vector.shape_cast %reduce_min3A_299 : vector<256xi32> to vector<256x1xi32>
    %eq3A_301 = vector.broadcast %broadcast_in_dim3A_300 : vector<256x1xi32> to vector<256x2048xi32>
    %eq3A_302 = arith.cmpi eq, %select_n3A_297, %eq3A_301 : vector<256x2048xi32>
    %jit3A_303 = arith.constant 0xFF800000 : f32
    %broadcast_in_dim3A_304 = vector.broadcast %jit3A_303 : f32 to vector<256x2048xf32>
    %select_n3A_305 = arith.select %eq3A_302, %broadcast_in_dim3A_304, %select_n3A_289 : vector<256x2048xi1>, vector<256x2048xf32>
    %reduce_max3A_306 = arith.constant dense<0xFF800000> : vector<256xf32>
    %reduce_max3A_307 = vector.multi_reduction <maximumf>, %select_n3A_305, %reduce_max3A_306 [1] : vector<256x2048xf32> to vector<256xf32>
    %broadcast_in_dim3A_308 = vector.shape_cast %reduce_max3A_307 : vector<256xf32> to vector<256x1xf32>
    %eq3A_309 = vector.broadcast %broadcast_in_dim3A_308 : vector<256x1xf32> to vector<256x2048xf32>
    %eq3A_310 = arith.cmpf oeq, %select_n3A_305, %eq3A_309 : vector<256x2048xf32>
    %jit3A_311 = arith.constant 2048 : i32
    %broadcast_in_dim3A_312 = vector.broadcast %jit3A_311 : i32 to vector<256x2048xi32>
    %select_n3A_313 = arith.select %eq3A_310, %iota3A, %broadcast_in_dim3A_312 : vector<256x2048xi1>, vector<256x2048xi32>
    %reduce_min3A_314 = arith.constant dense<2147483647> : vector<256xi32>
    %reduce_min3A_315 = vector.multi_reduction <minsi>, %select_n3A_313, %reduce_min3A_314 [1] : vector<256x2048xi32> to vector<256xi32>
    %broadcast_in_dim3A_316 = vector.shape_cast %reduce_min3A_315 : vector<256xi32> to vector<256x1xi32>
    %eq3A_317 = vector.broadcast %broadcast_in_dim3A_316 : vector<256x1xi32> to vector<256x2048xi32>
    %eq3A_318 = arith.cmpi eq, %select_n3A_313, %eq3A_317 : vector<256x2048xi32>
    %jit3A_319 = arith.constant 0xFF800000 : f32
    %broadcast_in_dim3A_320 = vector.broadcast %jit3A_319 : f32 to vector<256x2048xf32>
    %select_n3A_321 = arith.select %eq3A_318, %broadcast_in_dim3A_320, %select_n3A_305 : vector<256x2048xi1>, vector<256x2048xf32>
    %reduce_max3A_322 = arith.constant dense<0xFF800000> : vector<256xf32>
    %reduce_max3A_323 = vector.multi_reduction <maximumf>, %select_n3A_321, %reduce_max3A_322 [1] : vector<256x2048xf32> to vector<256xf32>
    %broadcast_in_dim3A_324 = vector.shape_cast %reduce_max3A_323 : vector<256xf32> to vector<256x1xf32>
    %eq3A_325 = vector.broadcast %broadcast_in_dim3A_324 : vector<256x1xf32> to vector<256x2048xf32>
    %eq3A_326 = arith.cmpf oeq, %select_n3A_321, %eq3A_325 : vector<256x2048xf32>
    %jit3A_327 = arith.constant 2048 : i32
    %broadcast_in_dim3A_328 = vector.broadcast %jit3A_327 : i32 to vector<256x2048xi32>
    %select_n3A_329 = arith.select %eq3A_326, %iota3A, %broadcast_in_dim3A_328 : vector<256x2048xi1>, vector<256x2048xi32>
    %reduce_min3A_330 = arith.constant dense<2147483647> : vector<256xi32>
    %reduce_min3A_331 = vector.multi_reduction <minsi>, %select_n3A_329, %reduce_min3A_330 [1] : vector<256x2048xi32> to vector<256xi32>
    %broadcast_in_dim3A_332 = vector.shape_cast %reduce_min3A_331 : vector<256xi32> to vector<256x1xi32>
    %concatenate3A = tpu.concatenate %broadcast_in_dim3A_28, %broadcast_in_dim3A_44, %broadcast_in_dim3A_60, %broadcast_in_dim3A_76, %broadcast_in_dim3A_92, %broadcast_in_dim3A_108, %broadcast_in_dim3A_124, %broadcast_in_dim3A_140, %broadcast_in_dim3A_156, %broadcast_in_dim3A_172, %broadcast_in_dim3A_188, %broadcast_in_dim3A_204, %broadcast_in_dim3A_220, %broadcast_in_dim3A_236, %broadcast_in_dim3A_252, %broadcast_in_dim3A_268, %broadcast_in_dim3A_284, %broadcast_in_dim3A_300, %broadcast_in_dim3A_316, %broadcast_in_dim3A_332 in 1 : vector<256x1xi32>, vector<256x1xi32>, vector<256x1xi32>, vector<256x1xi32>, vector<256x1xi32>, vector<256x1xi32>, vector<256x1xi32>, vector<256x1xi32>, vector<256x1xi32>, vector<256x1xi32>, vector<256x1xi32>, vector<256x1xi32>, vector<256x1xi32>, vector<256x1xi32>, vector<256x1xi32>, vector<256x1xi32>, vector<256x1xi32>, vector<256x1xi32>, vector<256x1xi32>, vector<256x1xi32> -> vector<256x20xi32>
    %mul3A_333 = arith.constant 2048 : i32
    %mul3A_334 = arith.muli %arg0, %mul3A_333 : i32
    %add3A = vector.broadcast %mul3A_334 : i32 to vector<256x20xi32>
    %add3A_335 = arith.addi %concatenate3A, %add3A : vector<256x20xi32>
    %swap3A = arith.constant 0 : index
    %swap3A_336 = arith.constant 0 : index
    %swap3A_337 = arith.constant 0 : index
    %swap3A_338 = vector.load %arg4[%swap3A, %swap3A_336, %swap3A_337] : memref<1x256x20xi32, #tpu.memory_space<vmem>>, vector<1x256x20xi32>
    %swap3A_339 = vector.shape_cast %swap3A_338 : vector<1x256x20xi32> to vector<256x20xi32>
    %swap3A_340 = vector.shape_cast %add3A_335 : vector<256x20xi32> to vector<1x256x20xi32>
    tpu.vector_store %arg4[%swap3A, %swap3A_336, %swap3A_337], %swap3A_340 {strides = array<i32>} : memref<1x256x20xi32, #tpu.memory_space<vmem>>, vector<1x256x20xi32>,
    return
  }
  func.func @transform_0(%arg0: i32, %arg1: i32) -> (i32, i32, i32) {
    %c0_i32 = arith.constant 0 : i32
    %c0_i32_0 = arith.constant 0 : i32
    return %arg0, %c0_i32, %arg1 : i32, i32, i32
  }
  func.func @transform_1(%arg0: i32, %arg1: i32) -> (i32, i32, i32) {
    %c0_i32 = arith.constant 0 : i32
    %c0_i32_0 = arith.constant 0 : i32
    %c0_i32_1 = arith.constant 0 : i32
    return %arg0, %c0_i32, %c0_i32_0 : i32, i32, i32
  }
  func.func @transform_2(%arg0: i32, %arg1: i32) -> (i32, i32, i32) {
    %c0_i32 = arith.constant 0 : i32
    %c0_i32_0 = arith.constant 0 : i32
    return %arg0, %arg1, %c0_i32 : i32, i32, i32
  }
}

module attributes {stable_mosaic.version = 14 : i64} {
  func.func @body(%arg0: i32, %arg1: i32, %arg2: memref<1x20x64x128xf32, #tpu.memory_space<vmem>>, %arg3: memref<1x64x128xf32, #tpu.memory_space<vmem>>, %arg4: memref<256x256xf32, #tpu.memory_space<vmem>>, %arg5: memref<1x64x256xf32, #tpu.memory_space<vmem>>, %arg6: memref<1x20x64x256xf32, #tpu.memory_space<vmem>>) attributes {dimension_semantics = [#tpu.dimension_semantics<arbitrary>, #tpu.dimension_semantics<arbitrary>], iteration_bounds = array<i64: 8, 32>, scalar_prefetch = 0 : i64, scratch_operands = 0 : i64, tpu.core_type = #tpu.core_type<tc>, window_params = [{transform_indices = @transform_0, window_bounds = array<i64: 1, 20, 64, 128>}, {transform_indices = @transform_1, window_bounds = array<i64: 1, 64, 128>}, {pipeline_mode = #tpu.pipeline_mode<synchronous>, transform_indices = @transform_2, window_bounds = array<i64: 256, 256>}, {transform_indices = @transform_3, window_bounds = array<i64: 1, 64, 256>}, {transform_indices = @transform_4, window_bounds = array<i64: 1, 20, 64, 256>}]} {
    %get3A = arith.constant 0 : index
    %get3A_0 = arith.constant 0 : index
    %get3A_1 = arith.constant 0 : index
    %get3A_2 = arith.constant 0 : index
    %get3A_3 = vector.load %arg2[%get3A, %get3A_0, %get3A_1, %get3A_2] : memref<1x20x64x128xf32, #tpu.memory_space<vmem>>, vector<1x20x64x128xf32>
    %get3A_4 = vector.shape_cast %get3A_3 : vector<1x20x64x128xf32> to vector<20x64x128xf32>
    %get3A_5 = arith.constant 0 : index
    %get3A_6 = arith.constant 0 : index
    %get3A_7 = arith.constant 0 : index
    %get3A_8 = vector.load %arg3[%get3A_5, %get3A_6, %get3A_7] : memref<1x64x128xf32, #tpu.memory_space<vmem>>, vector<1x64x128xf32>
    %get3A_9 = vector.shape_cast %get3A_8 : vector<1x64x128xf32> to vector<64x128xf32>
    %broadcast_in_dim3A = vector.shape_cast %get3A_9 : vector<64x128xf32> to vector<1x64x128xf32>
    %broadcast_in_dim3A_10 = vector.shape_cast %broadcast_in_dim3A : vector<1x64x128xf32> to vector<1x64x128xf32>
    %broadcast_in_dim3A_11 = vector.broadcast %broadcast_in_dim3A_10 : vector<1x64x128xf32> to vector<20x64x128xf32>
    %concatenate3A = tpu.concatenate %get3A_4, %broadcast_in_dim3A_11 in 2 : vector<20x64x128xf32>, vector<20x64x128xf32> -> vector<20x64x256xf32>
    %reshape3A = vector.shape_cast %concatenate3A : vector<20x64x256xf32> to vector<1280x256xf32>
    %get3A_12 = arith.constant 0 : index
    %get3A_13 = arith.constant 0 : index
    %get3A_14 = vector.load %arg4[%get3A_12, %get3A_13] : memref<256x256xf32, #tpu.memory_space<vmem>>, vector<256x256xf32>
    %dot_general3A = arith.constant dense<0.000000e+00> : vector<1280x256xf32>
    %dot_general3A_15 = tpu.matmul %reshape3A, %get3A_14, %dot_general3A {dimension_numbers = #tpu.dot_dimension_numbers<[1], [1], [0], [0], [0, 0, 1, 0], [], []>, transpose_lhs_hint = false} : vector<1280x256xf32>, vector<256x256xf32>, vector<1280x256xf32> -> vector<1280x256xf32>
    %reshape3A_16 = vector.shape_cast %dot_general3A_15 : vector<1280x256xf32> to vector<20x64x256xf32>
    %reduce_max3A = arith.constant dense<0xFF800000> : vector<64x256xf32>
    %reduce_max3A_17 = vector.multi_reduction <maximumf>, %reshape3A_16, %reduce_max3A [0] : vector<20x64x256xf32> to vector<64x256xf32>
    %swap3A = arith.constant 0 : index
    %swap3A_18 = arith.constant 0 : index
    %swap3A_19 = arith.constant 0 : index
    %swap3A_20 = vector.load %arg5[%swap3A, %swap3A_18, %swap3A_19] : memref<1x64x256xf32, #tpu.memory_space<vmem>>, vector<1x64x256xf32>
    %swap3A_21 = vector.shape_cast %swap3A_20 : vector<1x64x256xf32> to vector<64x256xf32>
    %swap3A_22 = vector.shape_cast %reduce_max3A_17 : vector<64x256xf32> to vector<1x64x256xf32>
    tpu.vector_store %arg5[%swap3A, %swap3A_18, %swap3A_19], %swap3A_22 {strides = array<i32>} : memref<1x64x256xf32, #tpu.memory_space<vmem>>, vector<1x64x256xf32>,
    %swap3A_23 = arith.constant 0 : index
    %swap3A_24 = arith.constant 0 : index
    %swap3A_25 = arith.constant 0 : index
    %swap3A_26 = arith.constant 0 : index
    %swap3A_27 = vector.load %arg6[%swap3A_23, %swap3A_24, %swap3A_25, %swap3A_26] : memref<1x20x64x256xf32, #tpu.memory_space<vmem>>, vector<1x20x64x256xf32>
    %swap3A_28 = vector.shape_cast %swap3A_27 : vector<1x20x64x256xf32> to vector<20x64x256xf32>
    %swap3A_29 = vector.shape_cast %reshape3A_16 : vector<20x64x256xf32> to vector<1x20x64x256xf32>
    tpu.vector_store %arg6[%swap3A_23, %swap3A_24, %swap3A_25, %swap3A_26], %swap3A_29 {strides = array<i32>} : memref<1x20x64x256xf32, #tpu.memory_space<vmem>>, vector<1x20x64x256xf32>,
    return
  }
  func.func @transform_0(%arg0: i32, %arg1: i32) -> (i32, i32, i32, i32) {
    %c0_i32 = arith.constant 0 : i32
    %c0_i32_0 = arith.constant 0 : i32
    %c0_i32_1 = arith.constant 0 : i32
    return %arg0, %c0_i32, %arg1, %c0_i32_0 : i32, i32, i32, i32
  }
  func.func @transform_1(%arg0: i32, %arg1: i32) -> (i32, i32, i32) {
    %c0_i32 = arith.constant 0 : i32
    %c0_i32_0 = arith.constant 0 : i32
    return %arg0, %arg1, %c0_i32 : i32, i32, i32
  }
  func.func @transform_2(%arg0: i32, %arg1: i32) -> (i32, i32) {
    %c0_i32 = arith.constant 0 : i32
    %c0_i32_0 = arith.constant 0 : i32
    %c0_i32_1 = arith.constant 0 : i32
    return %c0_i32, %c0_i32_0 : i32, i32
  }
  func.func @transform_3(%arg0: i32, %arg1: i32) -> (i32, i32, i32) {
    %c0_i32 = arith.constant 0 : i32
    %c0_i32_0 = arith.constant 0 : i32
    return %arg0, %arg1, %c0_i32 : i32, i32, i32
  }
  func.func @transform_4(%arg0: i32, %arg1: i32) -> (i32, i32, i32, i32) {
    %c0_i32 = arith.constant 0 : i32
    %c0_i32_0 = arith.constant 0 : i32
    %c0_i32_1 = arith.constant 0 : i32
    return %arg0, %c0_i32, %arg1, %c0_i32_0 : i32, i32, i32, i32
  }
}

module attributes {stable_mosaic.version = 14 : i64} {
  func.func @_norm_body(%arg0: i32, %arg1: memref<256x256xf32, #tpu.memory_space<vmem>>, %arg2: memref<1x256xf32, #tpu.memory_space<vmem>>, %arg3: memref<1x256xf32, #tpu.memory_space<vmem>>, %arg4: memref<256x256xf32, #tpu.memory_space<vmem>>) attributes {dimension_semantics = [#tpu.dimension_semantics<arbitrary>], iteration_bounds = array<i64: 64>, scalar_prefetch = 0 : i64, scratch_operands = 0 : i64, tpu.core_type = #tpu.core_type<tc>, window_params = [{transform_indices = @transform_0, window_bounds = array<i64: 256, 256>}, {pipeline_mode = #tpu.pipeline_mode<synchronous>, transform_indices = @transform_1, window_bounds = array<i64: 1, 256>}, {pipeline_mode = #tpu.pipeline_mode<synchronous>, transform_indices = @transform_2, window_bounds = array<i64: 1, 256>}, {transform_indices = @transform_3, window_bounds = array<i64: 256, 256>}]} {
    %get3A = arith.constant 0 : index
    %get3A_0 = arith.constant 0 : index
    %get3A_1 = vector.load %arg2[%get3A, %get3A_0] : memref<1x256xf32, #tpu.memory_space<vmem>>, vector<1x256xf32>
    %squeeze3A = vector.shape_cast %get3A_1 : vector<1x256xf32> to vector<256xf32>
    %get3A_2 = arith.constant 0 : index
    %get3A_3 = arith.constant 0 : index
    %get3A_4 = vector.load %arg3[%get3A_2, %get3A_3] : memref<1x256xf32, #tpu.memory_space<vmem>>, vector<1x256xf32>
    %squeeze3A_5 = vector.shape_cast %get3A_4 : vector<1x256xf32> to vector<256xf32>
    %add3A = arith.constant 9.99999974E-6 : f32
    %add3A_6 = vector.broadcast %add3A : f32 to vector<256xf32>
    %add3A_7 = arith.addf %squeeze3A_5, %add3A_6 : vector<256xf32>
    %sqrt3A = math.sqrt %add3A_7 : vector<256xf32>
    %get3A_8 = arith.constant 0 : index
    %get3A_9 = arith.constant 0 : index
    %get3A_10 = vector.load %arg1[%get3A_8, %get3A_9] : memref<256x256xf32, #tpu.memory_space<vmem>>, vector<256x256xf32>
    %broadcast_in_dim3A = vector.shape_cast %squeeze3A : vector<256xf32> to vector<1x256xf32>
    %sub3A = vector.broadcast %broadcast_in_dim3A : vector<1x256xf32> to vector<256x256xf32>
    %sub3A_11 = arith.subf %get3A_10, %sub3A : vector<256x256xf32>
    %broadcast_in_dim3A_12 = vector.shape_cast %sqrt3A : vector<256xf32> to vector<1x256xf32>
    %div3A = vector.broadcast %broadcast_in_dim3A_12 : vector<1x256xf32> to vector<256x256xf32>
    %div3A_13 = arith.divf %sub3A_11, %div3A : vector<256x256xf32>
    %ge3A = arith.constant 0.000000e+00 : f32
    %ge3A_14 = vector.broadcast %ge3A : f32 to vector<256x256xf32>
    %ge3A_15 = arith.cmpf oge, %div3A_13, %ge3A_14 : vector<256x256xf32>
    %mul3A = arith.constant 2.000000e-01 : f32
    %mul3A_16 = vector.broadcast %mul3A : f32 to vector<256x256xf32>
    %mul3A_17 = arith.mulf %mul3A_16, %div3A_13 : vector<256x256xf32>
    %select_n3A = arith.select %ge3A_15, %div3A_13, %mul3A_17 : vector<256x256xi1>, vector<256x256xf32>
    %swap3A = arith.constant 0 : index
    %swap3A_18 = arith.constant 0 : index
    %swap3A_19 = vector.load %arg4[%swap3A, %swap3A_18] : memref<256x256xf32, #tpu.memory_space<vmem>>, vector<256x256xf32>
    tpu.vector_store %arg4[%swap3A, %swap3A_18], %select_n3A {strides = array<i32>} : memref<256x256xf32, #tpu.memory_space<vmem>>, vector<256x256xf32>,
    return
  }
  func.func @transform_0(%arg0: i32) -> (i32, i32) {
    %c0_i32 = arith.constant 0 : i32
    %c0_i32_0 = arith.constant 0 : i32
    return %arg0, %c0_i32 : i32, i32
  }
  func.func @transform_1(%arg0: i32) -> (i32, i32) {
    %c0_i32 = arith.constant 0 : i32
    %c0_i32_0 = arith.constant 0 : i32
    %c0_i32_1 = arith.constant 0 : i32
    return %c0_i32, %c0_i32_0 : i32, i32
  }
  func.func @transform_2(%arg0: i32) -> (i32, i32) {
    %c0_i32 = arith.constant 0 : i32
    %c0_i32_0 = arith.constant 0 : i32
    %c0_i32_1 = arith.constant 0 : i32
    return %c0_i32, %c0_i32_0 : i32, i32
  }
  func.func @transform_3(%arg0: i32) -> (i32, i32) {
    %c0_i32 = arith.constant 0 : i32
    %c0_i32_0 = arith.constant 0 : i32
    return %arg0, %c0_i32 : i32, i32
  }
}

module attributes {stable_mosaic.version = 14 : i64} {
  func.func @_conv5_body(%arg0: i32, %arg1: memref<256x64xf32, #tpu.memory_space<vmem>>, %arg2: memref<256x64xf32, #tpu.memory_space<vmem>>, %arg3: memref<256x128xf32, #tpu.memory_space<vmem>>, %arg4: memref<256x256xf32, #tpu.memory_space<vmem>>, %arg5: memref<512x128xf32, #tpu.memory_space<vmem>>, %arg6: memref<256x128xf32, #tpu.memory_space<vmem>>, %arg7: memref<1x1x128xf32, #tpu.memory_space<vmem>>, %arg8: memref<1x1x128xf32, #tpu.memory_space<vmem>>) attributes {dimension_semantics = [#tpu.dimension_semantics<arbitrary>], iteration_bounds = array<i64: 64>, scalar_prefetch = 0 : i64, scratch_operands = 0 : i64, tpu.core_type = #tpu.core_type<tc>, window_params = [{transform_indices = @transform_0, window_bounds = array<i64: 256, 64>}, {transform_indices = @transform_1, window_bounds = array<i64: 256, 64>}, {transform_indices = @transform_2, window_bounds = array<i64: 256, 128>}, {transform_indices = @transform_3, window_bounds = array<i64: 256, 256>}, {pipeline_mode = #tpu.pipeline_mode<synchronous>, transform_indices = @transform_4, window_bounds = array<i64: 512, 128>}, {transform_indices = @transform_5, window_bounds = array<i64: 256, 128>}, {transform_indices = @transform_6, window_bounds = array<i64: 1, 1, 128>}, {transform_indices = @transform_7, window_bounds = array<i64: 1, 1, 128>}]} {
    %get3A = arith.constant 0 : index
    %get3A_0 = arith.constant 0 : index
    %get3A_1 = vector.load %arg1[%get3A, %get3A_0] : memref<256x64xf32, #tpu.memory_space<vmem>>, vector<256x64xf32>
    %get3A_2 = arith.constant 0 : index
    %get3A_3 = arith.constant 0 : index
    %get3A_4 = vector.load %arg2[%get3A_2, %get3A_3] : memref<256x64xf32, #tpu.memory_space<vmem>>, vector<256x64xf32>
    %get3A_5 = arith.constant 0 : index
    %get3A_6 = arith.constant 0 : index
    %get3A_7 = vector.load %arg3[%get3A_5, %get3A_6] : memref<256x128xf32, #tpu.memory_space<vmem>>, vector<256x128xf32>
    %get3A_8 = arith.constant 0 : index
    %get3A_9 = arith.constant 0 : index
    %get3A_10 = vector.load %arg4[%get3A_8, %get3A_9] : memref<256x256xf32, #tpu.memory_space<vmem>>, vector<256x256xf32>
    %concatenate3A = tpu.concatenate %get3A_1, %get3A_4, %get3A_7, %get3A_10 in 1 : vector<256x64xf32>, vector<256x64xf32>, vector<256x128xf32>, vector<256x256xf32> -> vector<256x512xf32>
    %get3A_11 = arith.constant 0 : index
    %get3A_12 = arith.constant 0 : index
    %get3A_13 = vector.load %arg5[%get3A_11, %get3A_12] : memref<512x128xf32, #tpu.memory_space<vmem>>, vector<512x128xf32>
    %dot_general3A = arith.constant dense<0.000000e+00> : vector<256x128xf32>
    %dot_general3A_14 = tpu.matmul %concatenate3A, %get3A_13, %dot_general3A {dimension_numbers = #tpu.dot_dimension_numbers<[1], [0], [0], [1], [0, 0, 1, 1], [], []>, transpose_lhs_hint = false} : vector<256x512xf32>, vector<512x128xf32>, vector<256x128xf32> -> vector<256x128xf32>
    %swap3A = arith.constant 0 : index
    %swap3A_15 = arith.constant 0 : index
    %swap3A_16 = vector.load %arg6[%swap3A, %swap3A_15] : memref<256x128xf32, #tpu.memory_space<vmem>>, vector<256x128xf32>
    tpu.vector_store %arg6[%swap3A, %swap3A_15], %dot_general3A_14 {strides = array<i32>} : memref<256x128xf32, #tpu.memory_space<vmem>>, vector<256x128xf32>,
    %reshape3A = vector.shape_cast %dot_general3A_14 : vector<256x128xf32> to vector<256x1x128xf32>
    %slice3A = vector.extract_strided_slice %reshape3A {offsets = [0, 0, 0], sizes = [128, 1, 128], strides = [1, 1, 1]} : vector<256x1x128xf32> to vector<128x1x128xf32>
    %slice3A_17 = vector.extract_strided_slice %reshape3A {offsets = [128, 0, 0], sizes = [128, 1, 128], strides = [1, 1, 1]} : vector<256x1x128xf32> to vector<128x1x128xf32>
    %add3A = arith.addf %slice3A, %slice3A_17 : vector<128x1x128xf32>
    %slice3A_18 = vector.extract_strided_slice %add3A {offsets = [0, 0, 0], sizes = [64, 1, 128], strides = [1, 1, 1]} : vector<128x1x128xf32> to vector<64x1x128xf32>
    %slice3A_19 = vector.extract_strided_slice %add3A {offsets = [64, 0, 0], sizes = [64, 1, 128], strides = [1, 1, 1]} : vector<128x1x128xf32> to vector<64x1x128xf32>
    %add3A_20 = arith.addf %slice3A_18, %slice3A_19 : vector<64x1x128xf32>
    %slice3A_21 = vector.extract_strided_slice %add3A_20 {offsets = [0, 0, 0], sizes = [32, 1, 128], strides = [1, 1, 1]} : vector<64x1x128xf32> to vector<32x1x128xf32>
    %slice3A_22 = vector.extract_strided_slice %add3A_20 {offsets = [32, 0, 0], sizes = [32, 1, 128], strides = [1, 1, 1]} : vector<64x1x128xf32> to vector<32x1x128xf32>
    %add3A_23 = arith.addf %slice3A_21, %slice3A_22 : vector<32x1x128xf32>
    %slice3A_24 = vector.extract_strided_slice %add3A_23 {offsets = [0, 0, 0], sizes = [16, 1, 128], strides = [1, 1, 1]} : vector<32x1x128xf32> to vector<16x1x128xf32>
    %slice3A_25 = vector.extract_strided_slice %add3A_23 {offsets = [16, 0, 0], sizes = [16, 1, 128], strides = [1, 1, 1]} : vector<32x1x128xf32> to vector<16x1x128xf32>
    %add3A_26 = arith.addf %slice3A_24, %slice3A_25 : vector<16x1x128xf32>
    %slice3A_27 = vector.extract_strided_slice %add3A_26 {offsets = [0, 0, 0], sizes = [8, 1, 128], strides = [1, 1, 1]} : vector<16x1x128xf32> to vector<8x1x128xf32>
    %slice3A_28 = vector.extract_strided_slice %add3A_26 {offsets = [8, 0, 0], sizes = [8, 1, 128], strides = [1, 1, 1]} : vector<16x1x128xf32> to vector<8x1x128xf32>
    %add3A_29 = arith.addf %slice3A_27, %slice3A_28 : vector<8x1x128xf32>
    %slice3A_30 = vector.extract_strided_slice %add3A_29 {offsets = [0, 0, 0], sizes = [4, 1, 128], strides = [1, 1, 1]} : vector<8x1x128xf32> to vector<4x1x128xf32>
    %slice3A_31 = vector.extract_strided_slice %add3A_29 {offsets = [4, 0, 0], sizes = [4, 1, 128], strides = [1, 1, 1]} : vector<8x1x128xf32> to vector<4x1x128xf32>
    %add3A_32 = arith.addf %slice3A_30, %slice3A_31 : vector<4x1x128xf32>
    %slice3A_33 = vector.extract_strided_slice %add3A_32 {offsets = [0, 0, 0], sizes = [2, 1, 128], strides = [1, 1, 1]} : vector<4x1x128xf32> to vector<2x1x128xf32>
    %slice3A_34 = vector.extract_strided_slice %add3A_32 {offsets = [2, 0, 0], sizes = [2, 1, 128], strides = [1, 1, 1]} : vector<4x1x128xf32> to vector<2x1x128xf32>
    %add3A_35 = arith.addf %slice3A_33, %slice3A_34 : vector<2x1x128xf32>
    %slice3A_36 = vector.extract_strided_slice %add3A_35 {offsets = [0, 0, 0], sizes = [1, 1, 128], strides = [1, 1, 1]} : vector<2x1x128xf32> to vector<1x1x128xf32>
    %slice3A_37 = vector.extract_strided_slice %add3A_35 {offsets = [1, 0, 0], sizes = [1, 1, 128], strides = [1, 1, 1]} : vector<2x1x128xf32> to vector<1x1x128xf32>
    %add3A_38 = arith.addf %slice3A_36, %slice3A_37 : vector<1x1x128xf32>
    %squeeze3A = vector.shape_cast %add3A_38 : vector<1x1x128xf32> to vector<1x128xf32>
    %swap3A_39 = arith.constant 0 : index
    %swap3A_40 = arith.constant 0 : index
    %swap3A_41 = arith.constant 0 : index
    %swap3A_42 = vector.load %arg7[%swap3A_39, %swap3A_40, %swap3A_41] : memref<1x1x128xf32, #tpu.memory_space<vmem>>, vector<1x1x128xf32>
    %swap3A_43 = vector.shape_cast %swap3A_42 : vector<1x1x128xf32> to vector<1x128xf32>
    %swap3A_44 = vector.shape_cast %squeeze3A : vector<1x128xf32> to vector<1x1x128xf32>
    tpu.vector_store %arg7[%swap3A_39, %swap3A_40, %swap3A_41], %swap3A_44 {strides = array<i32>} : memref<1x1x128xf32, #tpu.memory_space<vmem>>, vector<1x1x128xf32>,
    %mul3A = arith.mulf %dot_general3A_14, %dot_general3A_14 : vector<256x128xf32>
    %reshape3A_45 = vector.shape_cast %mul3A : vector<256x128xf32> to vector<256x1x128xf32>
    %slice3A_46 = vector.extract_strided_slice %reshape3A_45 {offsets = [0, 0, 0], sizes = [128, 1, 128], strides = [1, 1, 1]} : vector<256x1x128xf32> to vector<128x1x128xf32>
    %slice3A_47 = vector.extract_strided_slice %reshape3A_45 {offsets = [128, 0, 0], sizes = [128, 1, 128], strides = [1, 1, 1]} : vector<256x1x128xf32> to vector<128x1x128xf32>
    %add3A_48 = arith.addf %slice3A_46, %slice3A_47 : vector<128x1x128xf32>
    %slice3A_49 = vector.extract_strided_slice %add3A_48 {offsets = [0, 0, 0], sizes = [64, 1, 128], strides = [1, 1, 1]} : vector<128x1x128xf32> to vector<64x1x128xf32>
    %slice3A_50 = vector.extract_strided_slice %add3A_48 {offsets = [64, 0, 0], sizes = [64, 1, 128], strides = [1, 1, 1]} : vector<128x1x128xf32> to vector<64x1x128xf32>
    %add3A_51 = arith.addf %slice3A_49, %slice3A_50 : vector<64x1x128xf32>
    %slice3A_52 = vector.extract_strided_slice %add3A_51 {offsets = [0, 0, 0], sizes = [32, 1, 128], strides = [1, 1, 1]} : vector<64x1x128xf32> to vector<32x1x128xf32>
    %slice3A_53 = vector.extract_strided_slice %add3A_51 {offsets = [32, 0, 0], sizes = [32, 1, 128], strides = [1, 1, 1]} : vector<64x1x128xf32> to vector<32x1x128xf32>
    %add3A_54 = arith.addf %slice3A_52, %slice3A_53 : vector<32x1x128xf32>
    %slice3A_55 = vector.extract_strided_slice %add3A_54 {offsets = [0, 0, 0], sizes = [16, 1, 128], strides = [1, 1, 1]} : vector<32x1x128xf32> to vector<16x1x128xf32>
    %slice3A_56 = vector.extract_strided_slice %add3A_54 {offsets = [16, 0, 0], sizes = [16, 1, 128], strides = [1, 1, 1]} : vector<32x1x128xf32> to vector<16x1x128xf32>
    %add3A_57 = arith.addf %slice3A_55, %slice3A_56 : vector<16x1x128xf32>
    %slice3A_58 = vector.extract_strided_slice %add3A_57 {offsets = [0, 0, 0], sizes = [8, 1, 128], strides = [1, 1, 1]} : vector<16x1x128xf32> to vector<8x1x128xf32>
    %slice3A_59 = vector.extract_strided_slice %add3A_57 {offsets = [8, 0, 0], sizes = [8, 1, 128], strides = [1, 1, 1]} : vector<16x1x128xf32> to vector<8x1x128xf32>
    %add3A_60 = arith.addf %slice3A_58, %slice3A_59 : vector<8x1x128xf32>
    %slice3A_61 = vector.extract_strided_slice %add3A_60 {offsets = [0, 0, 0], sizes = [4, 1, 128], strides = [1, 1, 1]} : vector<8x1x128xf32> to vector<4x1x128xf32>
    %slice3A_62 = vector.extract_strided_slice %add3A_60 {offsets = [4, 0, 0], sizes = [4, 1, 128], strides = [1, 1, 1]} : vector<8x1x128xf32> to vector<4x1x128xf32>
    %add3A_63 = arith.addf %slice3A_61, %slice3A_62 : vector<4x1x128xf32>
    %slice3A_64 = vector.extract_strided_slice %add3A_63 {offsets = [0, 0, 0], sizes = [2, 1, 128], strides = [1, 1, 1]} : vector<4x1x128xf32> to vector<2x1x128xf32>
    %slice3A_65 = vector.extract_strided_slice %add3A_63 {offsets = [2, 0, 0], sizes = [2, 1, 128], strides = [1, 1, 1]} : vector<4x1x128xf32> to vector<2x1x128xf32>
    %add3A_66 = arith.addf %slice3A_64, %slice3A_65 : vector<2x1x128xf32>
    %slice3A_67 = vector.extract_strided_slice %add3A_66 {offsets = [0, 0, 0], sizes = [1, 1, 128], strides = [1, 1, 1]} : vector<2x1x128xf32> to vector<1x1x128xf32>
    %slice3A_68 = vector.extract_strided_slice %add3A_66 {offsets = [1, 0, 0], sizes = [1, 1, 128], strides = [1, 1, 1]} : vector<2x1x128xf32> to vector<1x1x128xf32>
    %add3A_69 = arith.addf %slice3A_67, %slice3A_68 : vector<1x1x128xf32>
    %squeeze3A_70 = vector.shape_cast %add3A_69 : vector<1x1x128xf32> to vector<1x128xf32>
    %swap3A_71 = arith.constant 0 : index
    %swap3A_72 = arith.constant 0 : index
    %swap3A_73 = arith.constant 0 : index
    %swap3A_74 = vector.load %arg8[%swap3A_71, %swap3A_72, %swap3A_73] : memref<1x1x128xf32, #tpu.memory_space<vmem>>, vector<1x1x128xf32>
    %swap3A_75 = vector.shape_cast %swap3A_74 : vector<1x1x128xf32> to vector<1x128xf32>
    %swap3A_76 = vector.shape_cast %squeeze3A_70 : vector<1x128xf32> to vector<1x1x128xf32>
    tpu.vector_store %arg8[%swap3A_71, %swap3A_72, %swap3A_73], %swap3A_76 {strides = array<i32>} : memref<1x1x128xf32, #tpu.memory_space<vmem>>, vector<1x1x128xf32>,
    return
  }
  func.func @transform_0(%arg0: i32) -> (i32, i32) {
    %c0_i32 = arith.constant 0 : i32
    %c0_i32_0 = arith.constant 0 : i32
    return %arg0, %c0_i32 : i32, i32
  }
  func.func @transform_1(%arg0: i32) -> (i32, i32) {
    %c0_i32 = arith.constant 0 : i32
    %c0_i32_0 = arith.constant 0 : i32
    return %arg0, %c0_i32 : i32, i32
  }
  func.func @transform_2(%arg0: i32) -> (i32, i32) {
    %c0_i32 = arith.constant 0 : i32
    %c0_i32_0 = arith.constant 0 : i32
    return %arg0, %c0_i32 : i32, i32
  }
  func.func @transform_3(%arg0: i32) -> (i32, i32) {
    %c0_i32 = arith.constant 0 : i32
    %c0_i32_0 = arith.constant 0 : i32
    return %arg0, %c0_i32 : i32, i32
  }
  func.func @transform_4(%arg0: i32) -> (i32, i32) {
    %c0_i32 = arith.constant 0 : i32
    %c0_i32_0 = arith.constant 0 : i32
    %c0_i32_1 = arith.constant 0 : i32
    return %c0_i32, %c0_i32_0 : i32, i32
  }
  func.func @transform_5(%arg0: i32) -> (i32, i32) {
    %c0_i32 = arith.constant 0 : i32
    %c0_i32_0 = arith.constant 0 : i32
    return %arg0, %c0_i32 : i32, i32
  }
  func.func @transform_6(%arg0: i32) -> (i32, i32, i32) {
    %c0_i32 = arith.constant 0 : i32
    %c0_i32_0 = arith.constant 0 : i32
    %c0_i32_1 = arith.constant 0 : i32
    return %arg0, %c0_i32, %c0_i32_0 : i32, i32, i32
  }
  func.func @transform_7(%arg0: i32) -> (i32, i32, i32) {
    %c0_i32 = arith.constant 0 : i32
    %c0_i32_0 = arith.constant 0 : i32
    %c0_i32_1 = arith.constant 0 : i32
    return %arg0, %c0_i32, %c0_i32_0 : i32, i32, i32
  }
}

module attributes {stable_mosaic.version = 14 : i64} {
  func.func @_pool_body(%arg0: i32, %arg1: memref<256x128xf32, #tpu.memory_space<vmem>>, %arg2: memref<64x1x128xf32, #tpu.memory_space<vmem>>, %arg3: memref<64x1x128xf32, #tpu.memory_space<vmem>>, %arg4: memref<1x1x128xf32, #tpu.memory_space<vmem>>, %arg5: memref<1x1x128xf32, #tpu.memory_space<vmem>>) attributes {dimension_semantics = [#tpu.dimension_semantics<arbitrary>], iteration_bounds = array<i64: 64>, scalar_prefetch = 0 : i64, scratch_operands = 0 : i64, tpu.core_type = #tpu.core_type<tc>, window_params = [{transform_indices = @transform_0, window_bounds = array<i64: 256, 128>}, {pipeline_mode = #tpu.pipeline_mode<synchronous>, transform_indices = @transform_1, window_bounds = array<i64: 64, 1, 128>}, {pipeline_mode = #tpu.pipeline_mode<synchronous>, transform_indices = @transform_2, window_bounds = array<i64: 64, 1, 128>}, {transform_indices = @transform_3, window_bounds = array<i64: 1, 1, 128>}, {transform_indices = @transform_4, window_bounds = array<i64: 1, 1, 128>}]} {
    %get3A = arith.constant 0 : index
    %get3A_0 = arith.constant 0 : index
    %get3A_1 = arith.constant 0 : index
    %get3A_2 = vector.load %arg2[%get3A, %get3A_0, %get3A_1] : memref<64x1x128xf32, #tpu.memory_space<vmem>>, vector<64x1x128xf32>
    %squeeze3A = vector.shape_cast %get3A_2 : vector<64x1x128xf32> to vector<64x128xf32>
    %slice3A = vector.extract_strided_slice %squeeze3A {offsets = [0, 0], sizes = [32, 128], strides = [1, 1]} : vector<64x128xf32> to vector<32x128xf32>
    %slice3A_3 = vector.extract_strided_slice %squeeze3A {offsets = [32, 0], sizes = [32, 128], strides = [1, 1]} : vector<64x128xf32> to vector<32x128xf32>
    %add3A = arith.addf %slice3A, %slice3A_3 : vector<32x128xf32>
    %slice3A_4 = vector.extract_strided_slice %add3A {offsets = [0, 0], sizes = [16, 128], strides = [1, 1]} : vector<32x128xf32> to vector<16x128xf32>
    %slice3A_5 = vector.extract_strided_slice %add3A {offsets = [16, 0], sizes = [16, 128], strides = [1, 1]} : vector<32x128xf32> to vector<16x128xf32>
    %add3A_6 = arith.addf %slice3A_4, %slice3A_5 : vector<16x128xf32>
    %slice3A_7 = vector.extract_strided_slice %add3A_6 {offsets = [0, 0], sizes = [8, 128], strides = [1, 1]} : vector<16x128xf32> to vector<8x128xf32>
    %slice3A_8 = vector.extract_strided_slice %add3A_6 {offsets = [8, 0], sizes = [8, 128], strides = [1, 1]} : vector<16x128xf32> to vector<8x128xf32>
    %add3A_9 = arith.addf %slice3A_7, %slice3A_8 : vector<8x128xf32>
    %slice3A_10 = vector.extract_strided_slice %add3A_9 {offsets = [0, 0], sizes = [4, 128], strides = [1, 1]} : vector<8x128xf32> to vector<4x128xf32>
    %slice3A_11 = vector.extract_strided_slice %add3A_9 {offsets = [4, 0], sizes = [4, 128], strides = [1, 1]} : vector<8x128xf32> to vector<4x128xf32>
    %add3A_12 = arith.addf %slice3A_10, %slice3A_11 : vector<4x128xf32>
    %slice3A_13 = vector.extract_strided_slice %add3A_12 {offsets = [0, 0], sizes = [2, 128], strides = [1, 1]} : vector<4x128xf32> to vector<2x128xf32>
    %slice3A_14 = vector.extract_strided_slice %add3A_12 {offsets = [2, 0], sizes = [2, 128], strides = [1, 1]} : vector<4x128xf32> to vector<2x128xf32>
    %add3A_15 = arith.addf %slice3A_13, %slice3A_14 : vector<2x128xf32>
    %slice3A_16 = vector.extract_strided_slice %add3A_15 {offsets = [0, 0], sizes = [1, 128], strides = [1, 1]} : vector<2x128xf32> to vector<1x128xf32>
    %slice3A_17 = vector.extract_strided_slice %add3A_15 {offsets = [1, 0], sizes = [1, 128], strides = [1, 1]} : vector<2x128xf32> to vector<1x128xf32>
    %add3A_18 = arith.addf %slice3A_16, %slice3A_17 : vector<1x128xf32>
    %squeeze3A_19 = vector.shape_cast %add3A_18 : vector<1x128xf32> to vector<128xf32>
    %mul3A = arith.constant 6.10351563E-5 : f32
    %mul3A_20 = vector.broadcast %mul3A : f32 to vector<128xf32>
    %mul3A_21 = arith.mulf %squeeze3A_19, %mul3A_20 : vector<128xf32>
    %get3A_22 = arith.constant 0 : index
    %get3A_23 = arith.constant 0 : index
    %get3A_24 = arith.constant 0 : index
    %get3A_25 = vector.load %arg3[%get3A_22, %get3A_23, %get3A_24] : memref<64x1x128xf32, #tpu.memory_space<vmem>>, vector<64x1x128xf32>
    %squeeze3A_26 = vector.shape_cast %get3A_25 : vector<64x1x128xf32> to vector<64x128xf32>
    %slice3A_27 = vector.extract_strided_slice %squeeze3A_26 {offsets = [0, 0], sizes = [32, 128], strides = [1, 1]} : vector<64x128xf32> to vector<32x128xf32>
    %slice3A_28 = vector.extract_strided_slice %squeeze3A_26 {offsets = [32, 0], sizes = [32, 128], strides = [1, 1]} : vector<64x128xf32> to vector<32x128xf32>
    %add3A_29 = arith.addf %slice3A_27, %slice3A_28 : vector<32x128xf32>
    %slice3A_30 = vector.extract_strided_slice %add3A_29 {offsets = [0, 0], sizes = [16, 128], strides = [1, 1]} : vector<32x128xf32> to vector<16x128xf32>
    %slice3A_31 = vector.extract_strided_slice %add3A_29 {offsets = [16, 0], sizes = [16, 128], strides = [1, 1]} : vector<32x128xf32> to vector<16x128xf32>
    %add3A_32 = arith.addf %slice3A_30, %slice3A_31 : vector<16x128xf32>
    %slice3A_33 = vector.extract_strided_slice %add3A_32 {offsets = [0, 0], sizes = [8, 128], strides = [1, 1]} : vector<16x128xf32> to vector<8x128xf32>
    %slice3A_34 = vector.extract_strided_slice %add3A_32 {offsets = [8, 0], sizes = [8, 128], strides = [1, 1]} : vector<16x128xf32> to vector<8x128xf32>
    %add3A_35 = arith.addf %slice3A_33, %slice3A_34 : vector<8x128xf32>
    %slice3A_36 = vector.extract_strided_slice %add3A_35 {offsets = [0, 0], sizes = [4, 128], strides = [1, 1]} : vector<8x128xf32> to vector<4x128xf32>
    %slice3A_37 = vector.extract_strided_slice %add3A_35 {offsets = [4, 0], sizes = [4, 128], strides = [1, 1]} : vector<8x128xf32> to vector<4x128xf32>
    %add3A_38 = arith.addf %slice3A_36, %slice3A_37 : vector<4x128xf32>
    %slice3A_39 = vector.extract_strided_slice %add3A_38 {offsets = [0, 0], sizes = [2, 128], strides = [1, 1]} : vector<4x128xf32> to vector<2x128xf32>
    %slice3A_40 = vector.extract_strided_slice %add3A_38 {offsets = [2, 0], sizes = [2, 128], strides = [1, 1]} : vector<4x128xf32> to vector<2x128xf32>
    %add3A_41 = arith.addf %slice3A_39, %slice3A_40 : vector<2x128xf32>
    %slice3A_42 = vector.extract_strided_slice %add3A_41 {offsets = [0, 0], sizes = [1, 128], strides = [1, 1]} : vector<2x128xf32> to vector<1x128xf32>
    %slice3A_43 = vector.extract_strided_slice %add3A_41 {offsets = [1, 0], sizes = [1, 128], strides = [1, 1]} : vector<2x128xf32> to vector<1x128xf32>
    %add3A_44 = arith.addf %slice3A_42, %slice3A_43 : vector<1x128xf32>
    %squeeze3A_45 = vector.shape_cast %add3A_44 : vector<1x128xf32> to vector<128xf32>
    %mul3A_46 = arith.constant 6.10351563E-5 : f32
    %mul3A_47 = vector.broadcast %mul3A_46 : f32 to vector<128xf32>
    %mul3A_48 = arith.mulf %squeeze3A_45, %mul3A_47 : vector<128xf32>
    %mul3A_49 = arith.mulf %mul3A_21, %mul3A_21 : vector<128xf32>
    %sub3A = arith.subf %mul3A_48, %mul3A_49 : vector<128xf32>
    %add3A_50 = arith.constant 9.99999974E-6 : f32
    %add3A_51 = vector.broadcast %add3A_50 : f32 to vector<128xf32>
    %add3A_52 = arith.addf %sub3A, %add3A_51 : vector<128xf32>
    %sqrt3A = math.sqrt %add3A_52 : vector<128xf32>
    %get3A_53 = arith.constant 0 : index
    %get3A_54 = arith.constant 0 : index
    %get3A_55 = vector.load %arg1[%get3A_53, %get3A_54] : memref<256x128xf32, #tpu.memory_space<vmem>>, vector<256x128xf32>
    %broadcast_in_dim3A = vector.shape_cast %mul3A_21 : vector<128xf32> to vector<1x128xf32>
    %sub3A_56 = vector.broadcast %broadcast_in_dim3A : vector<1x128xf32> to vector<256x128xf32>
    %sub3A_57 = arith.subf %get3A_55, %sub3A_56 : vector<256x128xf32>
    %broadcast_in_dim3A_58 = vector.shape_cast %sqrt3A : vector<128xf32> to vector<1x128xf32>
    %div3A = vector.broadcast %broadcast_in_dim3A_58 : vector<1x128xf32> to vector<256x128xf32>
    %div3A_59 = arith.divf %sub3A_57, %div3A : vector<256x128xf32>
    %ge3A = arith.constant 0.000000e+00 : f32
    %ge3A_60 = vector.broadcast %ge3A : f32 to vector<256x128xf32>
    %ge3A_61 = arith.cmpf oge, %div3A_59, %ge3A_60 : vector<256x128xf32>
    %mul3A_62 = arith.constant 2.000000e-01 : f32
    %mul3A_63 = vector.broadcast %mul3A_62 : f32 to vector<256x128xf32>
    %mul3A_64 = arith.mulf %mul3A_63, %div3A_59 : vector<256x128xf32>
    %select_n3A = arith.select %ge3A_61, %div3A_59, %mul3A_64 : vector<256x128xi1>, vector<256x128xf32>
    %reduce_max3A = arith.constant dense<0xFF800000> : vector<128xf32>
    %reduce_max3A_65 = vector.multi_reduction <maximumf>, %select_n3A, %reduce_max3A [0] : vector<256x128xf32> to vector<128xf32>
    %broadcast_in_dim3A_66 = vector.shape_cast %reduce_max3A_65 : vector<128xf32> to vector<1x128xf32>
    %swap3A = arith.constant 0 : index
    %swap3A_67 = arith.constant 0 : index
    %swap3A_68 = arith.constant 0 : index
    %swap3A_69 = vector.load %arg4[%swap3A, %swap3A_67, %swap3A_68] : memref<1x1x128xf32, #tpu.memory_space<vmem>>, vector<1x1x128xf32>
    %swap3A_70 = vector.shape_cast %swap3A_69 : vector<1x1x128xf32> to vector<1x128xf32>
    %swap3A_71 = vector.shape_cast %broadcast_in_dim3A_66 : vector<1x128xf32> to vector<1x1x128xf32>
    tpu.vector_store %arg4[%swap3A, %swap3A_67, %swap3A_68], %swap3A_71 {strides = array<i32>} : memref<1x1x128xf32, #tpu.memory_space<vmem>>, vector<1x1x128xf32>,
    %reshape3A = vector.shape_cast %select_n3A : vector<256x128xf32> to vector<256x1x128xf32>
    %slice3A_72 = vector.extract_strided_slice %reshape3A {offsets = [0, 0, 0], sizes = [128, 1, 128], strides = [1, 1, 1]} : vector<256x1x128xf32> to vector<128x1x128xf32>
    %slice3A_73 = vector.extract_strided_slice %reshape3A {offsets = [128, 0, 0], sizes = [128, 1, 128], strides = [1, 1, 1]} : vector<256x1x128xf32> to vector<128x1x128xf32>
    %add3A_74 = arith.addf %slice3A_72, %slice3A_73 : vector<128x1x128xf32>
    %slice3A_75 = vector.extract_strided_slice %add3A_74 {offsets = [0, 0, 0], sizes = [64, 1, 128], strides = [1, 1, 1]} : vector<128x1x128xf32> to vector<64x1x128xf32>
    %slice3A_76 = vector.extract_strided_slice %add3A_74 {offsets = [64, 0, 0], sizes = [64, 1, 128], strides = [1, 1, 1]} : vector<128x1x128xf32> to vector<64x1x128xf32>
    %add3A_77 = arith.addf %slice3A_75, %slice3A_76 : vector<64x1x128xf32>
    %slice3A_78 = vector.extract_strided_slice %add3A_77 {offsets = [0, 0, 0], sizes = [32, 1, 128], strides = [1, 1, 1]} : vector<64x1x128xf32> to vector<32x1x128xf32>
    %slice3A_79 = vector.extract_strided_slice %add3A_77 {offsets = [32, 0, 0], sizes = [32, 1, 128], strides = [1, 1, 1]} : vector<64x1x128xf32> to vector<32x1x128xf32>
    %add3A_80 = arith.addf %slice3A_78, %slice3A_79 : vector<32x1x128xf32>
    %slice3A_81 = vector.extract_strided_slice %add3A_80 {offsets = [0, 0, 0], sizes = [16, 1, 128], strides = [1, 1, 1]} : vector<32x1x128xf32> to vector<16x1x128xf32>
    %slice3A_82 = vector.extract_strided_slice %add3A_80 {offsets = [16, 0, 0], sizes = [16, 1, 128], strides = [1, 1, 1]} : vector<32x1x128xf32> to vector<16x1x128xf32>
    %add3A_83 = arith.addf %slice3A_81, %slice3A_82 : vector<16x1x128xf32>
    %slice3A_84 = vector.extract_strided_slice %add3A_83 {offsets = [0, 0, 0], sizes = [8, 1, 128], strides = [1, 1, 1]} : vector<16x1x128xf32> to vector<8x1x128xf32>
    %slice3A_85 = vector.extract_strided_slice %add3A_83 {offsets = [8, 0, 0], sizes = [8, 1, 128], strides = [1, 1, 1]} : vector<16x1x128xf32> to vector<8x1x128xf32>
    %add3A_86 = arith.addf %slice3A_84, %slice3A_85 : vector<8x1x128xf32>
    %slice3A_87 = vector.extract_strided_slice %add3A_86 {offsets = [0, 0, 0], sizes = [4, 1, 128], strides = [1, 1, 1]} : vector<8x1x128xf32> to vector<4x1x128xf32>
    %slice3A_88 = vector.extract_strided_slice %add3A_86 {offsets = [4, 0, 0], sizes = [4, 1, 128], strides = [1, 1, 1]} : vector<8x1x128xf32> to vector<4x1x128xf32>
    %add3A_89 = arith.addf %slice3A_87, %slice3A_88 : vector<4x1x128xf32>
    %slice3A_90 = vector.extract_strided_slice %add3A_89 {offsets = [0, 0, 0], sizes = [2, 1, 128], strides = [1, 1, 1]} : vector<4x1x128xf32> to vector<2x1x128xf32>
    %slice3A_91 = vector.extract_strided_slice %add3A_89 {offsets = [2, 0, 0], sizes = [2, 1, 128], strides = [1, 1, 1]} : vector<4x1x128xf32> to vector<2x1x128xf32>
    %add3A_92 = arith.addf %slice3A_90, %slice3A_91 : vector<2x1x128xf32>
    %slice3A_93 = vector.extract_strided_slice %add3A_92 {offsets = [0, 0, 0], sizes = [1, 1, 128], strides = [1, 1, 1]} : vector<2x1x128xf32> to vector<1x1x128xf32>
    %slice3A_94 = vector.extract_strided_slice %add3A_92 {offsets = [1, 0, 0], sizes = [1, 1, 128], strides = [1, 1, 1]} : vector<2x1x128xf32> to vector<1x1x128xf32>
    %add3A_95 = arith.addf %slice3A_93, %slice3A_94 : vector<1x1x128xf32>
    %squeeze3A_96 = vector.shape_cast %add3A_95 : vector<1x1x128xf32> to vector<1x128xf32>
    %swap3A_97 = arith.constant 0 : index
    %swap3A_98 = arith.constant 0 : index
    %swap3A_99 = arith.constant 0 : index
    %swap3A_100 = vector.load %arg5[%swap3A_97, %swap3A_98, %swap3A_99] : memref<1x1x128xf32, #tpu.memory_space<vmem>>, vector<1x1x128xf32>
    %swap3A_101 = vector.shape_cast %swap3A_100 : vector<1x1x128xf32> to vector<1x128xf32>
    %swap3A_102 = vector.shape_cast %squeeze3A_96 : vector<1x128xf32> to vector<1x1x128xf32>
    tpu.vector_store %arg5[%swap3A_97, %swap3A_98, %swap3A_99], %swap3A_102 {strides = array<i32>} : memref<1x1x128xf32, #tpu.memory_space<vmem>>, vector<1x1x128xf32>,
    return
  }
  func.func @transform_0(%arg0: i32) -> (i32, i32) {
    %c0_i32 = arith.constant 0 : i32
    %c0_i32_0 = arith.constant 0 : i32
    return %arg0, %c0_i32 : i32, i32
  }
  func.func @transform_1(%arg0: i32) -> (i32, i32, i32) {
    %c0_i32 = arith.constant 0 : i32
    %c0_i32_0 = arith.constant 0 : i32
    %c0_i32_1 = arith.constant 0 : i32
    %c0_i32_2 = arith.constant 0 : i32
    return %c0_i32, %c0_i32_0, %c0_i32_1 : i32, i32, i32
  }
  func.func @transform_2(%arg0: i32) -> (i32, i32, i32) {
    %c0_i32 = arith.constant 0 : i32
    %c0_i32_0 = arith.constant 0 : i32
    %c0_i32_1 = arith.constant 0 : i32
    %c0_i32_2 = arith.constant 0 : i32
    return %c0_i32, %c0_i32_0, %c0_i32_1 : i32, i32, i32
  }
  func.func @transform_3(%arg0: i32) -> (i32, i32, i32) {
    %c0_i32 = arith.constant 0 : i32
    %c0_i32_0 = arith.constant 0 : i32
    %c0_i32_1 = arith.constant 0 : i32
    return %arg0, %c0_i32, %c0_i32_0 : i32, i32, i32
  }
  func.func @transform_4(%arg0: i32) -> (i32, i32, i32) {
    %c0_i32 = arith.constant 0 : i32
    %c0_i32_0 = arith.constant 0 : i32
    %c0_i32_1 = arith.constant 0 : i32
    return %arg0, %c0_i32, %c0_i32_0 : i32, i32, i32
  }
}

module attributes {stable_mosaic.version = 14 : i64} {
  func.func @_head_body(%arg0: memref<64x1x128xf32, #tpu.memory_space<vmem>>, %arg1: memref<64x1x128xf32, #tpu.memory_space<vmem>>, %arg2: memref<512x256xf32, #tpu.memory_space<vmem>>, %arg3: memref<256x512xf32, #tpu.memory_space<vmem>>, %arg4: memref<256xf32, #tpu.memory_space<vmem>>, %arg5: memref<128x256xf32, #tpu.memory_space<vmem>>, %arg6: memref<128xf32, #tpu.memory_space<vmem>>, %arg7: memref<32x128xf32, #tpu.memory_space<vmem>>, %arg8: memref<32xf32, #tpu.memory_space<vmem>>, %arg9: memref<40x32xf32, #tpu.memory_space<vmem>>, %arg10: memref<40xf32, #tpu.memory_space<vmem>>, %arg11: memref<8x40xf32, #tpu.memory_space<vmem>>) attributes {dimension_semantics = [], scalar_prefetch = 0 : i64, scratch_operands = 0 : i64, tpu.core_type = #tpu.core_type<tc>} {
    %get3A = arith.constant 0 : index
    %get3A_0 = arith.constant 0 : index
    %get3A_1 = arith.constant 0 : index
    %get3A_2 = vector.load %arg0[%get3A, %get3A_0, %get3A_1] : memref<64x1x128xf32, #tpu.memory_space<vmem>>, vector<64x1x128xf32>
    %reshape3A = vector.shape_cast %get3A_2 : vector<64x1x128xf32> to vector<8x8x128xf32>
    %reduce_max3A = arith.constant dense<0xFF800000> : vector<8x128xf32>
    %reduce_max3A_3 = vector.multi_reduction <maximumf>, %reshape3A, %reduce_max3A [1] : vector<8x8x128xf32> to vector<8x128xf32>
    %get3A_4 = arith.constant 0 : index
    %get3A_5 = arith.constant 0 : index
    %get3A_6 = arith.constant 0 : index
    %get3A_7 = vector.load %arg1[%get3A_4, %get3A_5, %get3A_6] : memref<64x1x128xf32, #tpu.memory_space<vmem>>, vector<64x1x128xf32>
    %reshape3A_8 = vector.shape_cast %get3A_7 : vector<64x1x128xf32> to vector<8x8x128xf32>
    %reduce_sum3A = arith.constant dense<0.000000e+00> : vector<8x128xf32>
    %reduce_sum3A_9 = vector.multi_reduction <add>, %reshape3A_8, %reduce_sum3A [1] : vector<8x8x128xf32> to vector<8x128xf32>
    %mul3A = arith.constant 4.8828125E-4 : f32
    %mul3A_10 = vector.broadcast %mul3A : f32 to vector<8x128xf32>
    %mul3A_11 = arith.mulf %reduce_sum3A_9, %mul3A_10 : vector<8x128xf32>
    %concatenate3A = tpu.concatenate %reduce_max3A_3, %mul3A_11 in 1 : vector<8x128xf32>, vector<8x128xf32> -> vector<8x256xf32>
    %get3A_12 = arith.constant 0 : index
    %get3A_13 = arith.constant 0 : index
    %get3A_14 = vector.load %arg2[%get3A_12, %get3A_13] : memref<512x256xf32, #tpu.memory_space<vmem>>, vector<512x256xf32>
    %dot_general3A = arith.constant dense<0.000000e+00> : vector<8x512xf32>
    %dot_general3A_15 = tpu.matmul %concatenate3A, %get3A_14, %dot_general3A {dimension_numbers = #tpu.dot_dimension_numbers<[1], [1], [0], [0], [0, 0, 1, 0], [], []>, transpose_lhs_hint = false} : vector<8x256xf32>, vector<512x256xf32>, vector<8x512xf32> -> vector<8x512xf32>
    %reduce_sum3A_16 = arith.constant dense<0.000000e+00> : vector<512xf32>
    %reduce_sum3A_17 = vector.multi_reduction <add>, %dot_general3A_15, %reduce_sum3A_16 [0] : vector<8x512xf32> to vector<512xf32>
    %broadcast_in_dim3A = vector.shape_cast %reduce_sum3A_17 : vector<512xf32> to vector<1x512xf32>
    %div3A = arith.constant 8.000000e+00 : f32
    %div3A_18 = vector.broadcast %div3A : f32 to vector<1x512xf32>
    %div3A_19 = arith.divf %broadcast_in_dim3A, %div3A_18 : vector<1x512xf32>
    %jit3A = arith.constant 0 : i32
    %reduce_sum3A_20 = arith.constant dense<0.000000e+00> : vector<512xf32>
    %reduce_sum3A_21 = vector.multi_reduction <add>, %dot_general3A_15, %reduce_sum3A_20 [0] : vector<8x512xf32> to vector<512xf32>
    %broadcast_in_dim3A_22 = vector.shape_cast %reduce_sum3A_21 : vector<512xf32> to vector<1x512xf32>
    %div3A_23 = arith.constant 8.000000e+00 : f32
    %div3A_24 = vector.broadcast %div3A_23 : f32 to vector<1x512xf32>
    %div3A_25 = arith.divf %broadcast_in_dim3A_22, %div3A_24 : vector<1x512xf32>
    %sub3A = vector.broadcast %div3A_25 : vector<1x512xf32> to vector<8x512xf32>
    %sub3A_26 = arith.subf %dot_general3A_15, %sub3A : vector<8x512xf32>
    %square3A = arith.mulf %sub3A_26, %sub3A_26 : vector<8x512xf32>
    %convert_element_type3A = arith.sitofp %jit3A : i32 to f32
    %sub3A_27 = arith.constant 8.000000e+00 : f32
    %sub3A_28 = arith.subf %sub3A_27, %convert_element_type3A : f32
    %reduce_sum3A_29 = arith.constant dense<0.000000e+00> : vector<512xf32>
    %reduce_sum3A_30 = vector.multi_reduction <add>, %square3A, %reduce_sum3A_29 [0] : vector<8x512xf32> to vector<512xf32>
    %broadcast_in_dim3A_31 = vector.shape_cast %reduce_sum3A_30 : vector<512xf32> to vector<1x512xf32>
    %div3A_32 = vector.broadcast %sub3A_28 : f32 to vector<1x512xf32>
    %div3A_33 = arith.divf %broadcast_in_dim3A_31, %div3A_32 : vector<1x512xf32>
    %gt3A = arith.constant 0.000000e+00 : f32
    %gt3A_34 = arith.cmpf ogt, %sub3A_28, %gt3A : f32
    %jit3A_35 = arith.constant 0x7FC00000 : f32
    %broadcast_in_dim3A_36 = vector.broadcast %jit3A_35 : f32 to vector<1x512xf32>
    %select_n3A = arith.select %gt3A_34, %div3A_33, %broadcast_in_dim3A_36 : vector<1x512xf32>
    %sub3A_37 = vector.broadcast %div3A_19 : vector<1x512xf32> to vector<8x512xf32>
    %sub3A_38 = arith.subf %dot_general3A_15, %sub3A_37 : vector<8x512xf32>
    %add3A = arith.constant 9.99999974E-6 : f32
    %add3A_39 = vector.broadcast %add3A : f32 to vector<1x512xf32>
    %add3A_40 = arith.addf %select_n3A, %add3A_39 : vector<1x512xf32>
    %sqrt3A = math.sqrt %add3A_40 : vector<1x512xf32>
    %div3A_41 = vector.broadcast %sqrt3A : vector<1x512xf32> to vector<8x512xf32>
    %div3A_42 = arith.divf %sub3A_38, %div3A_41 : vector<8x512xf32>
    %ge3A = arith.constant 0.000000e+00 : f32
    %ge3A_43 = vector.broadcast %ge3A : f32 to vector<8x512xf32>
    %ge3A_44 = arith.cmpf oge, %div3A_42, %ge3A_43 : vector<8x512xf32>
    %mul3A_45 = arith.constant 2.000000e-01 : f32
    %mul3A_46 = vector.broadcast %mul3A_45 : f32 to vector<8x512xf32>
    %mul3A_47 = arith.mulf %mul3A_46, %div3A_42 : vector<8x512xf32>
    %select_n3A_48 = arith.select %ge3A_44, %div3A_42, %mul3A_47 : vector<8x512xi1>, vector<8x512xf32>
    %get3A_49 = arith.constant 0 : index
    %get3A_50 = arith.constant 0 : index
    %get3A_51 = vector.load %arg3[%get3A_49, %get3A_50] : memref<256x512xf32, #tpu.memory_space<vmem>>, vector<256x512xf32>
    %dot_general3A_52 = arith.constant dense<0.000000e+00> : vector<8x256xf32>
    %dot_general3A_53 = tpu.matmul %select_n3A_48, %get3A_51, %dot_general3A_52 {dimension_numbers = #tpu.dot_dimension_numbers<[1], [1], [0], [0], [0, 0, 1, 0], [], []>, transpose_lhs_hint = false} : vector<8x512xf32>, vector<256x512xf32>, vector<8x256xf32> -> vector<8x256xf32>
    %get3A_54 = arith.constant 0 : index
    %get3A_55 = vector.load %arg4[%get3A_54] : memref<256xf32, #tpu.memory_space<vmem>>, vector<256xf32>
    %broadcast_in_dim3A_56 = vector.shape_cast %get3A_55 : vector<256xf32> to vector<1x256xf32>
    %add3A_57 = vector.broadcast %broadcast_in_dim3A_56 : vector<1x256xf32> to vector<8x256xf32>
    %add3A_58 = arith.addf %dot_general3A_53, %add3A_57 : vector<8x256xf32>
    %reduce_sum3A_59 = arith.constant dense<0.000000e+00> : vector<256xf32>
    %reduce_sum3A_60 = vector.multi_reduction <add>, %add3A_58, %reduce_sum3A_59 [0] : vector<8x256xf32> to vector<256xf32>
    %broadcast_in_dim3A_61 = vector.shape_cast %reduce_sum3A_60 : vector<256xf32> to vector<1x256xf32>
    %div3A_62 = arith.constant 8.000000e+00 : f32
    %div3A_63 = vector.broadcast %div3A_62 : f32 to vector<1x256xf32>
    %div3A_64 = arith.divf %broadcast_in_dim3A_61, %div3A_63 : vector<1x256xf32>
    %jit3A_65 = arith.constant 0 : i32
    %reduce_sum3A_66 = arith.constant dense<0.000000e+00> : vector<256xf32>
    %reduce_sum3A_67 = vector.multi_reduction <add>, %add3A_58, %reduce_sum3A_66 [0] : vector<8x256xf32> to vector<256xf32>
    %broadcast_in_dim3A_68 = vector.shape_cast %reduce_sum3A_67 : vector<256xf32> to vector<1x256xf32>
    %div3A_69 = arith.constant 8.000000e+00 : f32
    %div3A_70 = vector.broadcast %div3A_69 : f32 to vector<1x256xf32>
    %div3A_71 = arith.divf %broadcast_in_dim3A_68, %div3A_70 : vector<1x256xf32>
    %sub3A_72 = vector.broadcast %div3A_71 : vector<1x256xf32> to vector<8x256xf32>
    %sub3A_73 = arith.subf %add3A_58, %sub3A_72 : vector<8x256xf32>
    %square3A_74 = arith.mulf %sub3A_73, %sub3A_73 : vector<8x256xf32>
    %convert_element_type3A_75 = arith.sitofp %jit3A_65 : i32 to f32
    %sub3A_76 = arith.constant 8.000000e+00 : f32
    %sub3A_77 = arith.subf %sub3A_76, %convert_element_type3A_75 : f32
    %reduce_sum3A_78 = arith.constant dense<0.000000e+00> : vector<256xf32>
    %reduce_sum3A_79 = vector.multi_reduction <add>, %square3A_74, %reduce_sum3A_78 [0] : vector<8x256xf32> to vector<256xf32>
    %broadcast_in_dim3A_80 = vector.shape_cast %reduce_sum3A_79 : vector<256xf32> to vector<1x256xf32>
    %div3A_81 = vector.broadcast %sub3A_77 : f32 to vector<1x256xf32>
    %div3A_82 = arith.divf %broadcast_in_dim3A_80, %div3A_81 : vector<1x256xf32>
    %gt3A_83 = arith.constant 0.000000e+00 : f32
    %gt3A_84 = arith.cmpf ogt, %sub3A_77, %gt3A_83 : f32
    %jit3A_85 = arith.constant 0x7FC00000 : f32
    %broadcast_in_dim3A_86 = vector.broadcast %jit3A_85 : f32 to vector<1x256xf32>
    %select_n3A_87 = arith.select %gt3A_84, %div3A_82, %broadcast_in_dim3A_86 : vector<1x256xf32>
    %sub3A_88 = vector.broadcast %div3A_64 : vector<1x256xf32> to vector<8x256xf32>
    %sub3A_89 = arith.subf %add3A_58, %sub3A_88 : vector<8x256xf32>
    %add3A_90 = arith.constant 9.99999974E-6 : f32
    %add3A_91 = vector.broadcast %add3A_90 : f32 to vector<1x256xf32>
    %add3A_92 = arith.addf %select_n3A_87, %add3A_91 : vector<1x256xf32>
    %sqrt3A_93 = math.sqrt %add3A_92 : vector<1x256xf32>
    %div3A_94 = vector.broadcast %sqrt3A_93 : vector<1x256xf32> to vector<8x256xf32>
    %div3A_95 = arith.divf %sub3A_89, %div3A_94 : vector<8x256xf32>
    %ge3A_96 = arith.constant 0.000000e+00 : f32
    %ge3A_97 = vector.broadcast %ge3A_96 : f32 to vector<8x256xf32>
    %ge3A_98 = arith.cmpf oge, %div3A_95, %ge3A_97 : vector<8x256xf32>
    %mul3A_99 = arith.constant 2.000000e-01 : f32
    %mul3A_100 = vector.broadcast %mul3A_99 : f32 to vector<8x256xf32>
    %mul3A_101 = arith.mulf %mul3A_100, %div3A_95 : vector<8x256xf32>
    %select_n3A_102 = arith.select %ge3A_98, %div3A_95, %mul3A_101 : vector<8x256xi1>, vector<8x256xf32>
    %get3A_103 = arith.constant 0 : index
    %get3A_104 = arith.constant 0 : index
    %get3A_105 = vector.load %arg5[%get3A_103, %get3A_104] : memref<128x256xf32, #tpu.memory_space<vmem>>, vector<128x256xf32>
    %dot_general3A_106 = arith.constant dense<0.000000e+00> : vector<8x128xf32>
    %dot_general3A_107 = tpu.matmul %select_n3A_102, %get3A_105, %dot_general3A_106 {dimension_numbers = #tpu.dot_dimension_numbers<[1], [1], [0], [0], [0, 0, 1, 0], [], []>, transpose_lhs_hint = false} : vector<8x256xf32>, vector<128x256xf32>, vector<8x128xf32> -> vector<8x128xf32>
    %get3A_108 = arith.constant 0 : index
    %get3A_109 = vector.load %arg6[%get3A_108] : memref<128xf32, #tpu.memory_space<vmem>>, vector<128xf32>
    %broadcast_in_dim3A_110 = vector.shape_cast %get3A_109 : vector<128xf32> to vector<1x128xf32>
    %add3A_111 = vector.broadcast %broadcast_in_dim3A_110 : vector<1x128xf32> to vector<8x128xf32>
    %add3A_112 = arith.addf %dot_general3A_107, %add3A_111 : vector<8x128xf32>
    %get3A_113 = arith.constant 0 : index
    %get3A_114 = arith.constant 0 : index
    %get3A_115 = vector.load %arg7[%get3A_113, %get3A_114] : memref<32x128xf32, #tpu.memory_space<vmem>>, vector<32x128xf32>
    %dot_general3A_116 = arith.constant dense<0.000000e+00> : vector<8x32xf32>
    %dot_general3A_117 = tpu.matmul %add3A_112, %get3A_115, %dot_general3A_116 {dimension_numbers = #tpu.dot_dimension_numbers<[1], [1], [0], [0], [0, 0, 1, 0], [], []>, transpose_lhs_hint = false} : vector<8x128xf32>, vector<32x128xf32>, vector<8x32xf32> -> vector<8x32xf32>
    %get3A_118 = arith.constant 0 : index
    %get3A_119 = vector.load %arg8[%get3A_118] : memref<32xf32, #tpu.memory_space<vmem>>, vector<32xf32>
    %broadcast_in_dim3A_120 = vector.shape_cast %get3A_119 : vector<32xf32> to vector<1x32xf32>
    %add3A_121 = vector.broadcast %broadcast_in_dim3A_120 : vector<1x32xf32> to vector<8x32xf32>
    %add3A_122 = arith.addf %dot_general3A_117, %add3A_121 : vector<8x32xf32>
    %get3A_123 = arith.constant 0 : index
    %get3A_124 = arith.constant 0 : index
    %get3A_125 = vector.load %arg9[%get3A_123, %get3A_124] : memref<40x32xf32, #tpu.memory_space<vmem>>, vector<40x32xf32>
    %dot_general3A_126 = arith.constant dense<0.000000e+00> : vector<8x40xf32>
    %dot_general3A_127 = tpu.matmul %add3A_122, %get3A_125, %dot_general3A_126 {dimension_numbers = #tpu.dot_dimension_numbers<[1], [1], [0], [0], [0, 0, 1, 0], [], []>, transpose_lhs_hint = false} : vector<8x32xf32>, vector<40x32xf32>, vector<8x40xf32> -> vector<8x40xf32>
    %get3A_128 = arith.constant 0 : index
    %get3A_129 = vector.load %arg10[%get3A_128] : memref<40xf32, #tpu.memory_space<vmem>>, vector<40xf32>
    %broadcast_in_dim3A_130 = vector.shape_cast %get3A_129 : vector<40xf32> to vector<1x40xf32>
    %add3A_131 = vector.broadcast %broadcast_in_dim3A_130 : vector<1x40xf32> to vector<8x40xf32>
    %add3A_132 = arith.addf %dot_general3A_127, %add3A_131 : vector<8x40xf32>
    %swap3A = arith.constant 0 : index
    %swap3A_133 = arith.constant 0 : index
    %swap3A_134 = vector.load %arg11[%swap3A, %swap3A_133] : memref<8x40xf32, #tpu.memory_space<vmem>>, vector<8x40xf32>
    tpu.vector_store %arg11[%swap3A, %swap3A_133], %add3A_132 {strides = array<i32>} : memref<8x40xf32, #tpu.memory_space<vmem>>, vector<8x40xf32>,
    return
  }
}

</mosaic_0001>

<sc_bundles>
// kernel: kernel.21.cloned.1.call-start
scs
__scs_entry_jumppad:
0x0: {  	(pc) =	sbr.rel $0x88, $3  }
0x1: {  	(tag) =	ssettag $0x0;
	lr =	simm.s32 $0x1  }
0x2: {  	[smem:$0x3F92] =	sst lr;
	_ =	strace $0xD0000000  }
0x3: {  	_ = 	snop  }
0x4: {  	_ = 	snop  }
0x5: {  	_ = 	snop  }
0x6: {  	_ = 	snop  }
0x7: {  	_ = 	snop  }
__scs_overlays_trampoline_lowered:
0x8: {  	[smem:$0x3FA1] =	sst s0  }
0x9: {  	[smem:$0x3FA2] =	sst s1  }
0xa: {  	[smem:$0x3FA3] =	sst s2  }
0xb: {  	[smem:$0x3FA4] =	sst s3  }
0xc: {  	[smem:$0x3FA5] =	sst s4  }
0xd: {  	[smem:$0x3FA6] =	sst s5  }
0xe: {  	[smem:$0x3FA7] =	sst s6  }
0xf: {  	[smem:$0x3FA8] =	sst s7  }
0x10: {  	[smem:$0x3FA9] =	sst s8  }
0x11: {  	[smem:$0x3FAA] =	sst s9;
	s0 =	simm.s32 @!p0 $0x0  }
0x12: {  	s1 =	sld [smem:$0x3F90];
	s0 =	simm.s32 @p0 $0x1  }
0x13: {  	[smem:$0x3FAB] =	sst s0;
	s0 =	simm.s32 @!p1 $0x0  }
0x14: {  	s2 =	sld [smem:$0x3F8F];
	s0 =	simm.s32 @p1 $0x1  }
0x15: {  	[smem:$0x3FAC] =	sst s0;
	s0 =	simm.s32 @!p2 $0x0  }
0x16: {  	s3 =	sld [smem:$0x3FDB];
	s0 =	simm.s32 @p2 $0x1  }
0x17: {  	s4 =	simm.s32 $0x1BF5;
	[smem:$0x3FAE] =	sst s0  }
0x18: {  	s0 =	sld [smem:$0x3F91];
	_ =	swait.ge [sflag:s4], $0x0  }
0x19: {  	s7 =	sld [smem:$0x3F92]  }
0x1a: {  	s8 =	sadd.s32 $0xFFFFE003, lr  }
0x1b: {  	s9 =	sadd.s32 $0xFFFFFEF7, lr;
	s5 =	simm.s32 $0xFFFFFFFF;
	p2 =	slt.u32 s8, $0xFFFFF086  }
0x1c: {  	p1 =	slt.u32 s9, $0xF7A;
	s5 =	simm.s32 @!p2 $0x0  }
0x1d: {  	s5 =	simm.s32 @p1 $0x1;
	p0 =	seq.s32 s7, s2  }
0x1e: {  	s7 =	smul.u32 @!p0 $0xF7A, s2;
	p2 =	seq.s32 @!p0 s5, $0x0  }
0x1f: {  	s9 =	smul.u32 $0xF7A, s1;
	s8 =	simm.s32 @!p0 $0x1BF5;
	p2 =	por !p2, p0  }
0x20: {  	[sflag:s8] =	ssyncset.s32 @!p0 $0xFFFFF086;
	s6 =	sadd.s32 @!p0 s3, s7;
	s7 =	simm.s32 @!p0 $0x108  }
0x21: {  	s3 =	sadd.s32 s3, s9;
	s6 =	sadd.s32 @!p0 $0x88, s6;
	s7 =	simm.s32 @p2 $0x1082  }
0x22: {  	[simem:s7], [sflag:s8] =	dma.local @!p0 [hbm:s6], $0xF7A  }
0x23: {  	s9 =	sor.u32 $0xD0000000, s2;
	s6 =	simm.s32 $0x108;
	_ =	swait.ge @!p0 [sflag:s8], $0x0  }
0x24: {  	s3 =	sadd.s32 $0x88, s3;
	s6 =	simm.s32 @!p1 $0x1082;
	[sflag:s4] =	ssyncset.s32 $0xFFFFF086  }
0x25: {  	[simem:s6], [sflag:s4] =	dma.local [hbm:s3], $0xF7A  }
0x26: {  	[smem:$0x3F92] =	sst s1;
	(tag) =	ssettag s2;
	_ =	strace s9  }
0x27: {  	s1 =	sld [smem:$0x3FA2]  }
0x28: {  	s2 =	sld [smem:$0x3FA3]  }
0x29: {  	s4 =	sld [smem:$0x3FA5]  }
0x2a: {  	p0 =	seq.s32 s5, $0x0;
	s5 =	sld [smem:$0x3FA6]  }
0x2b: {  	s6 =	sld [smem:$0x3FA7]  }
0x2c: {  	s7 =	sld [smem:$0x3FA8]  }
0x2d: {  	s3 =	simm.s32 $0x108;
	s8 =	sld [smem:$0x3FA9]  }
0x2e: {  	s3 =	simm.s32 @!p0 $0x1082;
	s9 =	sld [smem:$0x3FAA]  }
0x2f: {  	lr =	sadd.s32 s0, s3;
	s0 =	sld [smem:$0x3FA1]  }
0x30: {  	s3 =	sld [smem:$0x3FA4]  }
0x31: {  	[smem:$0x3FAD] =	sst s10  }
0x32: {  	s10 =	sld [smem:$0x3FAB];
	_ =	sdelay $0x3  }
0x33: {  	p0 =	seq.s32 s10, $0x1;
	s10 =	sld [smem:$0x3FAD];
	_ =	sdelay $0x3  }
0x34: {  	[smem:$0x3FAD] =	sst s10  }
0x35: {  	s10 =	sld [smem:$0x3FAC];
	_ =	sdelay $0x3  }
0x36: {  	p1 =	seq.s32 s10, $0x1;
	s10 =	sld [smem:$0x3FAD];
	_ =	sdelay $0x3  }
0x37: {  	[smem:$0x3FAD] =	sst s10  }
0x38: {  	s10 =	sld [smem:$0x3FAE]  }
0x39: {  	_ = 	snop;
	(pc) =	sbr.ind lr, $3  }
0x3a: {  	_ = 	snop  }
0x3b: {  	_ = 	snop  }
0x3c: {  	p2 =	seq.s32 s10, $0x1;
	s10 =	sld [smem:$0x3FAD]  }
0x3d: {  	_ =	shalt  }
0x3e: {  	_ =	shalt  }
0x3f: {  	_ =	shalt  }
0x40: {  	_ =	shalt  }
0x41: {  	_ =	shalt  }
0x42: {  	_ =	shalt  }
0x43: {  	_ =	shalt  }
0x44: {  	_ =	shalt  }
0x45: {  	_ =	shalt  }
0x46: {  	_ =	shalt  }
0x47: {  	_ =	shalt  }
0x48: {  	_ =	shalt  }
0x49: {  	_ =	shalt  }
0x4a: {  	_ =	shalt  }
0x4b: {  	_ =	shalt  }
0x4c: {  	_ =	shalt  }
0x4d: {  	_ =	shalt  }
0x4e: {  	_ =	shalt  }
0x4f: {  	_ =	shalt  }
0x50: {  	_ =	shalt  }
0x51: {  	_ =	shalt  }
0x52: {  	_ =	shalt  }
0x53: {  	_ =	shalt  }
0x54: {  	_ =	shalt  }
0x55: {  	_ =	shalt  }
0x56: {  	_ =	shalt  }
0x57: {  	_ =	shalt  }
0x58: {  	_ =	shalt  }
0x59: {  	_ =	shalt  }
0x5a: {  	_ =	shalt  }
0x5b: {  	_ =	shalt  }
0x5c: {  	_ =	shalt  }
0x5d: {  	_ =	shalt  }
0x5e: {  	_ =	shalt  }
0x5f: {  	_ =	shalt  }
0x60: {  	_ =	shalt  }
0x61: {  	_ =	shalt  }
0x62: {  	_ =	shalt  }
0x63: {  	_ =	shalt  }
0x64: {  	_ =	shalt  }
0x65: {  	_ =	shalt  }
0x66: {  	_ =	shalt  }
0x67: {  	_ =	shalt  }
0x68: {  	_ =	shalt  }
0x69: {  	_ =	shalt  }
0x6a: {  	_ =	shalt  }
0x6b: {  	_ =	shalt  }
0x6c: {  	_ =	shalt  }
0x6d: {  	_ =	shalt  }
0x6e: {  	_ =	shalt  }
0x6f: {  	_ =	shalt  }
0x70: {  	_ =	shalt  }
0x71: {  	_ =	shalt  }
0x72: {  	_ =	shalt  }
0x73: {  	_ =	shalt  }
0x74: {  	_ =	shalt  }
0x75: {  	_ =	shalt  }
0x76: {  	_ =	shalt  }
0x77: {  	_ =	shalt  }
0x78: {  	_ =	shalt  }
0x79: {  	_ =	shalt  }
0x7a: {  	_ =	shalt  }
0x7b: {  	_ =	shalt  }
0x7c: {  	_ =	shalt  }
0x7d: {  	_ =	shalt  }
0x7e: {  	_ =	shalt  }
0x7f: {  	_ =	shalt  }
0x80: {  	_ =	shalt  }
0x81: {  	_ =	shalt  }
0x82: {  	_ =	shalt  }
0x83: {  	_ =	shalt  }
0x84: {  	_ =	shalt  }
0x85: {  	_ =	shalt  }
0x86: {  	_ =	shalt  }
0x87: {  	_ =	shalt  }
.Lfunc_end0:
.L_simem_size_0:
called_computation_lowered:
.L_overlay_start_0:
0x88: {  	s2 =	sld [smem:$0x3FD9]  }
0x89: {  	s3 =	sld [smem:$0x3FFE];
	_ =	sdelay $0x1  }
0x8a: {  	s1 =	srdreg.scid  }
0x8b: {  	s0 =	sand.u32 $0x1, s1  }
0x8c: {  	s16 =	sshll.u32 s0, $0xA;
	s2 =	sadd.s32 s3, s2  }
0x8d: {  	s2 =	sadd.s32 s2, s16  }
0x8e: {  	[smem:$0x3FB9] =	sst s2  }
0x8f: {  	_ = 	snop  }
0x90: {  	(tm) =	ssettm $0x1  }
0x91: {  	s17 =	sld [smem:$0x3FFB];
	_ =	sdelay $0x3  }
0x92: {  	_ =	strace s17  }
0x93: {  	s2 =	sld [smem:$0x3FFC];
	_ =	sdelay $0x3  }
0x94: {  	_ =	strace s2  }
0x95: {  	s2 =	sld [smem:$0x3FFD];
	_ =	sdelay $0x3  }
0x96: {  	_ =	strace s2  }
0x97: {  	_ =	strace $0x8FFFFFFF  }
0x98: {  	s18 =	sld [smem:$0x3FDB];
	_ =	sdelay $0x1  }
0x99: {  	s19 =	simm.s32 $_scs_section_size  }
0x9a: {  	s4 =	simm.s32 $_size__tile_overlayer_lowered;
	s5 =	simm.s32 $_tile_overlayer_lowered  }
0x9b: {  	s22 =	simm.s32 $0x1BFF;
	s21 =	sshll.u32 s5, $0x1;
	s2 =	sadd.s32 s19, s18  }
0x9c: {  	s6 =	simm.s32 $0x0;
	s20 =	sshll.u32 s4, $0x1;
	s4 =	sadd.s32 s21, s2  }
0x9d: {  	[timem:s6], [sflag:s22] =	dma.local [hbm:s4], s20  }
0x9e: {  	_ =	swait.ge [sflag:s22], s20  }
0x9f: {  	s3 =	ssub.s32 $0x0, s20;
	[sflag:s22] =	ssyncset.done $0x0  }
0xa0: {  	[sflag:s22] =	ssyncadd.s32 s3;
	_ =	sdelay $0x1  }
0xa1: {  	s23 =	simm.s32 $0x1B8B  }
0xa2: {  	_ =	swait.ge [sflag:s23], $0x1  }
0xa3: {  	[sflag:s23] =	ssyncset.done $0x0  }
0xa4: {  	s25 =	simm.s32 $0x1B8E;
	s24 =	sld [smem:$0x3FFE];
	[sflag:s23] =	ssyncadd.s32 $0xFFFFFFFF  }
0xa5: {  	s26 =	simm.s32 $execute0_lowered;
	[smem:$0x3FD2] =	sst s25  }
0xa6: {  	s4 =	sshll.u32 s26, $0x1;
	_ =	strace $0x80000046;
	[dreg:$0x1] =	wrdreg $0xFFFFFFFF  }
0xa7: {  	s28 =	simm.s32 $_size_execute0_lowered;
	s2 =	sadd.s32 s2, s4;
	[dreg:$0x0] =	wrdreg $0x0  }
0xa8: {  	s4 =	sshll.u32 s28, $0x1;
	[dreg:$0x2] =	wrdreg s2  }
0xa9: {  	[dreg:$0x3] =	wrdreg s4  }
0xaa: {  	[dreg:$0x4] =	wrdreg $0xC0  }
0xab: {  	_ =	task [dreg:s6], $0x5FFFF  }
0xac: {  	[dreg:$0x1] =	wrdreg $0xFFFFFFFF  }
0xad: {  	[dreg:$0x0] =	wrdreg $0x60  }
0xae: {  	[dreg:$0x2] =	wrdreg s24  }
0xaf: {  	[dreg:$0x3] =	wrdreg $0x9  }
0xb0: {  	_ =	task.clear_ibuf [dreg:s6], $0x4FFFF;
	_ =	strace $0x90000046  }
0xb1: {  	s29 =	simm.s32 $0x9;
	_ =	strace $0x80000048  }
0xb2: {  	_ =	swait.ge [sflag:s29], $0x1  }
0xb3: {  	[sflag:s29] =	ssyncadd.s32 $0xFFFFFFFF  }
0xb4: {  	_ =	strace $0x90000048  }
0xb5: {  	_ =	sfence  }
0xb6: {  	s30 =	sld [smem:$0x0];
	_ =	sdelay $0x2  }
0xb7: {  	s31 =	sshll.u32 s1, $0xD;
	s1 =	sshrl.u32 s1, $0x2  }
0xb8: {  	s3 =	sand.u32 $0x4000, s31;
	s1 =	sadd.s32 s1, s30  }
0xb9: {  	s0 =	sor.u32 s3, s0;
	s1 =	sshll.u32 s1, $0x11  }
0xba: {  	s0 =	sor.u32 s1, s0  }
0xbb: {  	s0 =	sadd.s32 $0x8F2B, s0  }
0xbc: {  	[sflag:s0] =	ssyncadd.remote.s32 $0x1  }
0xbd: {  	_ =	sfence.sel $0xFFFF  }
0xbe: {  	[dreg:$0x0] =	wrdreg $0xFFFFFFFF;
	(pc) =	sbr.abs _section_cstart, $3  }
0xbf: {  	[dreg:$0x1] =	wrdreg $0xFFFFFFFF  }
0xc0: {  	_ =	task.clear_ibuf [dreg:s6], $0x2FFFF;
	_ =	strace $0x9FFFFFFF  }
0xc1: {  	(tm) =	ssettm $0x7FFFFFFF  }
tec
execute0_lowered:
.L_overlay_start_1:
0x0: {  	(tag) =	ssettag $0x1  }
0x1: {  	s4 =	rddreg [dreg:$0x0]  }
0x2: {  	s0 =	rddreg [dreg:$0x1]  }
0x3: {  	s3 =	srdreg.scid;
	s1 =	stileid.u32;
	s2 =	simm.s32 $0x0  }
0x4: {  	s11 =	simm.s32 $0x4000;
	s12 =	simm.s32 $0x6800;
	s13 =	simm.s32 $0x1  }
0x5: {  	s14 =	simm.s32 $0x2;
	s15 =	simm.s32 $0x3F80;
	s16 =	simm.s32 $0x0  }
0x6: {  	s6 =	sand.u32 $0x1, s3;
	s25 =	sshll.u32 s1, $0x1;
	[smem:$0x7FF] =	sst s2  }
0x7: {  	s3 =	sadd.s32 $0x51E00, s4;
	s9 =	sadd.s32 $0x91E00, s4;
	s29 =	smul.u32 $0x50000, s1  }
0x8: {  	s5 =	sor.u32 s6, s25;
	_ =	strace $0x80000047;
	s8 =	ssub.s32 $0x2, s6  }
0x9: {  	s31 =	smul.u32 $0x28000, s6;
	s7 =	sshll.u32 s5, $0xB;
	s26 =	sshrl.u32 s8, $0x1  }
0xa: {  	s10 =	smul.u32 $0x28000, s5;
	s7 =	sadd.s32 s7, s4;
	s28 =	ssub.s32 s8, s26  }
0xb: {  	s8 =	sadd.s32 s29, s9;
	s4 =	sadd.s32 $0x41E00, s7;
	s5 =	smax.u32 s28, $0x1  }
0xc: {  	s30 =	sadd.s32 s9, s10;
	s8 =	sadd.s32 s31, s8;
	s9 =	simm.s32 $0x3  }
0xd: {  	s10 =	simm.s32 $0x50;
	s6 =	sadd.s32 $0x27600, s30;
	s7 =	sadd.s32 $0x27B00, s30  }
.LBB2_1:
0xe: {  	[tilespmem:s2], [sflag:$0x3] =	stream.linear.gather [hbm4b:s4+s2], $0x4000, $0x38;
	[tilespmem:$0x9000] =	vst v63  }
0xf: {  	_ =	swait.ge [sflag:s9], $0x4000  }
0x10: {  	[sflag:s9] =	ssyncset.done $0x0  }
0x11: {  	[sflag:s9] =	ssyncadd.s32 $0xFFFFC000  }
0x12: {  	[tilespmem:s11], [sflag:$0x1] =	stream.indirect.gather [hbm4b:s3+s10], $0x80, s2, s10, $0xb8;
	[tilespmem:$0x9000] =	vst v63  }
0x13: {  	s17 =	simm.s32 $0x80  }
0x14: {  	[tilespmem:s12], [sflag:$0x2] =	stream.indirect.gather [hbm4b:s3+s10], $0x80, s17, s10, $0xb8;
	[tilespmem:$0x9000] =	vst v63  }
0x15: {  	_ =	swait.ge [sflag:s13], $0x2800  }
0x16: {  	[sflag:s13] =	ssyncset.done $0x0  }
0x17: {  	s18 =	sadd.s32 $0x0, s8;
	[sflag:s13] =	ssyncadd.s32 $0xFFFFD800  }
0x18: {  	[hbm4b:s18+s2] =	stream.linear.scatter [tilespmem:s11], [sflag:$0x3], $0x2800, $0x38;
	[tilespmem:$0x9000] =	vst v63  }
0x19: {  	_ =	swait.ge [sflag:s9], $0x2800  }
0x1a: {  	[sflag:s9] =	ssyncset.done $0x0  }
0x1b: {  	s19 =	simm.s32 $0x100;
	[sflag:s9] =	ssyncadd.s32 $0xFFFFD800  }
0x1c: {  	[tilespmem:s11], [sflag:$0x1] =	stream.indirect.gather [hbm4b:s3+s10], $0x80, s19, s10, $0xb8;
	[tilespmem:$0x9000] =	vst v63  }
0x1d: {  	_ =	swait.ge [sflag:s14], $0x2800  }
0x1e: {  	[sflag:s14] =	ssyncset.done $0x0  }
0x1f: {  	s18 =	sadd.s32 $0x500, s18;
	[sflag:s14] =	ssyncadd.s32 $0xFFFFD800  }
0x20: {  	[hbm4b:s18+s2] =	stream.linear.scatter [tilespmem:s12], [sflag:$0x3], $0x2800, $0x38;
	[tilespmem:$0x9000] =	vst v63  }
0x21: {  	_ =	swait.ge [sflag:s9], $0x2800  }
0x22: {  	s18 =	simm.s32 $0xA00;
	[sflag:s9] =	ssyncset.done $0x0  }
.LBB2_2:
0x23: {  	p0 =	sne.s32 s18, $0x26C00;
	[sflag:s9] =	ssyncadd.s32 $0xFFFFD800;
	s17 =	sadd.s32 $0x100, s17  }
0x24: {  	[tilespmem:s12], [sflag:$0x2] =	stream.indirect.gather [hbm4b:s3+s10], $0x80, s17, s10, $0xb8;
	[tilespmem:$0x9000] =	vst v63  }
0x25: {  	s19 =	smov.u32 s18;
	s18 =	sadd.s32 $0xA00, s18;
	_ =	swait.ge [sflag:s13], $0x2800  }
0x26: {  	[sflag:s13] =	ssyncset.done $0x0  }
0x27: {  	s19 =	sadd.s32 s19, s8;
	[sflag:s13] =	ssyncadd.s32 $0xFFFFD800  }
0x28: {  	[hbm4b:s19+s2] =	stream.linear.scatter [tilespmem:s11], [sflag:$0x3], $0x2800, $0x38;
	[tilespmem:$0x9000] =	vst v63  }
0x29: {  	_ =	swait.ge [sflag:s9], $0x2800  }
0x2a: {  	[sflag:s9] =	ssyncset.done $0x0  }
0x2b: {  	s20 =	sadd.s32 $0x80, s17;
	[sflag:s9] =	ssyncadd.s32 $0xFFFFD800  }
0x2c: {  	[tilespmem:s11], [sflag:$0x1] =	stream.indirect.gather [hbm4b:s3+s10], $0x80, s20, s10, $0xb8;
	[tilespmem:$0x9000] =	vst v63  }
0x2d: {  	_ =	swait.ge [sflag:s14], $0x2800  }
.Ltmp0:
0x2e: {  	[sflag:s14] =	ssyncset.done $0x0;
	(pc) =	sbr.rel @p0 .LBB2_2-.Ltmp0, $4  }
0x2f: {  	s19 =	sadd.s32 $0x500, s19;
	[sflag:s14] =	ssyncadd.s32 $0xFFFFD800  }
0x30: {  	[hbm4b:s19+s2] =	stream.linear.scatter [tilespmem:s12], [sflag:$0x3], $0x2800, $0x38;
	[tilespmem:$0x9000] =	vst v63  }
0x31: {  	_ =	swait.ge [sflag:s9], $0x2800  }
0x32: {  	[sflag:s9] =	ssyncset.done $0x0  }
0x33: {  	[sflag:s9] =	ssyncadd.s32 $0xFFFFD800  }
0x34: {  	[tilespmem:s12], [sflag:$0x2] =	stream.indirect.gather [hbm4b:s3+s10], $0x80, s15, s10, $0xb8;
	[tilespmem:$0x9000] =	vst v63  }
0x35: {  	_ =	swait.ge [sflag:s13], $0x2800  }
0x36: {  	[sflag:s13] =	ssyncset.done $0x0  }
0x37: {  	[sflag:s13] =	ssyncadd.s32 $0xFFFFD800  }
0x38: {  	[hbm4b:s6+s2] =	stream.linear.scatter [tilespmem:s11], [sflag:$0x3], $0x2800, $0x38;
	[tilespmem:$0x9000] =	vst v63  }
0x39: {  	_ =	swait.ge [sflag:s9], $0x2800  }
0x3a: {  	[sflag:s9] =	ssyncset.done $0x0  }
0x3b: {  	[sflag:s9] =	ssyncadd.s32 $0xFFFFD800  }
0x3c: {  	s16 =	sadd.s32 $0x1, s16;
	_ =	swait.ge [sflag:s14], $0x2800  }
0x3d: {  	p0 =	sne.s32 s16, s5;
	[sflag:s14] =	ssyncset.done $0x0  }
.Ltmp1:
0x3e: {  	[sflag:s14] =	ssyncadd.s32 $0xFFFFD800;
	(pc) =	sbr.rel @p0 .LBB2_1-.Ltmp1, $4  }
0x3f: {  	[hbm4b:s7+s2] =	stream.linear.scatter [tilespmem:s12], [sflag:$0x3], $0x2800, $0x38;
	[tilespmem:$0x9000] =	vst v63  }
0x40: {  	_ =	swait.ge [sflag:s9], $0x2800  }
0x41: {  	[sflag:s9] =	ssyncset.done $0x0  }
0x42: {  	[sflag:s9] =	ssyncadd.s32 $0xFFFFD800  }
0x43: {  	_ =	sfence.sel $0x180000  }
0x44: {  	[bflag:$0x0] =	sbarrier.arrive $0xFFFF  }
0x45: {  	p0 =	sne.s32 s1, $0x0;
	_ =	strace $0x90000047  }
0x46: {  	s0 =	sadd.s32 @!p0 $0x100000, s0;
	[bflag:$0x2] =	sbarrier.arrive $0xFFFF  }
0x47: {  	[sflag:s0] =	ssyncadd.tile.s32 @!p0 $0x1;
	_ =	shalt  }
.Lfunc_end2:
_tile_overlayer_lowered:
.L_overlay_start_2:
0x48: {  	(tag) =	ssettag $0x2  }
0x49: {  	s0 =	rddreg [dreg:$0x0];
	s2 =	stileid.u32  }
0x4a: {  	s1 =	rddreg [dreg:$0x1];
	p0 =	sne.s32 s2, $0x0  }
0x4b: {  	s3 =	rddreg [dreg:$0x2];
	[bflag:$0x3] =	sbarrier.arrive $0xFFFF;
	s2 =	simm.s32 @!p0 $0x1C03  }
0x4c: {  	[timem:s3], [sflag:s2] =	dma.local @!p0 [hbm:s0], s1  }
0x4d: {  	s0 =	simm.s32 @!p0 $0x3  }
0x4e: {  	_ =	swait.ge @!p0 [sflag:s0], s1  }
0x4f: {  	s1 =	ssub.s32 @!p0 $0x0, s1;
	[sflag:s0] =	ssyncset.done @!p0 $0x0  }
0x50: {  	[sflag:s0] =	ssyncadd.s32 @!p0 s1  }
0x51: {  	[bflag:$0x3] =	sbarrier.arrive $0xFFFF  }
0x52: {  	_ =	shalt  }

// kernel: kernel.24.cloned.1.call-start
scs
__scs_entry_jumppad:
0x0: {  	(pc) =	sbr.rel $0x88, $3  }
0x1: {  	(tag) =	ssettag $0x0;
	lr =	simm.s32 $0x1  }
0x2: {  	[smem:$0x3F92] =	sst lr;
	_ =	strace $0xD0000000  }
0x3: {  	_ = 	snop  }
0x4: {  	_ = 	snop  }
0x5: {  	_ = 	snop  }
0x6: {  	_ = 	snop  }
0x7: {  	_ = 	snop  }
__scs_overlays_trampoline_lowered:
0x8: {  	[smem:$0x3FA1] =	sst s0  }
0x9: {  	[smem:$0x3FA2] =	sst s1  }
0xa: {  	[smem:$0x3FA3] =	sst s2  }
0xb: {  	[smem:$0x3FA4] =	sst s3  }
0xc: {  	[smem:$0x3FA5] =	sst s4  }
0xd: {  	[smem:$0x3FA6] =	sst s5  }
0xe: {  	[smem:$0x3FA7] =	sst s6  }
0xf: {  	[smem:$0x3FA8] =	sst s7  }
0x10: {  	[smem:$0x3FA9] =	sst s8  }
0x11: {  	[smem:$0x3FAA] =	sst s9;
	s0 =	simm.s32 @!p0 $0x0  }
0x12: {  	s1 =	sld [smem:$0x3F90];
	s0 =	simm.s32 @p0 $0x1  }
0x13: {  	[smem:$0x3FAB] =	sst s0;
	s0 =	simm.s32 @!p1 $0x0  }
0x14: {  	s2 =	sld [smem:$0x3F8F];
	s0 =	simm.s32 @p1 $0x1  }
0x15: {  	[smem:$0x3FAC] =	sst s0;
	s0 =	simm.s32 @!p2 $0x0  }
0x16: {  	s3 =	sld [smem:$0x3FDB];
	s0 =	simm.s32 @p2 $0x1  }
0x17: {  	s4 =	simm.s32 $0x1BF5;
	[smem:$0x3FAE] =	sst s0  }
0x18: {  	s0 =	sld [smem:$0x3F91];
	_ =	swait.ge [sflag:s4], $0x0  }
0x19: {  	s7 =	sld [smem:$0x3F92]  }
0x1a: {  	s8 =	sadd.s32 $0xFFFFE003, lr  }
0x1b: {  	s9 =	sadd.s32 $0xFFFFFEF7, lr;
	s5 =	simm.s32 $0xFFFFFFFF;
	p2 =	slt.u32 s8, $0xFFFFF086  }
0x1c: {  	p1 =	slt.u32 s9, $0xF7A;
	s5 =	simm.s32 @!p2 $0x0  }
0x1d: {  	s5 =	simm.s32 @p1 $0x1;
	p0 =	seq.s32 s7, s2  }
0x1e: {  	s7 =	smul.u32 @!p0 $0xF7A, s2;
	p2 =	seq.s32 @!p0 s5, $0x0  }
0x1f: {  	s9 =	smul.u32 $0xF7A, s1;
	s8 =	simm.s32 @!p0 $0x1BF5;
	p2 =	por !p2, p0  }
0x20: {  	[sflag:s8] =	ssyncset.s32 @!p0 $0xFFFFF086;
	s6 =	sadd.s32 @!p0 s3, s7;
	s7 =	simm.s32 @!p0 $0x108  }
0x21: {  	s3 =	sadd.s32 s3, s9;
	s6 =	sadd.s32 @!p0 $0x88, s6;
	s7 =	simm.s32 @p2 $0x1082  }
0x22: {  	[simem:s7], [sflag:s8] =	dma.local @!p0 [hbm:s6], $0xF7A  }
0x23: {  	s9 =	sor.u32 $0xD0000000, s2;
	s6 =	simm.s32 $0x108;
	_ =	swait.ge @!p0 [sflag:s8], $0x0  }
0x24: {  	s3 =	sadd.s32 $0x88, s3;
	s6 =	simm.s32 @!p1 $0x1082;
	[sflag:s4] =	ssyncset.s32 $0xFFFFF086  }
0x25: {  	[simem:s6], [sflag:s4] =	dma.local [hbm:s3], $0xF7A  }
0x26: {  	[smem:$0x3F92] =	sst s1;
	(tag) =	ssettag s2;
	_ =	strace s9  }
0x27: {  	s1 =	sld [smem:$0x3FA2]  }
0x28: {  	s2 =	sld [smem:$0x3FA3]  }
0x29: {  	s4 =	sld [smem:$0x3FA5]  }
0x2a: {  	p0 =	seq.s32 s5, $0x0;
	s5 =	sld [smem:$0x3FA6]  }
0x2b: {  	s6 =	sld [smem:$0x3FA7]  }
0x2c: {  	s7 =	sld [smem:$0x3FA8]  }
0x2d: {  	s3 =	simm.s32 $0x108;
	s8 =	sld [smem:$0x3FA9]  }
0x2e: {  	s3 =	simm.s32 @!p0 $0x1082;
	s9 =	sld [smem:$0x3FAA]  }
0x2f: {  	lr =	sadd.s32 s0, s3;
	s0 =	sld [smem:$0x3FA1]  }
0x30: {  	s3 =	sld [smem:$0x3FA4]  }
0x31: {  	[smem:$0x3FAD] =	sst s10  }
0x32: {  	s10 =	sld [smem:$0x3FAB];
	_ =	sdelay $0x3  }
0x33: {  	p0 =	seq.s32 s10, $0x1;
	s10 =	sld [smem:$0x3FAD];
	_ =	sdelay $0x3  }
0x34: {  	[smem:$0x3FAD] =	sst s10  }
0x35: {  	s10 =	sld [smem:$0x3FAC];
	_ =	sdelay $0x3  }
0x36: {  	p1 =	seq.s32 s10, $0x1;
	s10 =	sld [smem:$0x3FAD];
	_ =	sdelay $0x3  }
0x37: {  	[smem:$0x3FAD] =	sst s10  }
0x38: {  	s10 =	sld [smem:$0x3FAE]  }
0x39: {  	_ = 	snop;
	(pc) =	sbr.ind lr, $3  }
0x3a: {  	_ = 	snop  }
0x3b: {  	_ = 	snop  }
0x3c: {  	p2 =	seq.s32 s10, $0x1;
	s10 =	sld [smem:$0x3FAD]  }
0x3d: {  	_ =	shalt  }
0x3e: {  	_ =	shalt  }
0x3f: {  	_ =	shalt  }
0x40: {  	_ =	shalt  }
0x41: {  	_ =	shalt  }
0x42: {  	_ =	shalt  }
0x43: {  	_ =	shalt  }
0x44: {  	_ =	shalt  }
0x45: {  	_ =	shalt  }
0x46: {  	_ =	shalt  }
0x47: {  	_ =	shalt  }
0x48: {  	_ =	shalt  }
0x49: {  	_ =	shalt  }
0x4a: {  	_ =	shalt  }
0x4b: {  	_ =	shalt  }
0x4c: {  	_ =	shalt  }
0x4d: {  	_ =	shalt  }
0x4e: {  	_ =	shalt  }
0x4f: {  	_ =	shalt  }
0x50: {  	_ =	shalt  }
0x51: {  	_ =	shalt  }
0x52: {  	_ =	shalt  }
0x53: {  	_ =	shalt  }
0x54: {  	_ =	shalt  }
0x55: {  	_ =	shalt  }
0x56: {  	_ =	shalt  }
0x57: {  	_ =	shalt  }
0x58: {  	_ =	shalt  }
0x59: {  	_ =	shalt  }
0x5a: {  	_ =	shalt  }
0x5b: {  	_ =	shalt  }
0x5c: {  	_ =	shalt  }
0x5d: {  	_ =	shalt  }
0x5e: {  	_ =	shalt  }
0x5f: {  	_ =	shalt  }
0x60: {  	_ =	shalt  }
0x61: {  	_ =	shalt  }
0x62: {  	_ =	shalt  }
0x63: {  	_ =	shalt  }
0x64: {  	_ =	shalt  }
0x65: {  	_ =	shalt  }
0x66: {  	_ =	shalt  }
0x67: {  	_ =	shalt  }
0x68: {  	_ =	shalt  }
0x69: {  	_ =	shalt  }
0x6a: {  	_ =	shalt  }
0x6b: {  	_ =	shalt  }
0x6c: {  	_ =	shalt  }
0x6d: {  	_ =	shalt  }
0x6e: {  	_ =	shalt  }
0x6f: {  	_ =	shalt  }
0x70: {  	_ =	shalt  }
0x71: {  	_ =	shalt  }
0x72: {  	_ =	shalt  }
0x73: {  	_ =	shalt  }
0x74: {  	_ =	shalt  }
0x75: {  	_ =	shalt  }
0x76: {  	_ =	shalt  }
0x77: {  	_ =	shalt  }
0x78: {  	_ =	shalt  }
0x79: {  	_ =	shalt  }
0x7a: {  	_ =	shalt  }
0x7b: {  	_ =	shalt  }
0x7c: {  	_ =	shalt  }
0x7d: {  	_ =	shalt  }
0x7e: {  	_ =	shalt  }
0x7f: {  	_ =	shalt  }
0x80: {  	_ =	shalt  }
0x81: {  	_ =	shalt  }
0x82: {  	_ =	shalt  }
0x83: {  	_ =	shalt  }
0x84: {  	_ =	shalt  }
0x85: {  	_ =	shalt  }
0x86: {  	_ =	shalt  }
0x87: {  	_ =	shalt  }
.Lfunc_end0:
.L_simem_size_0:
called_computation.1_lowered:
.L_overlay_start_0:
0x88: {  	s2 =	sld [smem:$0x3FD9]  }
0x89: {  	s3 =	sld [smem:$0x3FFE];
	_ =	sdelay $0x1  }
0x8a: {  	s1 =	srdreg.scid  }
0x8b: {  	s0 =	sand.u32 $0x1, s1  }
0x8c: {  	s16 =	sshll.u32 s0, $0xA;
	s2 =	sadd.s32 s3, s2  }
0x8d: {  	s2 =	sadd.s32 s2, s16  }
0x8e: {  	[smem:$0x3FB9] =	sst s2  }
0x8f: {  	_ = 	snop  }
0x90: {  	(tm) =	ssettm $0x1  }
0x91: {  	s17 =	sld [smem:$0x3FFB];
	_ =	sdelay $0x3  }
0x92: {  	_ =	strace s17  }
0x93: {  	s2 =	sld [smem:$0x3FFC];
	_ =	sdelay $0x3  }
0x94: {  	_ =	strace s2  }
0x95: {  	s2 =	sld [smem:$0x3FFD];
	_ =	sdelay $0x3  }
0x96: {  	_ =	strace s2  }
0x97: {  	_ =	strace $0x8FFFFFFF  }
0x98: {  	s18 =	sld [smem:$0x3FDB];
	_ =	sdelay $0x1  }
0x99: {  	s19 =	simm.s32 $_scs_section_size  }
0x9a: {  	s4 =	simm.s32 $_size__tile_overlayer_lowered;
	s5 =	simm.s32 $_tile_overlayer_lowered  }
0x9b: {  	s22 =	simm.s32 $0x1BFF;
	s21 =	sshll.u32 s5, $0x1;
	s2 =	sadd.s32 s19, s18  }
0x9c: {  	s6 =	simm.s32 $0x0;
	s20 =	sshll.u32 s4, $0x1;
	s4 =	sadd.s32 s21, s2  }
0x9d: {  	[timem:s6], [sflag:s22] =	dma.local [hbm:s4], s20  }
0x9e: {  	_ =	swait.ge [sflag:s22], s20  }
0x9f: {  	s3 =	ssub.s32 $0x0, s20;
	[sflag:s22] =	ssyncset.done $0x0  }
0xa0: {  	[sflag:s22] =	ssyncadd.s32 s3;
	_ =	sdelay $0x1  }
0xa1: {  	s23 =	simm.s32 $0x1B8B  }
0xa2: {  	_ =	swait.ge [sflag:s23], $0x1  }
0xa3: {  	[sflag:s23] =	ssyncset.done $0x0  }
0xa4: {  	s25 =	simm.s32 $0x1B8E;
	s24 =	sld [smem:$0x3FFE];
	[sflag:s23] =	ssyncadd.s32 $0xFFFFFFFF  }
0xa5: {  	s26 =	simm.s32 $execute0_lowered;
	[smem:$0x3FD2] =	sst s25  }
0xa6: {  	s4 =	sshll.u32 s26, $0x1;
	_ =	strace $0x80000049;
	[dreg:$0x1] =	wrdreg $0xFFFFFFFF  }
0xa7: {  	s28 =	simm.s32 $_size_execute0_lowered;
	s2 =	sadd.s32 s2, s4;
	[dreg:$0x0] =	wrdreg $0x0  }
0xa8: {  	s4 =	sshll.u32 s28, $0x1;
	[dreg:$0x2] =	wrdreg s2  }
0xa9: {  	[dreg:$0x3] =	wrdreg s4  }
0xaa: {  	[dreg:$0x4] =	wrdreg $0xC0  }
0xab: {  	_ =	task [dreg:s6], $0x5FFFF  }
0xac: {  	[dreg:$0x1] =	wrdreg $0xFFFFFFFF  }
0xad: {  	[dreg:$0x0] =	wrdreg $0x60  }
0xae: {  	[dreg:$0x2] =	wrdreg s24  }
0xaf: {  	[dreg:$0x3] =	wrdreg $0x9  }
0xb0: {  	_ =	task.clear_ibuf [dreg:s6], $0x4FFFF;
	_ =	strace $0x90000049  }
0xb1: {  	s29 =	simm.s32 $0x9;
	_ =	strace $0x8000004B  }
0xb2: {  	_ =	swait.ge [sflag:s29], $0x1  }
0xb3: {  	[sflag:s29] =	ssyncadd.s32 $0xFFFFFFFF  }
0xb4: {  	_ =	strace $0x9000004B  }
0xb5: {  	_ =	sfence  }
0xb6: {  	s30 =	sld [smem:$0x0];
	_ =	sdelay $0x2  }
0xb7: {  	s31 =	sshll.u32 s1, $0xD;
	s1 =	sshrl.u32 s1, $0x2  }
0xb8: {  	s3 =	sand.u32 $0x4000, s31;
	s1 =	sadd.s32 s1, s30  }
0xb9: {  	s0 =	sor.u32 s3, s0;
	s1 =	sshll.u32 s1, $0x11  }
0xba: {  	s0 =	sor.u32 s1, s0  }
0xbb: {  	s0 =	sadd.s32 $0x8F2B, s0  }
0xbc: {  	[sflag:s0] =	ssyncadd.remote.s32 $0x1  }
0xbd: {  	_ =	sfence.sel $0xFFFF  }
0xbe: {  	[dreg:$0x0] =	wrdreg $0xFFFFFFFF;
	(pc) =	sbr.abs _section_cstart, $3  }
0xbf: {  	[dreg:$0x1] =	wrdreg $0xFFFFFFFF  }
0xc0: {  	_ =	task.clear_ibuf [dreg:s6], $0x2FFFF;
	_ =	strace $0x9FFFFFFF  }
0xc1: {  	(tm) =	ssettm $0x7FFFFFFF  }
tec
execute0_lowered:
.L_overlay_start_1:
0x0: {  	(tag) =	ssettag $0x1  }
0x1: {  	s4 =	rddreg [dreg:$0x0]  }
0x2: {  	s0 =	rddreg [dreg:$0x1]  }
0x3: {  	s3 =	srdreg.scid;
	s1 =	stileid.u32;
	s2 =	simm.s32 $0x0  }
0x4: {  	s11 =	simm.s32 $0x4000;
	s12 =	simm.s32 $0x6800;
	s13 =	simm.s32 $0x1  }
0x5: {  	s14 =	simm.s32 $0x2;
	s15 =	simm.s32 $0x3F80;
	s16 =	simm.s32 $0x0  }
0x6: {  	s6 =	sand.u32 $0x1, s3;
	s25 =	sshll.u32 s1, $0x1;
	[smem:$0x7FF] =	sst s2  }
0x7: {  	s3 =	sadd.s32 $0x41E00, s4;
	s9 =	sadd.s32 $0x91E00, s4;
	s29 =	smul.u32 $0x50000, s1  }
0x8: {  	s5 =	sor.u32 s6, s25;
	_ =	strace $0x8000004A;
	s8 =	ssub.s32 $0x2, s6  }
0x9: {  	s31 =	smul.u32 $0x28000, s6;
	s7 =	sshll.u32 s5, $0xB;
	s26 =	sshrl.u32 s8, $0x1  }
0xa: {  	s10 =	smul.u32 $0x28000, s5;
	s7 =	sadd.s32 s7, s4;
	s28 =	ssub.s32 s8, s26  }
0xb: {  	s8 =	sadd.s32 s29, s9;
	s4 =	sadd.s32 $0x81E00, s7;
	s5 =	smax.u32 s28, $0x1  }
0xc: {  	s30 =	sadd.s32 s9, s10;
	s8 =	sadd.s32 s31, s8;
	s9 =	simm.s32 $0x3  }
0xd: {  	s10 =	simm.s32 $0x50;
	s6 =	sadd.s32 $0x27600, s30;
	s7 =	sadd.s32 $0x27B00, s30  }
.LBB2_1:
0xe: {  	[tilespmem:s2], [sflag:$0x3] =	stream.linear.gather [hbm4b:s4+s2], $0x4000, $0x38;
	[tilespmem:$0x9000] =	vst v63  }
0xf: {  	_ =	swait.ge [sflag:s9], $0x4000  }
0x10: {  	[sflag:s9] =	ssyncset.done $0x0  }
0x11: {  	[sflag:s9] =	ssyncadd.s32 $0xFFFFC000  }
0x12: {  	[tilespmem:s11], [sflag:$0x1] =	stream.indirect.gather [hbm4b:s3+s10], $0x80, s2, s10, $0xb8;
	[tilespmem:$0x9000] =	vst v63  }
0x13: {  	s17 =	simm.s32 $0x80  }
0x14: {  	[tilespmem:s12], [sflag:$0x2] =	stream.indirect.gather [hbm4b:s3+s10], $0x80, s17, s10, $0xb8;
	[tilespmem:$0x9000] =	vst v63  }
0x15: {  	_ =	swait.ge [sflag:s13], $0x2800  }
0x16: {  	[sflag:s13] =	ssyncset.done $0x0  }
0x17: {  	s18 =	sadd.s32 $0x0, s8;
	[sflag:s13] =	ssyncadd.s32 $0xFFFFD800  }
0x18: {  	[hbm4b:s18+s2] =	stream.linear.scatter [tilespmem:s11], [sflag:$0x3], $0x2800, $0x38;
	[tilespmem:$0x9000] =	vst v63  }
0x19: {  	_ =	swait.ge [sflag:s9], $0x2800  }
0x1a: {  	[sflag:s9] =	ssyncset.done $0x0  }
0x1b: {  	s19 =	simm.s32 $0x100;
	[sflag:s9] =	ssyncadd.s32 $0xFFFFD800  }
0x1c: {  	[tilespmem:s11], [sflag:$0x1] =	stream.indirect.gather [hbm4b:s3+s10], $0x80, s19, s10, $0xb8;
	[tilespmem:$0x9000] =	vst v63  }
0x1d: {  	_ =	swait.ge [sflag:s14], $0x2800  }
0x1e: {  	[sflag:s14] =	ssyncset.done $0x0  }
0x1f: {  	s18 =	sadd.s32 $0x500, s18;
	[sflag:s14] =	ssyncadd.s32 $0xFFFFD800  }
0x20: {  	[hbm4b:s18+s2] =	stream.linear.scatter [tilespmem:s12], [sflag:$0x3], $0x2800, $0x38;
	[tilespmem:$0x9000] =	vst v63  }
0x21: {  	_ =	swait.ge [sflag:s9], $0x2800  }
0x22: {  	s18 =	simm.s32 $0xA00;
	[sflag:s9] =	ssyncset.done $0x0  }
.LBB2_2:
0x23: {  	p0 =	sne.s32 s18, $0x26C00;
	[sflag:s9] =	ssyncadd.s32 $0xFFFFD800;
	s17 =	sadd.s32 $0x100, s17  }
0x24: {  	[tilespmem:s12], [sflag:$0x2] =	stream.indirect.gather [hbm4b:s3+s10], $0x80, s17, s10, $0xb8;
	[tilespmem:$0x9000] =	vst v63  }
0x25: {  	s19 =	smov.u32 s18;
	s18 =	sadd.s32 $0xA00, s18;
	_ =	swait.ge [sflag:s13], $0x2800  }
0x26: {  	[sflag:s13] =	ssyncset.done $0x0  }
0x27: {  	s19 =	sadd.s32 s19, s8;
	[sflag:s13] =	ssyncadd.s32 $0xFFFFD800  }
0x28: {  	[hbm4b:s19+s2] =	stream.linear.scatter [tilespmem:s11], [sflag:$0x3], $0x2800, $0x38;
	[tilespmem:$0x9000] =	vst v63  }
0x29: {  	_ =	swait.ge [sflag:s9], $0x2800  }
0x2a: {  	[sflag:s9] =	ssyncset.done $0x0  }
0x2b: {  	s20 =	sadd.s32 $0x80, s17;
	[sflag:s9] =	ssyncadd.s32 $0xFFFFD800  }
0x2c: {  	[tilespmem:s11], [sflag:$0x1] =	stream.indirect.gather [hbm4b:s3+s10], $0x80, s20, s10, $0xb8;
	[tilespmem:$0x9000] =	vst v63  }
0x2d: {  	_ =	swait.ge [sflag:s14], $0x2800  }
.Ltmp0:
0x2e: {  	[sflag:s14] =	ssyncset.done $0x0;
	(pc) =	sbr.rel @p0 .LBB2_2-.Ltmp0, $4  }
0x2f: {  	s19 =	sadd.s32 $0x500, s19;
	[sflag:s14] =	ssyncadd.s32 $0xFFFFD800  }
0x30: {  	[hbm4b:s19+s2] =	stream.linear.scatter [tilespmem:s12], [sflag:$0x3], $0x2800, $0x38;
	[tilespmem:$0x9000] =	vst v63  }
0x31: {  	_ =	swait.ge [sflag:s9], $0x2800  }
0x32: {  	[sflag:s9] =	ssyncset.done $0x0  }
0x33: {  	[sflag:s9] =	ssyncadd.s32 $0xFFFFD800  }
0x34: {  	[tilespmem:s12], [sflag:$0x2] =	stream.indirect.gather [hbm4b:s3+s10], $0x80, s15, s10, $0xb8;
	[tilespmem:$0x9000] =	vst v63  }
0x35: {  	_ =	swait.ge [sflag:s13], $0x2800  }
0x36: {  	[sflag:s13] =	ssyncset.done $0x0  }
0x37: {  	[sflag:s13] =	ssyncadd.s32 $0xFFFFD800  }
0x38: {  	[hbm4b:s6+s2] =	stream.linear.scatter [tilespmem:s11], [sflag:$0x3], $0x2800, $0x38;
	[tilespmem:$0x9000] =	vst v63  }
0x39: {  	_ =	swait.ge [sflag:s9], $0x2800  }
0x3a: {  	[sflag:s9] =	ssyncset.done $0x0  }
0x3b: {  	[sflag:s9] =	ssyncadd.s32 $0xFFFFD800  }
0x3c: {  	s16 =	sadd.s32 $0x1, s16;
	_ =	swait.ge [sflag:s14], $0x2800  }
0x3d: {  	p0 =	sne.s32 s16, s5;
	[sflag:s14] =	ssyncset.done $0x0  }
.Ltmp1:
0x3e: {  	[sflag:s14] =	ssyncadd.s32 $0xFFFFD800;
	(pc) =	sbr.rel @p0 .LBB2_1-.Ltmp1, $4  }
0x3f: {  	[hbm4b:s7+s2] =	stream.linear.scatter [tilespmem:s12], [sflag:$0x3], $0x2800, $0x38;
	[tilespmem:$0x9000] =	vst v63  }
0x40: {  	_ =	swait.ge [sflag:s9], $0x2800  }
0x41: {  	[sflag:s9] =	ssyncset.done $0x0  }
0x42: {  	[sflag:s9] =	ssyncadd.s32 $0xFFFFD800  }
0x43: {  	_ =	sfence.sel $0x180000  }
0x44: {  	[bflag:$0x0] =	sbarrier.arrive $0xFFFF  }
0x45: {  	p0 =	sne.s32 s1, $0x0;
	_ =	strace $0x9000004A  }
0x46: {  	s0 =	sadd.s32 @!p0 $0x100000, s0;
	[bflag:$0x2] =	sbarrier.arrive $0xFFFF  }
0x47: {  	[sflag:s0] =	ssyncadd.tile.s32 @!p0 $0x1;
	_ =	shalt  }
.Lfunc_end2:
_tile_overlayer_lowered:
.L_overlay_start_2:
0x48: {  	(tag) =	ssettag $0x2  }
0x49: {  	s0 =	rddreg [dreg:$0x0];
	s2 =	stileid.u32  }
0x4a: {  	s1 =	rddreg [dreg:$0x1];
	p0 =	sne.s32 s2, $0x0  }
0x4b: {  	s3 =	rddreg [dreg:$0x2];
	[bflag:$0x3] =	sbarrier.arrive $0xFFFF;
	s2 =	simm.s32 @!p0 $0x1C03  }
0x4c: {  	[timem:s3], [sflag:s2] =	dma.local @!p0 [hbm:s0], s1  }
0x4d: {  	s0 =	simm.s32 @!p0 $0x3  }
0x4e: {  	_ =	swait.ge @!p0 [sflag:s0], s1  }
0x4f: {  	s1 =	ssub.s32 @!p0 $0x0, s1;
	[sflag:s0] =	ssyncset.done @!p0 $0x0  }
0x50: {  	[sflag:s0] =	ssyncadd.s32 @!p0 s1  }
0x51: {  	[bflag:$0x3] =	sbarrier.arrive $0xFFFF  }
0x52: {  	_ =	shalt  }

// kernel: kernel.27.cloned.1.call-start
scs
__scs_entry_jumppad:
0x0: {  	(pc) =	sbr.rel $0x88, $3  }
0x1: {  	(tag) =	ssettag $0x0;
	lr =	simm.s32 $0x1  }
0x2: {  	[smem:$0x3F92] =	sst lr;
	_ =	strace $0xD0000000  }
0x3: {  	_ = 	snop  }
0x4: {  	_ = 	snop  }
0x5: {  	_ = 	snop  }
0x6: {  	_ = 	snop  }
0x7: {  	_ = 	snop  }
__scs_overlays_trampoline_lowered:
0x8: {  	[smem:$0x3FA1] =	sst s0  }
0x9: {  	[smem:$0x3FA2] =	sst s1  }
0xa: {  	[smem:$0x3FA3] =	sst s2  }
0xb: {  	[smem:$0x3FA4] =	sst s3  }
0xc: {  	[smem:$0x3FA5] =	sst s4  }
0xd: {  	[smem:$0x3FA6] =	sst s5  }
0xe: {  	[smem:$0x3FA7] =	sst s6  }
0xf: {  	[smem:$0x3FA8] =	sst s7  }
0x10: {  	[smem:$0x3FA9] =	sst s8  }
0x11: {  	[smem:$0x3FAA] =	sst s9;
	s0 =	simm.s32 @!p0 $0x0  }
0x12: {  	s1 =	sld [smem:$0x3F90];
	s0 =	simm.s32 @p0 $0x1  }
0x13: {  	[smem:$0x3FAB] =	sst s0;
	s0 =	simm.s32 @!p1 $0x0  }
0x14: {  	s2 =	sld [smem:$0x3F8F];
	s0 =	simm.s32 @p1 $0x1  }
0x15: {  	[smem:$0x3FAC] =	sst s0;
	s0 =	simm.s32 @!p2 $0x0  }
0x16: {  	s3 =	sld [smem:$0x3FDB];
	s0 =	simm.s32 @p2 $0x1  }
0x17: {  	s4 =	simm.s32 $0x1BF5;
	[smem:$0x3FAE] =	sst s0  }
0x18: {  	s0 =	sld [smem:$0x3F91];
	_ =	swait.ge [sflag:s4], $0x0  }
0x19: {  	s7 =	sld [smem:$0x3F92]  }
0x1a: {  	s8 =	sadd.s32 $0xFFFFE003, lr  }
0x1b: {  	s9 =	sadd.s32 $0xFFFFFEF7, lr;
	s5 =	simm.s32 $0xFFFFFFFF;
	p2 =	slt.u32 s8, $0xFFFFF086  }
0x1c: {  	p1 =	slt.u32 s9, $0xF7A;
	s5 =	simm.s32 @!p2 $0x0  }
0x1d: {  	s5 =	simm.s32 @p1 $0x1;
	p0 =	seq.s32 s7, s2  }
0x1e: {  	s7 =	smul.u32 @!p0 $0xF7A, s2;
	p2 =	seq.s32 @!p0 s5, $0x0  }
0x1f: {  	s9 =	smul.u32 $0xF7A, s1;
	s8 =	simm.s32 @!p0 $0x1BF5;
	p2 =	por !p2, p0  }
0x20: {  	[sflag:s8] =	ssyncset.s32 @!p0 $0xFFFFF086;
	s6 =	sadd.s32 @!p0 s3, s7;
	s7 =	simm.s32 @!p0 $0x108  }
0x21: {  	s3 =	sadd.s32 s3, s9;
	s6 =	sadd.s32 @!p0 $0x88, s6;
	s7 =	simm.s32 @p2 $0x1082  }
0x22: {  	[simem:s7], [sflag:s8] =	dma.local @!p0 [hbm:s6], $0xF7A  }
0x23: {  	s9 =	sor.u32 $0xD0000000, s2;
	s6 =	simm.s32 $0x108;
	_ =	swait.ge @!p0 [sflag:s8], $0x0  }
0x24: {  	s3 =	sadd.s32 $0x88, s3;
	s6 =	simm.s32 @!p1 $0x1082;
	[sflag:s4] =	ssyncset.s32 $0xFFFFF086  }
0x25: {  	[simem:s6], [sflag:s4] =	dma.local [hbm:s3], $0xF7A  }
0x26: {  	[smem:$0x3F92] =	sst s1;
	(tag) =	ssettag s2;
	_ =	strace s9  }
0x27: {  	s1 =	sld [smem:$0x3FA2]  }
0x28: {  	s2 =	sld [smem:$0x3FA3]  }
0x29: {  	s4 =	sld [smem:$0x3FA5]  }
0x2a: {  	p0 =	seq.s32 s5, $0x0;
	s5 =	sld [smem:$0x3FA6]  }
0x2b: {  	s6 =	sld [smem:$0x3FA7]  }
0x2c: {  	s7 =	sld [smem:$0x3FA8]  }
0x2d: {  	s3 =	simm.s32 $0x108;
	s8 =	sld [smem:$0x3FA9]  }
0x2e: {  	s3 =	simm.s32 @!p0 $0x1082;
	s9 =	sld [smem:$0x3FAA]  }
0x2f: {  	lr =	sadd.s32 s0, s3;
	s0 =	sld [smem:$0x3FA1]  }
0x30: {  	s3 =	sld [smem:$0x3FA4]  }
0x31: {  	[smem:$0x3FAD] =	sst s10  }
0x32: {  	s10 =	sld [smem:$0x3FAB];
	_ =	sdelay $0x3  }
0x33: {  	p0 =	seq.s32 s10, $0x1;
	s10 =	sld [smem:$0x3FAD];
	_ =	sdelay $0x3  }
0x34: {  	[smem:$0x3FAD] =	sst s10  }
0x35: {  	s10 =	sld [smem:$0x3FAC];
	_ =	sdelay $0x3  }
0x36: {  	p1 =	seq.s32 s10, $0x1;
	s10 =	sld [smem:$0x3FAD];
	_ =	sdelay $0x3  }
0x37: {  	[smem:$0x3FAD] =	sst s10  }
0x38: {  	s10 =	sld [smem:$0x3FAE]  }
0x39: {  	_ = 	snop;
	(pc) =	sbr.ind lr, $3  }
0x3a: {  	_ = 	snop  }
0x3b: {  	_ = 	snop  }
0x3c: {  	p2 =	seq.s32 s10, $0x1;
	s10 =	sld [smem:$0x3FAD]  }
0x3d: {  	_ =	shalt  }
0x3e: {  	_ =	shalt  }
0x3f: {  	_ =	shalt  }
0x40: {  	_ =	shalt  }
0x41: {  	_ =	shalt  }
0x42: {  	_ =	shalt  }
0x43: {  	_ =	shalt  }
0x44: {  	_ =	shalt  }
0x45: {  	_ =	shalt  }
0x46: {  	_ =	shalt  }
0x47: {  	_ =	shalt  }
0x48: {  	_ =	shalt  }
0x49: {  	_ =	shalt  }
0x4a: {  	_ =	shalt  }
0x4b: {  	_ =	shalt  }
0x4c: {  	_ =	shalt  }
0x4d: {  	_ =	shalt  }
0x4e: {  	_ =	shalt  }
0x4f: {  	_ =	shalt  }
0x50: {  	_ =	shalt  }
0x51: {  	_ =	shalt  }
0x52: {  	_ =	shalt  }
0x53: {  	_ =	shalt  }
0x54: {  	_ =	shalt  }
0x55: {  	_ =	shalt  }
0x56: {  	_ =	shalt  }
0x57: {  	_ =	shalt  }
0x58: {  	_ =	shalt  }
0x59: {  	_ =	shalt  }
0x5a: {  	_ =	shalt  }
0x5b: {  	_ =	shalt  }
0x5c: {  	_ =	shalt  }
0x5d: {  	_ =	shalt  }
0x5e: {  	_ =	shalt  }
0x5f: {  	_ =	shalt  }
0x60: {  	_ =	shalt  }
0x61: {  	_ =	shalt  }
0x62: {  	_ =	shalt  }
0x63: {  	_ =	shalt  }
0x64: {  	_ =	shalt  }
0x65: {  	_ =	shalt  }
0x66: {  	_ =	shalt  }
0x67: {  	_ =	shalt  }
0x68: {  	_ =	shalt  }
0x69: {  	_ =	shalt  }
0x6a: {  	_ =	shalt  }
0x6b: {  	_ =	shalt  }
0x6c: {  	_ =	shalt  }
0x6d: {  	_ =	shalt  }
0x6e: {  	_ =	shalt  }
0x6f: {  	_ =	shalt  }
0x70: {  	_ =	shalt  }
0x71: {  	_ =	shalt  }
0x72: {  	_ =	shalt  }
0x73: {  	_ =	shalt  }
0x74: {  	_ =	shalt  }
0x75: {  	_ =	shalt  }
0x76: {  	_ =	shalt  }
0x77: {  	_ =	shalt  }
0x78: {  	_ =	shalt  }
0x79: {  	_ =	shalt  }
0x7a: {  	_ =	shalt  }
0x7b: {  	_ =	shalt  }
0x7c: {  	_ =	shalt  }
0x7d: {  	_ =	shalt  }
0x7e: {  	_ =	shalt  }
0x7f: {  	_ =	shalt  }
0x80: {  	_ =	shalt  }
0x81: {  	_ =	shalt  }
0x82: {  	_ =	shalt  }
0x83: {  	_ =	shalt  }
0x84: {  	_ =	shalt  }
0x85: {  	_ =	shalt  }
0x86: {  	_ =	shalt  }
0x87: {  	_ =	shalt  }
.Lfunc_end0:
.L_simem_size_0:
called_computation.2_lowered:
.L_overlay_start_0:
0x88: {  	s2 =	sld [smem:$0x3FD9]  }
0x89: {  	s3 =	sld [smem:$0x3FFE];
	_ =	sdelay $0x1  }
0x8a: {  	s1 =	srdreg.scid  }
0x8b: {  	s0 =	sand.u32 $0x1, s1  }
0x8c: {  	s16 =	sshll.u32 s0, $0xA;
	s2 =	sadd.s32 s3, s2  }
0x8d: {  	s2 =	sadd.s32 s2, s16  }
0x8e: {  	[smem:$0x3FB9] =	sst s2  }
0x8f: {  	_ = 	snop  }
0x90: {  	(tm) =	ssettm $0x1  }
0x91: {  	s17 =	sld [smem:$0x3FFB];
	_ =	sdelay $0x3  }
0x92: {  	_ =	strace s17  }
0x93: {  	s2 =	sld [smem:$0x3FFC];
	_ =	sdelay $0x3  }
0x94: {  	_ =	strace s2  }
0x95: {  	s2 =	sld [smem:$0x3FFD];
	_ =	sdelay $0x3  }
0x96: {  	_ =	strace s2  }
0x97: {  	_ =	strace $0x8FFFFFFF  }
0x98: {  	s18 =	sld [smem:$0x3FDB];
	_ =	sdelay $0x1  }
0x99: {  	s19 =	simm.s32 $_scs_section_size  }
0x9a: {  	s4 =	simm.s32 $_size__tile_overlayer_lowered;
	s5 =	simm.s32 $_tile_overlayer_lowered  }
0x9b: {  	s22 =	simm.s32 $0x1BFF;
	s21 =	sshll.u32 s5, $0x1;
	s2 =	sadd.s32 s19, s18  }
0x9c: {  	s6 =	simm.s32 $0x0;
	s20 =	sshll.u32 s4, $0x1;
	s4 =	sadd.s32 s21, s2  }
0x9d: {  	[timem:s6], [sflag:s22] =	dma.local [hbm:s4], s20  }
0x9e: {  	_ =	swait.ge [sflag:s22], s20  }
0x9f: {  	s3 =	ssub.s32 $0x0, s20;
	[sflag:s22] =	ssyncset.done $0x0  }
0xa0: {  	[sflag:s22] =	ssyncadd.s32 s3;
	_ =	sdelay $0x1  }
0xa1: {  	s23 =	simm.s32 $0x1B8B  }
0xa2: {  	_ =	swait.ge [sflag:s23], $0x1  }
0xa3: {  	[sflag:s23] =	ssyncset.done $0x0  }
0xa4: {  	s25 =	simm.s32 $0x1B8E;
	s24 =	sld [smem:$0x3FFE];
	[sflag:s23] =	ssyncadd.s32 $0xFFFFFFFF  }
0xa5: {  	s26 =	simm.s32 $execute0_lowered;
	[smem:$0x3FD2] =	sst s25  }
0xa6: {  	s4 =	sshll.u32 s26, $0x1;
	_ =	strace $0x8000004C;
	[dreg:$0x1] =	wrdreg $0xFFFFFFFF  }
0xa7: {  	s28 =	simm.s32 $_size_execute0_lowered;
	s2 =	sadd.s32 s2, s4;
	[dreg:$0x0] =	wrdreg $0x0  }
0xa8: {  	s4 =	sshll.u32 s28, $0x1;
	[dreg:$0x2] =	wrdreg s2  }
0xa9: {  	[dreg:$0x3] =	wrdreg s4  }
0xaa: {  	[dreg:$0x4] =	wrdreg $0xC0  }
0xab: {  	_ =	task [dreg:s6], $0x5FFFF  }
0xac: {  	[dreg:$0x1] =	wrdreg $0xFFFFFFFF  }
0xad: {  	[dreg:$0x0] =	wrdreg $0x60  }
0xae: {  	[dreg:$0x2] =	wrdreg s24  }
0xaf: {  	[dreg:$0x3] =	wrdreg $0x9  }
0xb0: {  	_ =	task.clear_ibuf [dreg:s6], $0x4FFFF;
	_ =	strace $0x9000004C  }
0xb1: {  	s29 =	simm.s32 $0x9;
	_ =	strace $0x8000004E  }
0xb2: {  	_ =	swait.ge [sflag:s29], $0x1  }
0xb3: {  	[sflag:s29] =	ssyncadd.s32 $0xFFFFFFFF  }
0xb4: {  	_ =	strace $0x9000004E  }
0xb5: {  	_ =	sfence  }
0xb6: {  	s30 =	sld [smem:$0x0];
	_ =	sdelay $0x2  }
0xb7: {  	s31 =	sshll.u32 s1, $0xD;
	s1 =	sshrl.u32 s1, $0x2  }
0xb8: {  	s3 =	sand.u32 $0x4000, s31;
	s1 =	sadd.s32 s1, s30  }
0xb9: {  	s0 =	sor.u32 s3, s0;
	s1 =	sshll.u32 s1, $0x11  }
0xba: {  	s0 =	sor.u32 s1, s0  }
0xbb: {  	s0 =	sadd.s32 $0x8F2B, s0  }
0xbc: {  	[sflag:s0] =	ssyncadd.remote.s32 $0x1  }
0xbd: {  	_ =	sfence.sel $0xFFFF  }
0xbe: {  	[dreg:$0x0] =	wrdreg $0xFFFFFFFF;
	(pc) =	sbr.abs _section_cstart, $3  }
0xbf: {  	[dreg:$0x1] =	wrdreg $0xFFFFFFFF  }
0xc0: {  	_ =	task.clear_ibuf [dreg:s6], $0x2FFFF;
	_ =	strace $0x9FFFFFFF  }
0xc1: {  	(tm) =	ssettm $0x7FFFFFFF  }
tec
execute0_lowered:
.L_overlay_start_1:
0x0: {  	(tag) =	ssettag $0x1  }
0x1: {  	s4 =	rddreg [dreg:$0x0]  }
0x2: {  	s0 =	rddreg [dreg:$0x1]  }
0x3: {  	s3 =	srdreg.scid;
	s1 =	stileid.u32;
	s2 =	simm.s32 $0x0  }
0x4: {  	s11 =	simm.s32 $0x4000;
	s12 =	simm.s32 $0x6800;
	s13 =	simm.s32 $0x1  }
0x5: {  	s14 =	simm.s32 $0x2;
	s15 =	simm.s32 $0x3F80;
	s16 =	simm.s32 $0x0  }
0x6: {  	s6 =	sand.u32 $0x1, s3;
	s25 =	sshll.u32 s1, $0x1;
	[smem:$0x7FF] =	sst s2  }
0x7: {  	s3 =	sadd.s32 $0x81E00, s4;
	s9 =	sadd.s32 $0xD1E00, s4;
	s29 =	smul.u32 $0x50000, s1  }
0x8: {  	s5 =	sor.u32 s6, s25;
	_ =	strace $0x8000004D;
	s8 =	ssub.s32 $0x2, s6  }
0x9: {  	s31 =	smul.u32 $0x28000, s6;
	s7 =	sshll.u32 s5, $0xB;
	s26 =	sshrl.u32 s8, $0x1  }
0xa: {  	s10 =	smul.u32 $0x28000, s5;
	s7 =	sadd.s32 s7, s4;
	s28 =	ssub.s32 s8, s26  }
0xb: {  	s8 =	sadd.s32 s29, s9;
	s4 =	sadd.s32 $0xC1E00, s7;
	s5 =	smax.u32 s28, $0x1  }
0xc: {  	s30 =	sadd.s32 s9, s10;
	s8 =	sadd.s32 s31, s8;
	s9 =	simm.s32 $0x3  }
0xd: {  	s10 =	simm.s32 $0x50;
	s6 =	sadd.s32 $0x27600, s30;
	s7 =	sadd.s32 $0x27B00, s30  }
.LBB2_1:
0xe: {  	[tilespmem:s2], [sflag:$0x3] =	stream.linear.gather [hbm4b:s4+s2], $0x4000, $0x38;
	[tilespmem:$0x9000] =	vst v63  }
0xf: {  	_ =	swait.ge [sflag:s9], $0x4000  }
0x10: {  	[sflag:s9] =	ssyncset.done $0x0  }
0x11: {  	[sflag:s9] =	ssyncadd.s32 $0xFFFFC000  }
0x12: {  	[tilespmem:s11], [sflag:$0x1] =	stream.indirect.gather [hbm4b:s3+s10], $0x80, s2, s10, $0xb8;
	[tilespmem:$0x9000] =	vst v63  }
0x13: {  	s17 =	simm.s32 $0x80  }
0x14: {  	[tilespmem:s12], [sflag:$0x2] =	stream.indirect.gather [hbm4b:s3+s10], $0x80, s17, s10, $0xb8;
	[tilespmem:$0x9000] =	vst v63  }
0x15: {  	_ =	swait.ge [sflag:s13], $0x2800  }
0x16: {  	[sflag:s13] =	ssyncset.done $0x0  }
0x17: {  	s18 =	sadd.s32 $0x0, s8;
	[sflag:s13] =	ssyncadd.s32 $0xFFFFD800  }
0x18: {  	[hbm4b:s18+s2] =	stream.linear.scatter [tilespmem:s11], [sflag:$0x3], $0x2800, $0x38;
	[tilespmem:$0x9000] =	vst v63  }
0x19: {  	_ =	swait.ge [sflag:s9], $0x2800  }
0x1a: {  	[sflag:s9] =	ssyncset.done $0x0  }
0x1b: {  	s19 =	simm.s32 $0x100;
	[sflag:s9] =	ssyncadd.s32 $0xFFFFD800  }
0x1c: {  	[tilespmem:s11], [sflag:$0x1] =	stream.indirect.gather [hbm4b:s3+s10], $0x80, s19, s10, $0xb8;
	[tilespmem:$0x9000] =	vst v63  }
0x1d: {  	_ =	swait.ge [sflag:s14], $0x2800  }
0x1e: {  	[sflag:s14] =	ssyncset.done $0x0  }
0x1f: {  	s18 =	sadd.s32 $0x500, s18;
	[sflag:s14] =	ssyncadd.s32 $0xFFFFD800  }
0x20: {  	[hbm4b:s18+s2] =	stream.linear.scatter [tilespmem:s12], [sflag:$0x3], $0x2800, $0x38;
	[tilespmem:$0x9000] =	vst v63  }
0x21: {  	_ =	swait.ge [sflag:s9], $0x2800  }
0x22: {  	s18 =	simm.s32 $0xA00;
	[sflag:s9] =	ssyncset.done $0x0  }
.LBB2_2:
0x23: {  	p0 =	sne.s32 s18, $0x26C00;
	[sflag:s9] =	ssyncadd.s32 $0xFFFFD800;
	s17 =	sadd.s32 $0x100, s17  }
0x24: {  	[tilespmem:s12], [sflag:$0x2] =	stream.indirect.gather [hbm4b:s3+s10], $0x80, s17, s10, $0xb8;
	[tilespmem:$0x9000] =	vst v63  }
0x25: {  	s19 =	smov.u32 s18;
	s18 =	sadd.s32 $0xA00, s18;
	_ =	swait.ge [sflag:s13], $0x2800  }
0x26: {  	[sflag:s13] =	ssyncset.done $0x0  }
0x27: {  	s19 =	sadd.s32 s19, s8;
	[sflag:s13] =	ssyncadd.s32 $0xFFFFD800  }
0x28: {  	[hbm4b:s19+s2] =	stream.linear.scatter [tilespmem:s11], [sflag:$0x3], $0x2800, $0x38;
	[tilespmem:$0x9000] =	vst v63  }
0x29: {  	_ =	swait.ge [sflag:s9], $0x2800  }
0x2a: {  	[sflag:s9] =	ssyncset.done $0x0  }
0x2b: {  	s20 =	sadd.s32 $0x80, s17;
	[sflag:s9] =	ssyncadd.s32 $0xFFFFD800  }
0x2c: {  	[tilespmem:s11], [sflag:$0x1] =	stream.indirect.gather [hbm4b:s3+s10], $0x80, s20, s10, $0xb8;
	[tilespmem:$0x9000] =	vst v63  }
0x2d: {  	_ =	swait.ge [sflag:s14], $0x2800  }
.Ltmp0:
0x2e: {  	[sflag:s14] =	ssyncset.done $0x0;
	(pc) =	sbr.rel @p0 .LBB2_2-.Ltmp0, $4  }
0x2f: {  	s19 =	sadd.s32 $0x500, s19;
	[sflag:s14] =	ssyncadd.s32 $0xFFFFD800  }
0x30: {  	[hbm4b:s19+s2] =	stream.linear.scatter [tilespmem:s12], [sflag:$0x3], $0x2800, $0x38;
	[tilespmem:$0x9000] =	vst v63  }
0x31: {  	_ =	swait.ge [sflag:s9], $0x2800  }
0x32: {  	[sflag:s9] =	ssyncset.done $0x0  }
0x33: {  	[sflag:s9] =	ssyncadd.s32 $0xFFFFD800  }
0x34: {  	[tilespmem:s12], [sflag:$0x2] =	stream.indirect.gather [hbm4b:s3+s10], $0x80, s15, s10, $0xb8;
	[tilespmem:$0x9000] =	vst v63  }
0x35: {  	_ =	swait.ge [sflag:s13], $0x2800  }
0x36: {  	[sflag:s13] =	ssyncset.done $0x0  }
0x37: {  	[sflag:s13] =	ssyncadd.s32 $0xFFFFD800  }
0x38: {  	[hbm4b:s6+s2] =	stream.linear.scatter [tilespmem:s11], [sflag:$0x3], $0x2800, $0x38;
	[tilespmem:$0x9000] =	vst v63  }
0x39: {  	_ =	swait.ge [sflag:s9], $0x2800  }
0x3a: {  	[sflag:s9] =	ssyncset.done $0x0  }
0x3b: {  	[sflag:s9] =	ssyncadd.s32 $0xFFFFD800  }
0x3c: {  	s16 =	sadd.s32 $0x1, s16;
	_ =	swait.ge [sflag:s14], $0x2800  }
0x3d: {  	p0 =	sne.s32 s16, s5;
	[sflag:s14] =	ssyncset.done $0x0  }
.Ltmp1:
0x3e: {  	[sflag:s14] =	ssyncadd.s32 $0xFFFFD800;
	(pc) =	sbr.rel @p0 .LBB2_1-.Ltmp1, $4  }
0x3f: {  	[hbm4b:s7+s2] =	stream.linear.scatter [tilespmem:s12], [sflag:$0x3], $0x2800, $0x38;
	[tilespmem:$0x9000] =	vst v63  }
0x40: {  	_ =	swait.ge [sflag:s9], $0x2800  }
0x41: {  	[sflag:s9] =	ssyncset.done $0x0  }
0x42: {  	[sflag:s9] =	ssyncadd.s32 $0xFFFFD800  }
0x43: {  	_ =	sfence.sel $0x180000  }
0x44: {  	[bflag:$0x0] =	sbarrier.arrive $0xFFFF  }
0x45: {  	p0 =	sne.s32 s1, $0x0;
	_ =	strace $0x9000004D  }
0x46: {  	s0 =	sadd.s32 @!p0 $0x100000, s0;
	[bflag:$0x2] =	sbarrier.arrive $0xFFFF  }
0x47: {  	[sflag:s0] =	ssyncadd.tile.s32 @!p0 $0x1;
	_ =	shalt  }
.Lfunc_end2:
_tile_overlayer_lowered:
.L_overlay_start_2:
0x48: {  	(tag) =	ssettag $0x2  }
0x49: {  	s0 =	rddreg [dreg:$0x0];
	s2 =	stileid.u32  }
0x4a: {  	s1 =	rddreg [dreg:$0x1];
	p0 =	sne.s32 s2, $0x0  }
0x4b: {  	s3 =	rddreg [dreg:$0x2];
	[bflag:$0x3] =	sbarrier.arrive $0xFFFF;
	s2 =	simm.s32 @!p0 $0x1C03  }
0x4c: {  	[timem:s3], [sflag:s2] =	dma.local @!p0 [hbm:s0], s1  }
0x4d: {  	s0 =	simm.s32 @!p0 $0x3  }
0x4e: {  	_ =	swait.ge @!p0 [sflag:s0], s1  }
0x4f: {  	s1 =	ssub.s32 @!p0 $0x0, s1;
	[sflag:s0] =	ssyncset.done @!p0 $0x0  }
0x50: {  	[sflag:s0] =	ssyncadd.s32 @!p0 s1  }
0x51: {  	[bflag:$0x3] =	sbarrier.arrive $0xFFFF  }
0x52: {  	_ =	shalt  }

// kernel: kernel.30.cloned.1.call-start
scs
__scs_entry_jumppad:
0x0: {  	(pc) =	sbr.rel $0x88, $3  }
0x1: {  	(tag) =	ssettag $0x0;
	lr =	simm.s32 $0x1  }
0x2: {  	[smem:$0x3F92] =	sst lr;
	_ =	strace $0xD0000000  }
0x3: {  	_ = 	snop  }
0x4: {  	_ = 	snop  }
0x5: {  	_ = 	snop  }
0x6: {  	_ = 	snop  }
0x7: {  	_ = 	snop  }
__scs_overlays_trampoline_lowered:
0x8: {  	[smem:$0x3FA1] =	sst s0  }
0x9: {  	[smem:$0x3FA2] =	sst s1  }
0xa: {  	[smem:$0x3FA3] =	sst s2  }
0xb: {  	[smem:$0x3FA4] =	sst s3  }
0xc: {  	[smem:$0x3FA5] =	sst s4  }
0xd: {  	[smem:$0x3FA6] =	sst s5  }
0xe: {  	[smem:$0x3FA7] =	sst s6  }
0xf: {  	[smem:$0x3FA8] =	sst s7  }
0x10: {  	[smem:$0x3FA9] =	sst s8  }
0x11: {  	[smem:$0x3FAA] =	sst s9;
	s0 =	simm.s32 @!p0 $0x0  }
0x12: {  	s1 =	sld [smem:$0x3F90];
	s0 =	simm.s32 @p0 $0x1  }
0x13: {  	[smem:$0x3FAB] =	sst s0;
	s0 =	simm.s32 @!p1 $0x0  }
0x14: {  	s2 =	sld [smem:$0x3F8F];
	s0 =	simm.s32 @p1 $0x1  }
0x15: {  	[smem:$0x3FAC] =	sst s0;
	s0 =	simm.s32 @!p2 $0x0  }
0x16: {  	s3 =	sld [smem:$0x3FDB];
	s0 =	simm.s32 @p2 $0x1  }
0x17: {  	s4 =	simm.s32 $0x1BF5;
	[smem:$0x3FAE] =	sst s0  }
0x18: {  	s0 =	sld [smem:$0x3F91];
	_ =	swait.ge [sflag:s4], $0x0  }
0x19: {  	s7 =	sld [smem:$0x3F92]  }
0x1a: {  	s8 =	sadd.s32 $0xFFFFE003, lr  }
0x1b: {  	s9 =	sadd.s32 $0xFFFFFEF7, lr;
	s5 =	simm.s32 $0xFFFFFFFF;
	p2 =	slt.u32 s8, $0xFFFFF086  }
0x1c: {  	p1 =	slt.u32 s9, $0xF7A;
	s5 =	simm.s32 @!p2 $0x0  }
0x1d: {  	s5 =	simm.s32 @p1 $0x1;
	p0 =	seq.s32 s7, s2  }
0x1e: {  	s7 =	smul.u32 @!p0 $0xF7A, s2;
	p2 =	seq.s32 @!p0 s5, $0x0  }
0x1f: {  	s9 =	smul.u32 $0xF7A, s1;
	s8 =	simm.s32 @!p0 $0x1BF5;
	p2 =	por !p2, p0  }
0x20: {  	[sflag:s8] =	ssyncset.s32 @!p0 $0xFFFFF086;
	s6 =	sadd.s32 @!p0 s3, s7;
	s7 =	simm.s32 @!p0 $0x108  }
0x21: {  	s3 =	sadd.s32 s3, s9;
	s6 =	sadd.s32 @!p0 $0x88, s6;
	s7 =	simm.s32 @p2 $0x1082  }
0x22: {  	[simem:s7], [sflag:s8] =	dma.local @!p0 [hbm:s6], $0xF7A  }
0x23: {  	s9 =	sor.u32 $0xD0000000, s2;
	s6 =	simm.s32 $0x108;
	_ =	swait.ge @!p0 [sflag:s8], $0x0  }
0x24: {  	s3 =	sadd.s32 $0x88, s3;
	s6 =	simm.s32 @!p1 $0x1082;
	[sflag:s4] =	ssyncset.s32 $0xFFFFF086  }
0x25: {  	[simem:s6], [sflag:s4] =	dma.local [hbm:s3], $0xF7A  }
0x26: {  	[smem:$0x3F92] =	sst s1;
	(tag) =	ssettag s2;
	_ =	strace s9  }
0x27: {  	s1 =	sld [smem:$0x3FA2]  }
0x28: {  	s2 =	sld [smem:$0x3FA3]  }
0x29: {  	s4 =	sld [smem:$0x3FA5]  }
0x2a: {  	p0 =	seq.s32 s5, $0x0;
	s5 =	sld [smem:$0x3FA6]  }
0x2b: {  	s6 =	sld [smem:$0x3FA7]  }
0x2c: {  	s7 =	sld [smem:$0x3FA8]  }
0x2d: {  	s3 =	simm.s32 $0x108;
	s8 =	sld [smem:$0x3FA9]  }
0x2e: {  	s3 =	simm.s32 @!p0 $0x1082;
	s9 =	sld [smem:$0x3FAA]  }
0x2f: {  	lr =	sadd.s32 s0, s3;
	s0 =	sld [smem:$0x3FA1]  }
0x30: {  	s3 =	sld [smem:$0x3FA4]  }
0x31: {  	[smem:$0x3FAD] =	sst s10  }
0x32: {  	s10 =	sld [smem:$0x3FAB];
	_ =	sdelay $0x3  }
0x33: {  	p0 =	seq.s32 s10, $0x1;
	s10 =	sld [smem:$0x3FAD];
	_ =	sdelay $0x3  }
0x34: {  	[smem:$0x3FAD] =	sst s10  }
0x35: {  	s10 =	sld [smem:$0x3FAC];
	_ =	sdelay $0x3  }
0x36: {  	p1 =	seq.s32 s10, $0x1;
	s10 =	sld [smem:$0x3FAD];
	_ =	sdelay $0x3  }
0x37: {  	[smem:$0x3FAD] =	sst s10  }
0x38: {  	s10 =	sld [smem:$0x3FAE]  }
0x39: {  	_ = 	snop;
	(pc) =	sbr.ind lr, $3  }
0x3a: {  	_ = 	snop  }
0x3b: {  	_ = 	snop  }
0x3c: {  	p2 =	seq.s32 s10, $0x1;
	s10 =	sld [smem:$0x3FAD]  }
0x3d: {  	_ =	shalt  }
0x3e: {  	_ =	shalt  }
0x3f: {  	_ =	shalt  }
0x40: {  	_ =	shalt  }
0x41: {  	_ =	shalt  }
0x42: {  	_ =	shalt  }
0x43: {  	_ =	shalt  }
0x44: {  	_ =	shalt  }
0x45: {  	_ =	shalt  }
0x46: {  	_ =	shalt  }
0x47: {  	_ =	shalt  }
0x48: {  	_ =	shalt  }
0x49: {  	_ =	shalt  }
0x4a: {  	_ =	shalt  }
0x4b: {  	_ =	shalt  }
0x4c: {  	_ =	shalt  }
0x4d: {  	_ =	shalt  }
0x4e: {  	_ =	shalt  }
0x4f: {  	_ =	shalt  }
0x50: {  	_ =	shalt  }
0x51: {  	_ =	shalt  }
0x52: {  	_ =	shalt  }
0x53: {  	_ =	shalt  }
0x54: {  	_ =	shalt  }
0x55: {  	_ =	shalt  }
0x56: {  	_ =	shalt  }
0x57: {  	_ =	shalt  }
0x58: {  	_ =	shalt  }
0x59: {  	_ =	shalt  }
0x5a: {  	_ =	shalt  }
0x5b: {  	_ =	shalt  }
0x5c: {  	_ =	shalt  }
0x5d: {  	_ =	shalt  }
0x5e: {  	_ =	shalt  }
0x5f: {  	_ =	shalt  }
0x60: {  	_ =	shalt  }
0x61: {  	_ =	shalt  }
0x62: {  	_ =	shalt  }
0x63: {  	_ =	shalt  }
0x64: {  	_ =	shalt  }
0x65: {  	_ =	shalt  }
0x66: {  	_ =	shalt  }
0x67: {  	_ =	shalt  }
0x68: {  	_ =	shalt  }
0x69: {  	_ =	shalt  }
0x6a: {  	_ =	shalt  }
0x6b: {  	_ =	shalt  }
0x6c: {  	_ =	shalt  }
0x6d: {  	_ =	shalt  }
0x6e: {  	_ =	shalt  }
0x6f: {  	_ =	shalt  }
0x70: {  	_ =	shalt  }
0x71: {  	_ =	shalt  }
0x72: {  	_ =	shalt  }
0x73: {  	_ =	shalt  }
0x74: {  	_ =	shalt  }
0x75: {  	_ =	shalt  }
0x76: {  	_ =	shalt  }
0x77: {  	_ =	shalt  }
0x78: {  	_ =	shalt  }
0x79: {  	_ =	shalt  }
0x7a: {  	_ =	shalt  }
0x7b: {  	_ =	shalt  }
0x7c: {  	_ =	shalt  }
0x7d: {  	_ =	shalt  }
0x7e: {  	_ =	shalt  }
0x7f: {  	_ =	shalt  }
0x80: {  	_ =	shalt  }
0x81: {  	_ =	shalt  }
0x82: {  	_ =	shalt  }
0x83: {  	_ =	shalt  }
0x84: {  	_ =	shalt  }
0x85: {  	_ =	shalt  }
0x86: {  	_ =	shalt  }
0x87: {  	_ =	shalt  }
.Lfunc_end0:
.L_simem_size_0:
called_computation.3_lowered:
.L_overlay_start_0:
0x88: {  	s2 =	sld [smem:$0x3FD9]  }
0x89: {  	s3 =	sld [smem:$0x3FFE];
	_ =	sdelay $0x1  }
0x8a: {  	s1 =	srdreg.scid  }
0x8b: {  	s0 =	sand.u32 $0x1, s1  }
0x8c: {  	s16 =	sshll.u32 s0, $0xA;
	s2 =	sadd.s32 s3, s2  }
0x8d: {  	s2 =	sadd.s32 s2, s16  }
0x8e: {  	[smem:$0x3FB9] =	sst s2  }
0x8f: {  	_ = 	snop  }
0x90: {  	(tm) =	ssettm $0x1  }
0x91: {  	s17 =	sld [smem:$0x3FFB];
	_ =	sdelay $0x3  }
0x92: {  	_ =	strace s17  }
0x93: {  	s2 =	sld [smem:$0x3FFC];
	_ =	sdelay $0x3  }
0x94: {  	_ =	strace s2  }
0x95: {  	s2 =	sld [smem:$0x3FFD];
	_ =	sdelay $0x3  }
0x96: {  	_ =	strace s2  }
0x97: {  	_ =	strace $0x8FFFFFFF  }
0x98: {  	s18 =	sld [smem:$0x3FDB];
	_ =	sdelay $0x1  }
0x99: {  	s19 =	simm.s32 $_scs_section_size  }
0x9a: {  	s4 =	simm.s32 $_size__tile_overlayer_lowered;
	s5 =	simm.s32 $_tile_overlayer_lowered  }
0x9b: {  	s22 =	simm.s32 $0x1BFF;
	s21 =	sshll.u32 s5, $0x1;
	s2 =	sadd.s32 s19, s18  }
0x9c: {  	s6 =	simm.s32 $0x0;
	s20 =	sshll.u32 s4, $0x1;
	s4 =	sadd.s32 s21, s2  }
0x9d: {  	[timem:s6], [sflag:s22] =	dma.local [hbm:s4], s20  }
0x9e: {  	_ =	swait.ge [sflag:s22], s20  }
0x9f: {  	s3 =	ssub.s32 $0x0, s20;
	[sflag:s22] =	ssyncset.done $0x0  }
0xa0: {  	[sflag:s22] =	ssyncadd.s32 s3;
	_ =	sdelay $0x1  }
0xa1: {  	s23 =	simm.s32 $0x1B8B  }
0xa2: {  	_ =	swait.ge [sflag:s23], $0x1  }
0xa3: {  	[sflag:s23] =	ssyncset.done $0x0  }
0xa4: {  	s25 =	simm.s32 $0x1B8E;
	s24 =	sld [smem:$0x3FFE];
	[sflag:s23] =	ssyncadd.s32 $0xFFFFFFFF  }
0xa5: {  	s26 =	simm.s32 $execute0_lowered;
	[smem:$0x3FD2] =	sst s25  }
0xa6: {  	s4 =	sshll.u32 s26, $0x1;
	_ =	strace $0x8000004F;
	[dreg:$0x1] =	wrdreg $0xFFFFFFFF  }
0xa7: {  	s28 =	simm.s32 $_size_execute0_lowered;
	s2 =	sadd.s32 s2, s4;
	[dreg:$0x0] =	wrdreg $0x0  }
0xa8: {  	s4 =	sshll.u32 s28, $0x1;
	[dreg:$0x2] =	wrdreg s2  }
0xa9: {  	[dreg:$0x3] =	wrdreg s4  }
0xaa: {  	[dreg:$0x4] =	wrdreg $0xC0  }
0xab: {  	_ =	task [dreg:s6], $0x5FFFF  }
0xac: {  	[dreg:$0x1] =	wrdreg $0xFFFFFFFF  }
0xad: {  	[dreg:$0x0] =	wrdreg $0x60  }
0xae: {  	[dreg:$0x2] =	wrdreg s24  }
0xaf: {  	[dreg:$0x3] =	wrdreg $0x9  }
0xb0: {  	_ =	task.clear_ibuf [dreg:s6], $0x4FFFF;
	_ =	strace $0x9000004F  }
0xb1: {  	s29 =	simm.s32 $0x9;
	_ =	strace $0x80000051  }
0xb2: {  	_ =	swait.ge [sflag:s29], $0x1  }
0xb3: {  	[sflag:s29] =	ssyncadd.s32 $0xFFFFFFFF  }
0xb4: {  	_ =	strace $0x90000051  }
0xb5: {  	_ =	sfence  }
0xb6: {  	s30 =	sld [smem:$0x0];
	_ =	sdelay $0x2  }
0xb7: {  	s31 =	sshll.u32 s1, $0xD;
	s1 =	sshrl.u32 s1, $0x2  }
0xb8: {  	s3 =	sand.u32 $0x4000, s31;
	s1 =	sadd.s32 s1, s30  }
0xb9: {  	s0 =	sor.u32 s3, s0;
	s1 =	sshll.u32 s1, $0x11  }
0xba: {  	s0 =	sor.u32 s1, s0  }
0xbb: {  	s0 =	sadd.s32 $0x8F2B, s0  }
0xbc: {  	[sflag:s0] =	ssyncadd.remote.s32 $0x1  }
0xbd: {  	_ =	sfence.sel $0xFFFF  }
0xbe: {  	[dreg:$0x0] =	wrdreg $0xFFFFFFFF;
	(pc) =	sbr.abs _section_cstart, $3  }
0xbf: {  	[dreg:$0x1] =	wrdreg $0xFFFFFFFF  }
0xc0: {  	_ =	task.clear_ibuf [dreg:s6], $0x2FFFF;
	_ =	strace $0x9FFFFFFF  }
0xc1: {  	(tm) =	ssettm $0x7FFFFFFF  }
tec
execute0_lowered:
.L_overlay_start_1:
0x0: {  	(tag) =	ssettag $0x1  }
0x1: {  	s4 =	rddreg [dreg:$0x0]  }
0x2: {  	s0 =	rddreg [dreg:$0x1]  }
0x3: {  	s3 =	srdreg.scid;
	s1 =	stileid.u32;
	s2 =	simm.s32 $0x0  }
0x4: {  	s11 =	simm.s32 $0x4000;
	s12 =	simm.s32 $0x6800;
	s13 =	simm.s32 $0x1  }
0x5: {  	s14 =	simm.s32 $0x2;
	s15 =	simm.s32 $0x3F80;
	s16 =	simm.s32 $0x0  }
0x6: {  	s6 =	sand.u32 $0x1, s3;
	s25 =	sshll.u32 s1, $0x1;
	[smem:$0x7FF] =	sst s2  }
0x7: {  	s3 =	sadd.s32 $0x81E00, s4;
	s9 =	sadd.s32 $0xD1E00, s4;
	s29 =	smul.u32 $0x50000, s1  }
0x8: {  	s5 =	sor.u32 s6, s25;
	_ =	strace $0x80000050;
	s8 =	ssub.s32 $0x2, s6  }
0x9: {  	s31 =	smul.u32 $0x28000, s6;
	s7 =	sshll.u32 s5, $0xB;
	s26 =	sshrl.u32 s8, $0x1  }
0xa: {  	s10 =	smul.u32 $0x28000, s5;
	s7 =	sadd.s32 s7, s4;
	s28 =	ssub.s32 s8, s26  }
0xb: {  	s8 =	sadd.s32 s29, s9;
	s4 =	sadd.s32 $0xC1E00, s7;
	s5 =	smax.u32 s28, $0x1  }
0xc: {  	s30 =	sadd.s32 s9, s10;
	s8 =	sadd.s32 s31, s8;
	s9 =	simm.s32 $0x3  }
0xd: {  	s10 =	simm.s32 $0x50;
	s6 =	sadd.s32 $0x27600, s30;
	s7 =	sadd.s32 $0x27B00, s30  }
.LBB2_1:
0xe: {  	[tilespmem:s2], [sflag:$0x3] =	stream.linear.gather [hbm4b:s4+s2], $0x4000, $0x38;
	[tilespmem:$0x9000] =	vst v63  }
0xf: {  	_ =	swait.ge [sflag:s9], $0x4000  }
0x10: {  	[sflag:s9] =	ssyncset.done $0x0  }
0x11: {  	[sflag:s9] =	ssyncadd.s32 $0xFFFFC000  }
0x12: {  	[tilespmem:s11], [sflag:$0x1] =	stream.indirect.gather [hbm4b:s3+s10], $0x80, s2, s10, $0xb8;
	[tilespmem:$0x9000] =	vst v63  }
0x13: {  	s17 =	simm.s32 $0x80  }
0x14: {  	[tilespmem:s12], [sflag:$0x2] =	stream.indirect.gather [hbm4b:s3+s10], $0x80, s17, s10, $0xb8;
	[tilespmem:$0x9000] =	vst v63  }
0x15: {  	_ =	swait.ge [sflag:s13], $0x2800  }
0x16: {  	[sflag:s13] =	ssyncset.done $0x0  }
0x17: {  	s18 =	sadd.s32 $0x0, s8;
	[sflag:s13] =	ssyncadd.s32 $0xFFFFD800  }
0x18: {  	[hbm4b:s18+s2] =	stream.linear.scatter [tilespmem:s11], [sflag:$0x3], $0x2800, $0x38;
	[tilespmem:$0x9000] =	vst v63  }
0x19: {  	_ =	swait.ge [sflag:s9], $0x2800  }
0x1a: {  	[sflag:s9] =	ssyncset.done $0x0  }
0x1b: {  	s19 =	simm.s32 $0x100;
	[sflag:s9] =	ssyncadd.s32 $0xFFFFD800  }
0x1c: {  	[tilespmem:s11], [sflag:$0x1] =	stream.indirect.gather [hbm4b:s3+s10], $0x80, s19, s10, $0xb8;
	[tilespmem:$0x9000] =	vst v63  }
0x1d: {  	_ =	swait.ge [sflag:s14], $0x2800  }
0x1e: {  	[sflag:s14] =	ssyncset.done $0x0  }
0x1f: {  	s18 =	sadd.s32 $0x500, s18;
	[sflag:s14] =	ssyncadd.s32 $0xFFFFD800  }
0x20: {  	[hbm4b:s18+s2] =	stream.linear.scatter [tilespmem:s12], [sflag:$0x3], $0x2800, $0x38;
	[tilespmem:$0x9000] =	vst v63  }
0x21: {  	_ =	swait.ge [sflag:s9], $0x2800  }
0x22: {  	s18 =	simm.s32 $0xA00;
	[sflag:s9] =	ssyncset.done $0x0  }
.LBB2_2:
0x23: {  	p0 =	sne.s32 s18, $0x26C00;
	[sflag:s9] =	ssyncadd.s32 $0xFFFFD800;
	s17 =	sadd.s32 $0x100, s17  }
0x24: {  	[tilespmem:s12], [sflag:$0x2] =	stream.indirect.gather [hbm4b:s3+s10], $0x80, s17, s10, $0xb8;
	[tilespmem:$0x9000] =	vst v63  }
0x25: {  	s19 =	smov.u32 s18;
	s18 =	sadd.s32 $0xA00, s18;
	_ =	swait.ge [sflag:s13], $0x2800  }
0x26: {  	[sflag:s13] =	ssyncset.done $0x0  }
0x27: {  	s19 =	sadd.s32 s19, s8;
	[sflag:s13] =	ssyncadd.s32 $0xFFFFD800  }
0x28: {  	[hbm4b:s19+s2] =	stream.linear.scatter [tilespmem:s11], [sflag:$0x3], $0x2800, $0x38;
	[tilespmem:$0x9000] =	vst v63  }
0x29: {  	_ =	swait.ge [sflag:s9], $0x2800  }
0x2a: {  	[sflag:s9] =	ssyncset.done $0x0  }
0x2b: {  	s20 =	sadd.s32 $0x80, s17;
	[sflag:s9] =	ssyncadd.s32 $0xFFFFD800  }
0x2c: {  	[tilespmem:s11], [sflag:$0x1] =	stream.indirect.gather [hbm4b:s3+s10], $0x80, s20, s10, $0xb8;
	[tilespmem:$0x9000] =	vst v63  }
0x2d: {  	_ =	swait.ge [sflag:s14], $0x2800  }
.Ltmp0:
0x2e: {  	[sflag:s14] =	ssyncset.done $0x0;
	(pc) =	sbr.rel @p0 .LBB2_2-.Ltmp0, $4  }
0x2f: {  	s19 =	sadd.s32 $0x500, s19;
	[sflag:s14] =	ssyncadd.s32 $0xFFFFD800  }
0x30: {  	[hbm4b:s19+s2] =	stream.linear.scatter [tilespmem:s12], [sflag:$0x3], $0x2800, $0x38;
	[tilespmem:$0x9000] =	vst v63  }
0x31: {  	_ =	swait.ge [sflag:s9], $0x2800  }
0x32: {  	[sflag:s9] =	ssyncset.done $0x0  }
0x33: {  	[sflag:s9] =	ssyncadd.s32 $0xFFFFD800  }
0x34: {  	[tilespmem:s12], [sflag:$0x2] =	stream.indirect.gather [hbm4b:s3+s10], $0x80, s15, s10, $0xb8;
	[tilespmem:$0x9000] =	vst v63  }
0x35: {  	_ =	swait.ge [sflag:s13], $0x2800  }
0x36: {  	[sflag:s13] =	ssyncset.done $0x0  }
0x37: {  	[sflag:s13] =	ssyncadd.s32 $0xFFFFD800  }
0x38: {  	[hbm4b:s6+s2] =	stream.linear.scatter [tilespmem:s11], [sflag:$0x3], $0x2800, $0x38;
	[tilespmem:$0x9000] =	vst v63  }
0x39: {  	_ =	swait.ge [sflag:s9], $0x2800  }
0x3a: {  	[sflag:s9] =	ssyncset.done $0x0  }
0x3b: {  	[sflag:s9] =	ssyncadd.s32 $0xFFFFD800  }
0x3c: {  	s16 =	sadd.s32 $0x1, s16;
	_ =	swait.ge [sflag:s14], $0x2800  }
0x3d: {  	p0 =	sne.s32 s16, s5;
	[sflag:s14] =	ssyncset.done $0x0  }
.Ltmp1:
0x3e: {  	[sflag:s14] =	ssyncadd.s32 $0xFFFFD800;
	(pc) =	sbr.rel @p0 .LBB2_1-.Ltmp1, $4  }
0x3f: {  	[hbm4b:s7+s2] =	stream.linear.scatter [tilespmem:s12], [sflag:$0x3], $0x2800, $0x38;
	[tilespmem:$0x9000] =	vst v63  }
0x40: {  	_ =	swait.ge [sflag:s9], $0x2800  }
0x41: {  	[sflag:s9] =	ssyncset.done $0x0  }
0x42: {  	[sflag:s9] =	ssyncadd.s32 $0xFFFFD800  }
0x43: {  	_ =	sfence.sel $0x180000  }
0x44: {  	[bflag:$0x0] =	sbarrier.arrive $0xFFFF  }
0x45: {  	p0 =	sne.s32 s1, $0x0;
	_ =	strace $0x90000050  }
0x46: {  	s0 =	sadd.s32 @!p0 $0x100000, s0;
	[bflag:$0x2] =	sbarrier.arrive $0xFFFF  }
0x47: {  	[sflag:s0] =	ssyncadd.tile.s32 @!p0 $0x1;
	_ =	shalt  }
.Lfunc_end2:
_tile_overlayer_lowered:
.L_overlay_start_2:
0x48: {  	(tag) =	ssettag $0x2  }
0x49: {  	s0 =	rddreg [dreg:$0x0];
	s2 =	stileid.u32  }
0x4a: {  	s1 =	rddreg [dreg:$0x1];
	p0 =	sne.s32 s2, $0x0  }
0x4b: {  	s3 =	rddreg [dreg:$0x2];
	[bflag:$0x3] =	sbarrier.arrive $0xFFFF;
	s2 =	simm.s32 @!p0 $0x1C03  }
0x4c: {  	[timem:s3], [sflag:s2] =	dma.local @!p0 [hbm:s0], s1  }
0x4d: {  	s0 =	simm.s32 @!p0 $0x3  }
0x4e: {  	_ =	swait.ge @!p0 [sflag:s0], s1  }
0x4f: {  	s1 =	ssub.s32 @!p0 $0x0, s1;
	[sflag:s0] =	ssyncset.done @!p0 $0x0  }
0x50: {  	[sflag:s0] =	ssyncadd.s32 @!p0 s1  }
0x51: {  	[bflag:$0x3] =	sbarrier.arrive $0xFFFF  }
0x52: {  	_ =	shalt  }

</sc_bundles>
